<compile_context>
chip_gen: v7x
topology: tpu7x:2x2x1
jax: 0.10.2.dev20260603
libtpu: 0.0.44.dev20260713+nightly
codegen_flags: <defaults>
</compile_context>

<pallas_src>
import functools

import jax
import jax.numpy as jnp
from jax import lax
from jax.experimental import pallas as pl
from jax.experimental.pallas import tpu as pltpu
from jax.experimental.pallas import tpu_sc as plsc

_NUM_CORES = 1
_NUM_SUBCORES = 16
_LANES = 16
_NW = _NUM_CORES * _NUM_SUBCORES

_BATCH = 16384
_ROW = 128
_ROWS = _BATCH // _ROW
_ROWS_PER_W = _ROWS // _NW


def _sc_gather_sigmoid(ig, idx2d):
    mesh = plsc.VectorSubcoreMesh(
        core_axis_name="c", subcore_axis_name="s", num_cores=_NUM_CORES
    )

    @functools.partial(
        pl.kernel,
        mesh=mesh,
        out_type=jax.ShapeDtypeStruct((_ROWS, _ROW), jnp.float32),
        scratch_types=[
            pltpu.VMEM((_ROWS_PER_W, _ROW), jnp.int32),
            pltpu.VMEM((_ROWS_PER_W, _ROW), jnp.float32),
        ]
        + [pltpu.SemaphoreType.DMA] * (_ROWS_PER_W + 2),
    )
    def body(table_hbm, idx_hbm, out_hbm, idx_v, vals_v, *sems):
        wid = lax.axis_index("s") * _NUM_CORES + lax.axis_index("c")
        base = wid * _ROWS_PER_W
        half = _ROWS_PER_W // 2
        idx_copies = [
            pltpu.async_copy(
                idx_hbm.at[pl.ds(base + h * half, half)],
                idx_v.at[pl.ds(h * half, half)],
                sems[_ROWS_PER_W + h],
            )
            for h in range(2)
        ]
        copies = []
        for h in range(2):
            idx_copies[h].wait()
            for j in range(h * half, (h + 1) * half):
                copies.append(
                    pltpu.async_copy(table_hbm.at[idx_v.at[j]], vals_v.at[j], sems[j])
                )
        out_copies = []
        n_sl = _ROW // _LANES
        for j in range(_ROWS_PER_W):
            copies[j].wait()
            row = vals_v.at[j]
            vs = [row[pl.ds(k * _LANES, _LANES)] for k in range(n_sl)]
            ys = [1.0 / (1.0 + jnp.exp(-v)) for v in vs]
            for k in range(n_sl):
                row[pl.ds(k * _LANES, _LANES)] = ys[k]
            out_copies.append(pltpu.async_copy(row, out_hbm.at[base + j], sems[j]))
        for c in out_copies:
            c.wait()

    return body(ig, idx2d)


def kernel(indices, ig):
    idx2d = indices.reshape(_ROWS, _ROW)
    out = _sc_gather_sigmoid(ig, idx2d)
    return out.reshape(_BATCH)

# --- scband reference (transcript-rebuilt; emitter-appended) ---
"""Pipeline reference for scband-immunogenicity-10960756539946 (READ-ONLY COPY).

The authoritative reference and input builder live on the scoring server;
editing this copy changes nothing except your own understanding.
"""

import jax, jax.numpy as jnp
import numpy as np

VOCAB = 1000000
BATCH = 16384

def setup_inputs(seed: int = 0) -> dict:
    key = jax.random.key(seed)
    k1, k2 = jax.random.split(key)
    # current_genes, pre-mapped to integer indices via gene_to_index
    indices = jax.random.randint(k1, (BATCH,), 0, VOCAB, dtype=jnp.int64 if jax.config.jax_enable_x64 else jnp.int32)
    indices = indices.astype(jnp.int32)
    # learned parameter: per-gene immunogenicity logit, initialized to -1.0 as in the torch module
    ig = jnp.full((VOCAB,), -1.0, dtype=jnp.float32)
    return {"indices": indices, "ig": ig}

def reference(indices, ig):
    # torch: ig = torch.sigmoid(self.ig[indices])
    gathered = jnp.take(ig, indices, axis=0)
    return jax.nn.sigmoid(gathered)

if __name__ == "__main__":
    import jax
    _d = setup_inputs()
    print(jax.jit(kernel)(*tuple(_d.values())))

</pallas_src>

<mosaic_0001>
#map = affine_map<(d0, d1) -> (0)>
#map1 = affine_map<(d0, d1) -> (0, 0)>
module attributes {stable_mosaic.version = 14 : i64} {
  func.func @body(%arg0: i32, %arg1: i32, %arg2: memref<1000000xf32, #tpu.memory_space<hbm>>, %arg3: memref<128x128xi32, #tpu.memory_space<hbm>>, %arg4: memref<128x128xf32, #tpu.memory_space<hbm>>, %arg5: memref<8x128xi32, #tpu.memory_space<vmem>>, %arg6: memref<8x128xf32, #tpu.memory_space<vmem>>, %arg7: memref<!tpu.dma_semaphore, #tpu.memory_space<semaphore_mem>>, %arg8: memref<!tpu.dma_semaphore, #tpu.memory_space<semaphore_mem>>, %arg9: memref<!tpu.dma_semaphore, #tpu.memory_space<semaphore_mem>>, %arg10: memref<!tpu.dma_semaphore, #tpu.memory_space<semaphore_mem>>, %arg11: memref<!tpu.dma_semaphore, #tpu.memory_space<semaphore_mem>>, %arg12: memref<!tpu.dma_semaphore, #tpu.memory_space<semaphore_mem>>, %arg13: memref<!tpu.dma_semaphore, #tpu.memory_space<semaphore_mem>>, %arg14: memref<!tpu.dma_semaphore, #tpu.memory_space<semaphore_mem>>, %arg15: memref<!tpu.dma_semaphore, #tpu.memory_space<semaphore_mem>>, %arg16: memref<!tpu.dma_semaphore, #tpu.memory_space<semaphore_mem>>) attributes {dimension_semantics = [#tpu.dimension_semantics<core_parallel>, #tpu.dimension_semantics<subcore_parallel>], iteration_bounds = array<i64: 1, 16>, scalar_prefetch = 0 : i64, scratch_operands = 12 : i64, tpu.core_type = #tpu.core_type<sc_vector_subcore>, window_params = [{transform_indices = #map}, {transform_indices = #map1}, {transform_indices = #map1}]} {
    %mul3A = arith.constant 1 : i32
    %mul3A_0 = arith.muli %arg1, %mul3A : i32
    %add3A = arith.addi %mul3A_0, %arg0 : i32
    %mul3A_1 = arith.constant 8 : i32
    %mul3A_2 = arith.muli %add3A, %mul3A_1 : i32
    %add3A_3 = arith.constant 0 : i32
    %add3A_4 = arith.addi %mul3A_2, %add3A_3 : i32
    %dma_start3A = arith.constant 0 : i32
    %dma_start3A_5 = arith.constant 0 : i32
    %dma_start3A_6 = tpu.memref_slice %arg5[%dma_start3A, %dma_start3A_5] : memref<8x128xi32, #tpu.memory_space<vmem>> -> memref<4x128xi32, #tpu.memory_space<vmem>>
    %dma_start3A_7 = arith.constant 0 : i32
    %dma_start3A_8 = tpu.memref_slice %arg3[%add3A_4, %dma_start3A_7] : memref<128x128xi32, #tpu.memory_space<hbm>> -> memref<4x128xi32, #tpu.memory_space<hbm>>
    %dma_start3A_9 = arith.constant 0 : i32
    %dma_start3A_10 = arith.constant 0 : i32
    %dma_start3A_11 = tpu.memref_slice %arg5[%dma_start3A_9, %dma_start3A_10] : memref<8x128xi32, #tpu.memory_space<vmem>> -> memref<4x128xi32, #tpu.memory_space<vmem>>
    %dma_start3A_12 = arith.constant 0 : i32
    %dma_start3A_13 = tpu.memref_slice %arg3[%add3A_4, %dma_start3A_12] : memref<128x128xi32, #tpu.memory_space<hbm>> -> memref<4x128xi32, #tpu.memory_space<hbm>>
    tpu.enqueue_dma source(%dma_start3A_13 : memref<4x128xi32, #tpu.memory_space<hbm>>) target(%dma_start3A_11 : memref<4x128xi32, #tpu.memory_space<vmem>>) target_semaphore(%arg15 : memref<!tpu.dma_semaphore, #tpu.memory_space<semaphore_mem>>)
    %add3A_14 = arith.constant 4 : i32
    %add3A_15 = arith.addi %mul3A_2, %add3A_14 : i32
    %dma_start3A_16 = arith.constant 4 : i32
    %dma_start3A_17 = arith.constant 0 : i32
    %dma_start3A_18 = tpu.memref_slice %arg5[%dma_start3A_16, %dma_start3A_17] : memref<8x128xi32, #tpu.memory_space<vmem>> -> memref<4x128xi32, #tpu.memory_space<vmem>>
    %dma_start3A_19 = arith.constant 0 : i32
    %dma_start3A_20 = tpu.memref_slice %arg3[%add3A_15, %dma_start3A_19] : memref<128x128xi32, #tpu.memory_space<hbm>> -> memref<4x128xi32, #tpu.memory_space<hbm>>
    %dma_start3A_21 = arith.constant 4 : i32
    %dma_start3A_22 = arith.constant 0 : i32
    %dma_start3A_23 = tpu.memref_slice %arg5[%dma_start3A_21, %dma_start3A_22] : memref<8x128xi32, #tpu.memory_space<vmem>> -> memref<4x128xi32, #tpu.memory_space<vmem>>
    %dma_start3A_24 = arith.constant 0 : i32
    %dma_start3A_25 = tpu.memref_slice %arg3[%add3A_15, %dma_start3A_24] : memref<128x128xi32, #tpu.memory_space<hbm>> -> memref<4x128xi32, #tpu.memory_space<hbm>>
    tpu.enqueue_dma source(%dma_start3A_25 : memref<4x128xi32, #tpu.memory_space<hbm>>) target(%dma_start3A_23 : memref<4x128xi32, #tpu.memory_space<vmem>>) target_semaphore(%arg16 : memref<!tpu.dma_semaphore, #tpu.memory_space<semaphore_mem>>)
    %dma_wait3A = arith.constant 0 : i32
    %dma_wait3A_26 = arith.constant 0 : i32
    %dma_wait3A_27 = tpu.memref_slice %arg5[%dma_wait3A, %dma_wait3A_26] : memref<8x128xi32, #tpu.memory_space<vmem>> -> memref<4x128xi32, #tpu.memory_space<vmem>>
    %dma_wait3A_28 = arith.constant 0 : i32
    %dma_wait3A_29 = tpu.memref_slice %arg3[%add3A_4, %dma_wait3A_28] : memref<128x128xi32, #tpu.memory_space<hbm>> -> memref<4x128xi32, #tpu.memory_space<hbm>>
    %dma_wait3A_30 = arith.constant 0 : i32
    %dma_wait3A_31 = arith.constant 0 : i32
    %dma_wait3A_32 = tpu.memref_slice %arg5[%dma_wait3A_30, %dma_wait3A_31] : memref<8x128xi32, #tpu.memory_space<vmem>> -> memref<4x128xi32, #tpu.memory_space<vmem>>
    %dma_wait3A_33 = arith.constant 0 : i32
    %dma_wait3A_34 = tpu.memref_slice %arg3[%add3A_4, %dma_wait3A_33] : memref<128x128xi32, #tpu.memory_space<hbm>> -> memref<4x128xi32, #tpu.memory_space<hbm>>
    tpu.wait_dma2 semaphore(%arg15 : memref<!tpu.dma_semaphore, #tpu.memory_space<semaphore_mem>>) src(%dma_wait3A_34 : memref<4x128xi32, #tpu.memory_space<hbm>>) dst(%dma_wait3A_32 : memref<4x128xi32, #tpu.memory_space<vmem>>)
    %dma_start3A_35 = arith.constant 0 : i32
    %dma_start3A_36 = arith.constant 0 : i32
    %dma_start3A_37 = arith.constant 0 : i32
    %dma_start3A_38 = tpu.memref_slice %arg6[%dma_start3A_36, %dma_start3A_37] : memref<8x128xf32, #tpu.memory_space<vmem>> -> memref<1x128xf32, #tpu.memory_space<vmem>>
    %dma_start3A_39 = tpu.memref_squeeze %dma_start3A_38 : memref<1x128xf32, #tpu.memory_space<vmem>> -> memref<128xf32, #tpu.memory_space<vmem>>
    %dma_start3A_40 = arith.constant 0 : i32
    %dma_start3A_41 = tpu.memref_slice %arg5[%dma_start3A_35, %dma_start3A_40] : memref<8x128xi32, #tpu.memory_space<vmem>> -> memref<1x128xi32, #tpu.memory_space<vmem>>
    %dma_start3A_42 = tpu.memref_squeeze %dma_start3A_41 : memref<1x128xi32, #tpu.memory_space<vmem>> -> memref<128xi32, #tpu.memory_space<vmem>>
    %dma_start3A_43 = arith.constant 0 : i32
    %dma_start3A_44 = tpu.memref_slice %arg2[%dma_start3A_43] : memref<1000000xf32, #tpu.memory_space<hbm>> -> memref<1000000xf32, #tpu.memory_space<hbm>>
    tpu.enqueue_indirect_dma source(%dma_start3A_44 : memref<1000000xf32, #tpu.memory_space<hbm>>) target(%dma_start3A_39 : memref<128xf32, #tpu.memory_space<vmem>>) offsets(%dma_start3A_42 : memref<128xi32, #tpu.memory_space<vmem>>) semaphore(%arg7 : memref<!tpu.dma_semaphore, #tpu.memory_space<semaphore_mem>>)
    %dma_start3A_45 = arith.constant 1 : i32
    %dma_start3A_46 = arith.constant 1 : i32
    %dma_start3A_47 = arith.constant 0 : i32
    %dma_start3A_48 = tpu.memref_slice %arg6[%dma_start3A_46, %dma_start3A_47] : memref<8x128xf32, #tpu.memory_space<vmem>> -> memref<1x128xf32, #tpu.memory_space<vmem>>
    %dma_start3A_49 = tpu.memref_squeeze %dma_start3A_48 : memref<1x128xf32, #tpu.memory_space<vmem>> -> memref<128xf32, #tpu.memory_space<vmem>>
    %dma_start3A_50 = arith.constant 0 : i32
    %dma_start3A_51 = tpu.memref_slice %arg5[%dma_start3A_45, %dma_start3A_50] : memref<8x128xi32, #tpu.memory_space<vmem>> -> memref<1x128xi32, #tpu.memory_space<vmem>>
    %dma_start3A_52 = tpu.memref_squeeze %dma_start3A_51 : memref<1x128xi32, #tpu.memory_space<vmem>> -> memref<128xi32, #tpu.memory_space<vmem>>
    %dma_start3A_53 = arith.constant 0 : i32
    %dma_start3A_54 = tpu.memref_slice %arg2[%dma_start3A_53] : memref<1000000xf32, #tpu.memory_space<hbm>> -> memref<1000000xf32, #tpu.memory_space<hbm>>
    tpu.enqueue_indirect_dma source(%dma_start3A_54 : memref<1000000xf32, #tpu.memory_space<hbm>>) target(%dma_start3A_49 : memref<128xf32, #tpu.memory_space<vmem>>) offsets(%dma_start3A_52 : memref<128xi32, #tpu.memory_space<vmem>>) semaphore(%arg8 : memref<!tpu.dma_semaphore, #tpu.memory_space<semaphore_mem>>)
    %dma_start3A_55 = arith.constant 2 : i32
    %dma_start3A_56 = arith.constant 2 : i32
    %dma_start3A_57 = arith.constant 0 : i32
    %dma_start3A_58 = tpu.memref_slice %arg6[%dma_start3A_56, %dma_start3A_57] : memref<8x128xf32, #tpu.memory_space<vmem>> -> memref<1x128xf32, #tpu.memory_space<vmem>>
    %dma_start3A_59 = tpu.memref_squeeze %dma_start3A_58 : memref<1x128xf32, #tpu.memory_space<vmem>> -> memref<128xf32, #tpu.memory_space<vmem>>
    %dma_start3A_60 = arith.constant 0 : i32
    %dma_start3A_61 = tpu.memref_slice %arg5[%dma_start3A_55, %dma_start3A_60] : memref<8x128xi32, #tpu.memory_space<vmem>> -> memref<1x128xi32, #tpu.memory_space<vmem>>
    %dma_start3A_62 = tpu.memref_squeeze %dma_start3A_61 : memref<1x128xi32, #tpu.memory_space<vmem>> -> memref<128xi32, #tpu.memory_space<vmem>>
    %dma_start3A_63 = arith.constant 0 : i32
    %dma_start3A_64 = tpu.memref_slice %arg2[%dma_start3A_63] : memref<1000000xf32, #tpu.memory_space<hbm>> -> memref<1000000xf32, #tpu.memory_space<hbm>>
    tpu.enqueue_indirect_dma source(%dma_start3A_64 : memref<1000000xf32, #tpu.memory_space<hbm>>) target(%dma_start3A_59 : memref<128xf32, #tpu.memory_space<vmem>>) offsets(%dma_start3A_62 : memref<128xi32, #tpu.memory_space<vmem>>) semaphore(%arg9 : memref<!tpu.dma_semaphore, #tpu.memory_space<semaphore_mem>>)
    %dma_start3A_65 = arith.constant 3 : i32
    %dma_start3A_66 = arith.constant 3 : i32
    %dma_start3A_67 = arith.constant 0 : i32
    %dma_start3A_68 = tpu.memref_slice %arg6[%dma_start3A_66, %dma_start3A_67] : memref<8x128xf32, #tpu.memory_space<vmem>> -> memref<1x128xf32, #tpu.memory_space<vmem>>
    %dma_start3A_69 = tpu.memref_squeeze %dma_start3A_68 : memref<1x128xf32, #tpu.memory_space<vmem>> -> memref<128xf32, #tpu.memory_space<vmem>>
    %dma_start3A_70 = arith.constant 0 : i32
    %dma_start3A_71 = tpu.memref_slice %arg5[%dma_start3A_65, %dma_start3A_70] : memref<8x128xi32, #tpu.memory_space<vmem>> -> memref<1x128xi32, #tpu.memory_space<vmem>>
    %dma_start3A_72 = tpu.memref_squeeze %dma_start3A_71 : memref<1x128xi32, #tpu.memory_space<vmem>> -> memref<128xi32, #tpu.memory_space<vmem>>
    %dma_start3A_73 = arith.constant 0 : i32
    %dma_start3A_74 = tpu.memref_slice %arg2[%dma_start3A_73] : memref<1000000xf32, #tpu.memory_space<hbm>> -> memref<1000000xf32, #tpu.memory_space<hbm>>
    tpu.enqueue_indirect_dma source(%dma_start3A_74 : memref<1000000xf32, #tpu.memory_space<hbm>>) target(%dma_start3A_69 : memref<128xf32, #tpu.memory_space<vmem>>) offsets(%dma_start3A_72 : memref<128xi32, #tpu.memory_space<vmem>>) semaphore(%arg10 : memref<!tpu.dma_semaphore, #tpu.memory_space<semaphore_mem>>)
    %dma_wait3A_75 = arith.constant 4 : i32
    %dma_wait3A_76 = arith.constant 0 : i32
    %dma_wait3A_77 = tpu.memref_slice %arg5[%dma_wait3A_75, %dma_wait3A_76] : memref<8x128xi32, #tpu.memory_space<vmem>> -> memref<4x128xi32, #tpu.memory_space<vmem>>
    %dma_wait3A_78 = arith.constant 0 : i32
    %dma_wait3A_79 = tpu.memref_slice %arg3[%add3A_15, %dma_wait3A_78] : memref<128x128xi32, #tpu.memory_space<hbm>> -> memref<4x128xi32, #tpu.memory_space<hbm>>
    %dma_wait3A_80 = arith.constant 4 : i32
    %dma_wait3A_81 = arith.constant 0 : i32
    %dma_wait3A_82 = tpu.memref_slice %arg5[%dma_wait3A_80, %dma_wait3A_81] : memref<8x128xi32, #tpu.memory_space<vmem>> -> memref<4x128xi32, #tpu.memory_space<vmem>>
    %dma_wait3A_83 = arith.constant 0 : i32
    %dma_wait3A_84 = tpu.memref_slice %arg3[%add3A_15, %dma_wait3A_83] : memref<128x128xi32, #tpu.memory_space<hbm>> -> memref<4x128xi32, #tpu.memory_space<hbm>>
    tpu.wait_dma2 semaphore(%arg16 : memref<!tpu.dma_semaphore, #tpu.memory_space<semaphore_mem>>) src(%dma_wait3A_84 : memref<4x128xi32, #tpu.memory_space<hbm>>) dst(%dma_wait3A_82 : memref<4x128xi32, #tpu.memory_space<vmem>>)
    %dma_start3A_85 = arith.constant 4 : i32
    %dma_start3A_86 = arith.constant 4 : i32
    %dma_start3A_87 = arith.constant 0 : i32
    %dma_start3A_88 = tpu.memref_slice %arg6[%dma_start3A_86, %dma_start3A_87] : memref<8x128xf32, #tpu.memory_space<vmem>> -> memref<1x128xf32, #tpu.memory_space<vmem>>
    %dma_start3A_89 = tpu.memref_squeeze %dma_start3A_88 : memref<1x128xf32, #tpu.memory_space<vmem>> -> memref<128xf32, #tpu.memory_space<vmem>>
    %dma_start3A_90 = arith.constant 0 : i32
    %dma_start3A_91 = tpu.memref_slice %arg5[%dma_start3A_85, %dma_start3A_90] : memref<8x128xi32, #tpu.memory_space<vmem>> -> memref<1x128xi32, #tpu.memory_space<vmem>>
    %dma_start3A_92 = tpu.memref_squeeze %dma_start3A_91 : memref<1x128xi32, #tpu.memory_space<vmem>> -> memref<128xi32, #tpu.memory_space<vmem>>
    %dma_start3A_93 = arith.constant 0 : i32
    %dma_start3A_94 = tpu.memref_slice %arg2[%dma_start3A_93] : memref<1000000xf32, #tpu.memory_space<hbm>> -> memref<1000000xf32, #tpu.memory_space<hbm>>
    tpu.enqueue_indirect_dma source(%dma_start3A_94 : memref<1000000xf32, #tpu.memory_space<hbm>>) target(%dma_start3A_89 : memref<128xf32, #tpu.memory_space<vmem>>) offsets(%dma_start3A_92 : memref<128xi32, #tpu.memory_space<vmem>>) semaphore(%arg11 : memref<!tpu.dma_semaphore, #tpu.memory_space<semaphore_mem>>)
    %dma_start3A_95 = arith.constant 5 : i32
    %dma_start3A_96 = arith.constant 5 : i32
    %dma_start3A_97 = arith.constant 0 : i32
    %dma_start3A_98 = tpu.memref_slice %arg6[%dma_start3A_96, %dma_start3A_97] : memref<8x128xf32, #tpu.memory_space<vmem>> -> memref<1x128xf32, #tpu.memory_space<vmem>>
    %dma_start3A_99 = tpu.memref_squeeze %dma_start3A_98 : memref<1x128xf32, #tpu.memory_space<vmem>> -> memref<128xf32, #tpu.memory_space<vmem>>
    %dma_start3A_100 = arith.constant 0 : i32
    %dma_start3A_101 = tpu.memref_slice %arg5[%dma_start3A_95, %dma_start3A_100] : memref<8x128xi32, #tpu.memory_space<vmem>> -> memref<1x128xi32, #tpu.memory_space<vmem>>
    %dma_start3A_102 = tpu.memref_squeeze %dma_start3A_101 : memref<1x128xi32, #tpu.memory_space<vmem>> -> memref<128xi32, #tpu.memory_space<vmem>>
    %dma_start3A_103 = arith.constant 0 : i32
    %dma_start3A_104 = tpu.memref_slice %arg2[%dma_start3A_103] : memref<1000000xf32, #tpu.memory_space<hbm>> -> memref<1000000xf32, #tpu.memory_space<hbm>>
    tpu.enqueue_indirect_dma source(%dma_start3A_104 : memref<1000000xf32, #tpu.memory_space<hbm>>) target(%dma_start3A_99 : memref<128xf32, #tpu.memory_space<vmem>>) offsets(%dma_start3A_102 : memref<128xi32, #tpu.memory_space<vmem>>) semaphore(%arg12 : memref<!tpu.dma_semaphore, #tpu.memory_space<semaphore_mem>>)
    %dma_start3A_105 = arith.constant 6 : i32
    %dma_start3A_106 = arith.constant 6 : i32
    %dma_start3A_107 = arith.constant 0 : i32
    %dma_start3A_108 = tpu.memref_slice %arg6[%dma_start3A_106, %dma_start3A_107] : memref<8x128xf32, #tpu.memory_space<vmem>> -> memref<1x128xf32, #tpu.memory_space<vmem>>
    %dma_start3A_109 = tpu.memref_squeeze %dma_start3A_108 : memref<1x128xf32, #tpu.memory_space<vmem>> -> memref<128xf32, #tpu.memory_space<vmem>>
    %dma_start3A_110 = arith.constant 0 : i32
    %dma_start3A_111 = tpu.memref_slice %arg5[%dma_start3A_105, %dma_start3A_110] : memref<8x128xi32, #tpu.memory_space<vmem>> -> memref<1x128xi32, #tpu.memory_space<vmem>>
    %dma_start3A_112 = tpu.memref_squeeze %dma_start3A_111 : memref<1x128xi32, #tpu.memory_space<vmem>> -> memref<128xi32, #tpu.memory_space<vmem>>
    %dma_start3A_113 = arith.constant 0 : i32
    %dma_start3A_114 = tpu.memref_slice %arg2[%dma_start3A_113] : memref<1000000xf32, #tpu.memory_space<hbm>> -> memref<1000000xf32, #tpu.memory_space<hbm>>
    tpu.enqueue_indirect_dma source(%dma_start3A_114 : memref<1000000xf32, #tpu.memory_space<hbm>>) target(%dma_start3A_109 : memref<128xf32, #tpu.memory_space<vmem>>) offsets(%dma_start3A_112 : memref<128xi32, #tpu.memory_space<vmem>>) semaphore(%arg13 : memref<!tpu.dma_semaphore, #tpu.memory_space<semaphore_mem>>)
    %dma_start3A_115 = arith.constant 7 : i32
    %dma_start3A_116 = arith.constant 7 : i32
    %dma_start3A_117 = arith.constant 0 : i32
    %dma_start3A_118 = tpu.memref_slice %arg6[%dma_start3A_116, %dma_start3A_117] : memref<8x128xf32, #tpu.memory_space<vmem>> -> memref<1x128xf32, #tpu.memory_space<vmem>>
    %dma_start3A_119 = tpu.memref_squeeze %dma_start3A_118 : memref<1x128xf32, #tpu.memory_space<vmem>> -> memref<128xf32, #tpu.memory_space<vmem>>
    %dma_start3A_120 = arith.constant 0 : i32
    %dma_start3A_121 = tpu.memref_slice %arg5[%dma_start3A_115, %dma_start3A_120] : memref<8x128xi32, #tpu.memory_space<vmem>> -> memref<1x128xi32, #tpu.memory_space<vmem>>
    %dma_start3A_122 = tpu.memref_squeeze %dma_start3A_121 : memref<1x128xi32, #tpu.memory_space<vmem>> -> memref<128xi32, #tpu.memory_space<vmem>>
    %dma_start3A_123 = arith.constant 0 : i32
    %dma_start3A_124 = tpu.memref_slice %arg2[%dma_start3A_123] : memref<1000000xf32, #tpu.memory_space<hbm>> -> memref<1000000xf32, #tpu.memory_space<hbm>>
    tpu.enqueue_indirect_dma source(%dma_start3A_124 : memref<1000000xf32, #tpu.memory_space<hbm>>) target(%dma_start3A_119 : memref<128xf32, #tpu.memory_space<vmem>>) offsets(%dma_start3A_122 : memref<128xi32, #tpu.memory_space<vmem>>) semaphore(%arg14 : memref<!tpu.dma_semaphore, #tpu.memory_space<semaphore_mem>>)
    %dma_wait3A_125 = arith.constant 0 : i32
    %dma_wait3A_126 = arith.constant 0 : i32
    %dma_wait3A_127 = arith.constant 0 : i32
    %dma_wait3A_128 = tpu.memref_slice %arg6[%dma_wait3A_126, %dma_wait3A_127] : memref<8x128xf32, #tpu.memory_space<vmem>> -> memref<1x128xf32, #tpu.memory_space<vmem>>
    %dma_wait3A_129 = tpu.memref_squeeze %dma_wait3A_128 : memref<1x128xf32, #tpu.memory_space<vmem>> -> memref<128xf32, #tpu.memory_space<vmem>>
    %dma_wait3A_130 = arith.constant 0 : i32
    %dma_wait3A_131 = tpu.memref_slice %arg5[%dma_wait3A_125, %dma_wait3A_130] : memref<8x128xi32, #tpu.memory_space<vmem>> -> memref<1x128xi32, #tpu.memory_space<vmem>>
    %dma_wait3A_132 = tpu.memref_squeeze %dma_wait3A_131 : memref<1x128xi32, #tpu.memory_space<vmem>> -> memref<128xi32, #tpu.memory_space<vmem>>
    %dma_wait3A_133 = arith.constant 0 : i32
    %dma_wait3A_134 = tpu.memref_slice %arg2[%dma_wait3A_133] : memref<1000000xf32, #tpu.memory_space<hbm>> -> memref<1000000xf32, #tpu.memory_space<hbm>>
    tpu.wait_indirect_dma semaphore(%arg7 : memref<!tpu.dma_semaphore, #tpu.memory_space<semaphore_mem>>) src(%dma_wait3A_134 : memref<1000000xf32, #tpu.memory_space<hbm>>) dst(%dma_wait3A_129 : memref<128xf32, #tpu.memory_space<vmem>>)
    %get3A = arith.constant 0 : i32
    %get3A_135 = arith.constant 0 : i32
    %get3A_136 = tpu.memref_slice %arg6[%get3A, %get3A_135] : memref<8x128xf32, #tpu.memory_space<vmem>> -> memref<1x128xf32, #tpu.memory_space<vmem>>
    %get3A_137 = tpu.memref_squeeze %get3A_136 : memref<1x128xf32, #tpu.memory_space<vmem>> -> memref<128xf32, #tpu.memory_space<vmem>>
    %get3A_138 = arith.constant 0 : index
    %get3A_139 = tpu.vector_load %get3A_137[%get3A_138] {strides = array<i32>} : memref<128xf32, #tpu.memory_space<vmem>>, vector<16xf32>,
    %get3A_140 = vector.shape_cast %get3A_139 : vector<16xf32> to vector<16xf32>
    %get3A_141 = arith.constant 0 : i32
    %get3A_142 = arith.constant 0 : i32
    %get3A_143 = tpu.memref_slice %arg6[%get3A_141, %get3A_142] : memref<8x128xf32, #tpu.memory_space<vmem>> -> memref<1x128xf32, #tpu.memory_space<vmem>>
    %get3A_144 = tpu.memref_squeeze %get3A_143 : memref<1x128xf32, #tpu.memory_space<vmem>> -> memref<128xf32, #tpu.memory_space<vmem>>
    %get3A_145 = arith.constant 16 : index
    %get3A_146 = tpu.vector_load %get3A_144[%get3A_145] {strides = array<i32>} : memref<128xf32, #tpu.memory_space<vmem>>, vector<16xf32>,
    %get3A_147 = vector.shape_cast %get3A_146 : vector<16xf32> to vector<16xf32>
    %get3A_148 = arith.constant 0 : i32
    %get3A_149 = arith.constant 0 : i32
    %get3A_150 = tpu.memref_slice %arg6[%get3A_148, %get3A_149] : memref<8x128xf32, #tpu.memory_space<vmem>> -> memref<1x128xf32, #tpu.memory_space<vmem>>
    %get3A_151 = tpu.memref_squeeze %get3A_150 : memref<1x128xf32, #tpu.memory_space<vmem>> -> memref<128xf32, #tpu.memory_space<vmem>>
    %get3A_152 = arith.constant 32 : index
    %get3A_153 = tpu.vector_load %get3A_151[%get3A_152] {strides = array<i32>} : memref<128xf32, #tpu.memory_space<vmem>>, vector<16xf32>,
    %get3A_154 = vector.shape_cast %get3A_153 : vector<16xf32> to vector<16xf32>
    %get3A_155 = arith.constant 0 : i32
    %get3A_156 = arith.constant 0 : i32
    %get3A_157 = tpu.memref_slice %arg6[%get3A_155, %get3A_156] : memref<8x128xf32, #tpu.memory_space<vmem>> -> memref<1x128xf32, #tpu.memory_space<vmem>>
    %get3A_158 = tpu.memref_squeeze %get3A_157 : memref<1x128xf32, #tpu.memory_space<vmem>> -> memref<128xf32, #tpu.memory_space<vmem>>
    %get3A_159 = arith.constant 48 : index
    %get3A_160 = tpu.vector_load %get3A_158[%get3A_159] {strides = array<i32>} : memref<128xf32, #tpu.memory_space<vmem>>, vector<16xf32>,
    %get3A_161 = vector.shape_cast %get3A_160 : vector<16xf32> to vector<16xf32>
    %get3A_162 = arith.constant 0 : i32
    %get3A_163 = arith.constant 0 : i32
    %get3A_164 = tpu.memref_slice %arg6[%get3A_162, %get3A_163] : memref<8x128xf32, #tpu.memory_space<vmem>> -> memref<1x128xf32, #tpu.memory_space<vmem>>
    %get3A_165 = tpu.memref_squeeze %get3A_164 : memref<1x128xf32, #tpu.memory_space<vmem>> -> memref<128xf32, #tpu.memory_space<vmem>>
    %get3A_166 = arith.constant 64 : index
    %get3A_167 = tpu.vector_load %get3A_165[%get3A_166] {strides = array<i32>} : memref<128xf32, #tpu.memory_space<vmem>>, vector<16xf32>,
    %get3A_168 = vector.shape_cast %get3A_167 : vector<16xf32> to vector<16xf32>
    %get3A_169 = arith.constant 0 : i32
    %get3A_170 = arith.constant 0 : i32
    %get3A_171 = tpu.memref_slice %arg6[%get3A_169, %get3A_170] : memref<8x128xf32, #tpu.memory_space<vmem>> -> memref<1x128xf32, #tpu.memory_space<vmem>>
    %get3A_172 = tpu.memref_squeeze %get3A_171 : memref<1x128xf32, #tpu.memory_space<vmem>> -> memref<128xf32, #tpu.memory_space<vmem>>
    %get3A_173 = arith.constant 80 : index
    %get3A_174 = tpu.vector_load %get3A_172[%get3A_173] {strides = array<i32>} : memref<128xf32, #tpu.memory_space<vmem>>, vector<16xf32>,
    %get3A_175 = vector.shape_cast %get3A_174 : vector<16xf32> to vector<16xf32>
    %get3A_176 = arith.constant 0 : i32
    %get3A_177 = arith.constant 0 : i32
    %get3A_178 = tpu.memref_slice %arg6[%get3A_176, %get3A_177] : memref<8x128xf32, #tpu.memory_space<vmem>> -> memref<1x128xf32, #tpu.memory_space<vmem>>
    %get3A_179 = tpu.memref_squeeze %get3A_178 : memref<1x128xf32, #tpu.memory_space<vmem>> -> memref<128xf32, #tpu.memory_space<vmem>>
    %get3A_180 = arith.constant 96 : index
    %get3A_181 = tpu.vector_load %get3A_179[%get3A_180] {strides = array<i32>} : memref<128xf32, #tpu.memory_space<vmem>>, vector<16xf32>,
    %get3A_182 = vector.shape_cast %get3A_181 : vector<16xf32> to vector<16xf32>
    %get3A_183 = arith.constant 0 : i32
    %get3A_184 = arith.constant 0 : i32
    %get3A_185 = tpu.memref_slice %arg6[%get3A_183, %get3A_184] : memref<8x128xf32, #tpu.memory_space<vmem>> -> memref<1x128xf32, #tpu.memory_space<vmem>>
    %get3A_186 = tpu.memref_squeeze %get3A_185 : memref<1x128xf32, #tpu.memory_space<vmem>> -> memref<128xf32, #tpu.memory_space<vmem>>
    %get3A_187 = arith.constant 112 : index
    %get3A_188 = tpu.vector_load %get3A_186[%get3A_187] {strides = array<i32>} : memref<128xf32, #tpu.memory_space<vmem>>, vector<16xf32>,
    %get3A_189 = vector.shape_cast %get3A_188 : vector<16xf32> to vector<16xf32>
    %neg3A = arith.constant 0.000000e+00 : f32
    %neg3A_190 = vector.broadcast %neg3A : f32 to vector<16xf32>
    %neg3A_191 = arith.subf %neg3A_190, %get3A_140 : vector<16xf32>
    %exp3A = math.exp %neg3A_191 : vector<16xf32>
    %add3A_192 = arith.constant 1.000000e+00 : f32
    %add3A_193 = vector.broadcast %add3A_192 : f32 to vector<16xf32>
    %add3A_194 = arith.addf %add3A_193, %exp3A : vector<16xf32>
    %div3A = arith.constant 1.000000e+00 : f32
    %div3A_195 = vector.broadcast %div3A : f32 to vector<16xf32>
    %div3A_196 = arith.divf %div3A_195, %add3A_194 : vector<16xf32>
    %neg3A_197 = arith.constant 0.000000e+00 : f32
    %neg3A_198 = vector.broadcast %neg3A_197 : f32 to vector<16xf32>
    %neg3A_199 = arith.subf %neg3A_198, %get3A_147 : vector<16xf32>
    %exp3A_200 = math.exp %neg3A_199 : vector<16xf32>
    %add3A_201 = arith.constant 1.000000e+00 : f32
    %add3A_202 = vector.broadcast %add3A_201 : f32 to vector<16xf32>
    %add3A_203 = arith.addf %add3A_202, %exp3A_200 : vector<16xf32>
    %div3A_204 = arith.constant 1.000000e+00 : f32
    %div3A_205 = vector.broadcast %div3A_204 : f32 to vector<16xf32>
    %div3A_206 = arith.divf %div3A_205, %add3A_203 : vector<16xf32>
    %neg3A_207 = arith.constant 0.000000e+00 : f32
    %neg3A_208 = vector.broadcast %neg3A_207 : f32 to vector<16xf32>
    %neg3A_209 = arith.subf %neg3A_208, %get3A_154 : vector<16xf32>
    %exp3A_210 = math.exp %neg3A_209 : vector<16xf32>
    %add3A_211 = arith.constant 1.000000e+00 : f32
    %add3A_212 = vector.broadcast %add3A_211 : f32 to vector<16xf32>
    %add3A_213 = arith.addf %add3A_212, %exp3A_210 : vector<16xf32>
    %div3A_214 = arith.constant 1.000000e+00 : f32
    %div3A_215 = vector.broadcast %div3A_214 : f32 to vector<16xf32>
    %div3A_216 = arith.divf %div3A_215, %add3A_213 : vector<16xf32>
    %neg3A_217 = arith.constant 0.000000e+00 : f32
    %neg3A_218 = vector.broadcast %neg3A_217 : f32 to vector<16xf32>
    %neg3A_219 = arith.subf %neg3A_218, %get3A_161 : vector<16xf32>
    %exp3A_220 = math.exp %neg3A_219 : vector<16xf32>
    %add3A_221 = arith.constant 1.000000e+00 : f32
    %add3A_222 = vector.broadcast %add3A_221 : f32 to vector<16xf32>
    %add3A_223 = arith.addf %add3A_222, %exp3A_220 : vector<16xf32>
    %div3A_224 = arith.constant 1.000000e+00 : f32
    %div3A_225 = vector.broadcast %div3A_224 : f32 to vector<16xf32>
    %div3A_226 = arith.divf %div3A_225, %add3A_223 : vector<16xf32>
    %neg3A_227 = arith.constant 0.000000e+00 : f32
    %neg3A_228 = vector.broadcast %neg3A_227 : f32 to vector<16xf32>
    %neg3A_229 = arith.subf %neg3A_228, %get3A_168 : vector<16xf32>
    %exp3A_230 = math.exp %neg3A_229 : vector<16xf32>
    %add3A_231 = arith.constant 1.000000e+00 : f32
    %add3A_232 = vector.broadcast %add3A_231 : f32 to vector<16xf32>
    %add3A_233 = arith.addf %add3A_232, %exp3A_230 : vector<16xf32>
    %div3A_234 = arith.constant 1.000000e+00 : f32
    %div3A_235 = vector.broadcast %div3A_234 : f32 to vector<16xf32>
    %div3A_236 = arith.divf %div3A_235, %add3A_233 : vector<16xf32>
    %neg3A_237 = arith.constant 0.000000e+00 : f32
    %neg3A_238 = vector.broadcast %neg3A_237 : f32 to vector<16xf32>
    %neg3A_239 = arith.subf %neg3A_238, %get3A_175 : vector<16xf32>
    %exp3A_240 = math.exp %neg3A_239 : vector<16xf32>
    %add3A_241 = arith.constant 1.000000e+00 : f32
    %add3A_242 = vector.broadcast %add3A_241 : f32 to vector<16xf32>
    %add3A_243 = arith.addf %add3A_242, %exp3A_240 : vector<16xf32>
    %div3A_244 = arith.constant 1.000000e+00 : f32
    %div3A_245 = vector.broadcast %div3A_244 : f32 to vector<16xf32>
    %div3A_246 = arith.divf %div3A_245, %add3A_243 : vector<16xf32>
    %neg3A_247 = arith.constant 0.000000e+00 : f32
    %neg3A_248 = vector.broadcast %neg3A_247 : f32 to vector<16xf32>
    %neg3A_249 = arith.subf %neg3A_248, %get3A_182 : vector<16xf32>
    %exp3A_250 = math.exp %neg3A_249 : vector<16xf32>
    %add3A_251 = arith.constant 1.000000e+00 : f32
    %add3A_252 = vector.broadcast %add3A_251 : f32 to vector<16xf32>
    %add3A_253 = arith.addf %add3A_252, %exp3A_250 : vector<16xf32>
    %div3A_254 = arith.constant 1.000000e+00 : f32
    %div3A_255 = vector.broadcast %div3A_254 : f32 to vector<16xf32>
    %div3A_256 = arith.divf %div3A_255, %add3A_253 : vector<16xf32>
    %neg3A_257 = arith.constant 0.000000e+00 : f32
    %neg3A_258 = vector.broadcast %neg3A_257 : f32 to vector<16xf32>
    %neg3A_259 = arith.subf %neg3A_258, %get3A_189 : vector<16xf32>
    %exp3A_260 = math.exp %neg3A_259 : vector<16xf32>
    %add3A_261 = arith.constant 1.000000e+00 : f32
    %add3A_262 = vector.broadcast %add3A_261 : f32 to vector<16xf32>
    %add3A_263 = arith.addf %add3A_262, %exp3A_260 : vector<16xf32>
    %div3A_264 = arith.constant 1.000000e+00 : f32
    %div3A_265 = vector.broadcast %div3A_264 : f32 to vector<16xf32>
    %div3A_266 = arith.divf %div3A_265, %add3A_263 : vector<16xf32>
    %swap3A = arith.constant 0 : i32
    %swap3A_267 = arith.constant 0 : i32
    %swap3A_268 = tpu.memref_slice %arg6[%swap3A, %swap3A_267] : memref<8x128xf32, #tpu.memory_space<vmem>> -> memref<1x128xf32, #tpu.memory_space<vmem>>
    %swap3A_269 = tpu.memref_squeeze %swap3A_268 : memref<1x128xf32, #tpu.memory_space<vmem>> -> memref<128xf32, #tpu.memory_space<vmem>>
    %swap3A_270 = arith.constant 0 : index
    %swap3A_271 = tpu.vector_load %swap3A_269[%swap3A_270] {strides = array<i32>} : memref<128xf32, #tpu.memory_space<vmem>>, vector<16xf32>,
    %swap3A_272 = vector.shape_cast %swap3A_271 : vector<16xf32> to vector<16xf32>
    %swap3A_273 = vector.shape_cast %div3A_196 : vector<16xf32> to vector<16xf32>
    tpu.vector_store %swap3A_269[%swap3A_270], %swap3A_273 {strides = array<i32>} : memref<128xf32, #tpu.memory_space<vmem>>, vector<16xf32>,
    %swap3A_274 = arith.constant 0 : i32
    %swap3A_275 = arith.constant 0 : i32
    %swap3A_276 = tpu.memref_slice %arg6[%swap3A_274, %swap3A_275] : memref<8x128xf32, #tpu.memory_space<vmem>> -> memref<1x128xf32, #tpu.memory_space<vmem>>
    %swap3A_277 = tpu.memref_squeeze %swap3A_276 : memref<1x128xf32, #tpu.memory_space<vmem>> -> memref<128xf32, #tpu.memory_space<vmem>>
    %swap3A_278 = arith.constant 16 : index
    %swap3A_279 = tpu.vector_load %swap3A_277[%swap3A_278] {strides = array<i32>} : memref<128xf32, #tpu.memory_space<vmem>>, vector<16xf32>,
    %swap3A_280 = vector.shape_cast %swap3A_279 : vector<16xf32> to vector<16xf32>
    %swap3A_281 = vector.shape_cast %div3A_206 : vector<16xf32> to vector<16xf32>
    tpu.vector_store %swap3A_277[%swap3A_278], %swap3A_281 {strides = array<i32>} : memref<128xf32, #tpu.memory_space<vmem>>, vector<16xf32>,
    %swap3A_282 = arith.constant 0 : i32
    %swap3A_283 = arith.constant 0 : i32
    %swap3A_284 = tpu.memref_slice %arg6[%swap3A_282, %swap3A_283] : memref<8x128xf32, #tpu.memory_space<vmem>> -> memref<1x128xf32, #tpu.memory_space<vmem>>
    %swap3A_285 = tpu.memref_squeeze %swap3A_284 : memref<1x128xf32, #tpu.memory_space<vmem>> -> memref<128xf32, #tpu.memory_space<vmem>>
    %swap3A_286 = arith.constant 32 : index
    %swap3A_287 = tpu.vector_load %swap3A_285[%swap3A_286] {strides = array<i32>} : memref<128xf32, #tpu.memory_space<vmem>>, vector<16xf32>,
    %swap3A_288 = vector.shape_cast %swap3A_287 : vector<16xf32> to vector<16xf32>
    %swap3A_289 = vector.shape_cast %div3A_216 : vector<16xf32> to vector<16xf32>
    tpu.vector_store %swap3A_285[%swap3A_286], %swap3A_289 {strides = array<i32>} : memref<128xf32, #tpu.memory_space<vmem>>, vector<16xf32>,
    %swap3A_290 = arith.constant 0 : i32
    %swap3A_291 = arith.constant 0 : i32
    %swap3A_292 = tpu.memref_slice %arg6[%swap3A_290, %swap3A_291] : memref<8x128xf32, #tpu.memory_space<vmem>> -> memref<1x128xf32, #tpu.memory_space<vmem>>
    %swap3A_293 = tpu.memref_squeeze %swap3A_292 : memref<1x128xf32, #tpu.memory_space<vmem>> -> memref<128xf32, #tpu.memory_space<vmem>>
    %swap3A_294 = arith.constant 48 : index
    %swap3A_295 = tpu.vector_load %swap3A_293[%swap3A_294] {strides = array<i32>} : memref<128xf32, #tpu.memory_space<vmem>>, vector<16xf32>,
    %swap3A_296 = vector.shape_cast %swap3A_295 : vector<16xf32> to vector<16xf32>
    %swap3A_297 = vector.shape_cast %div3A_226 : vector<16xf32> to vector<16xf32>
    tpu.vector_store %swap3A_293[%swap3A_294], %swap3A_297 {strides = array<i32>} : memref<128xf32, #tpu.memory_space<vmem>>, vector<16xf32>,
    %swap3A_298 = arith.constant 0 : i32
    %swap3A_299 = arith.constant 0 : i32
    %swap3A_300 = tpu.memref_slice %arg6[%swap3A_298, %swap3A_299] : memref<8x128xf32, #tpu.memory_space<vmem>> -> memref<1x128xf32, #tpu.memory_space<vmem>>
    %swap3A_301 = tpu.memref_squeeze %swap3A_300 : memref<1x128xf32, #tpu.memory_space<vmem>> -> memref<128xf32, #tpu.memory_space<vmem>>
    %swap3A_302 = arith.constant 64 : index
    %swap3A_303 = tpu.vector_load %swap3A_301[%swap3A_302] {strides = array<i32>} : memref<128xf32, #tpu.memory_space<vmem>>, vector<16xf32>,
    %swap3A_304 = vector.shape_cast %swap3A_303 : vector<16xf32> to vector<16xf32>
    %swap3A_305 = vector.shape_cast %div3A_236 : vector<16xf32> to vector<16xf32>
    tpu.vector_store %swap3A_301[%swap3A_302], %swap3A_305 {strides = array<i32>} : memref<128xf32, #tpu.memory_space<vmem>>, vector<16xf32>,
    %swap3A_306 = arith.constant 0 : i32
    %swap3A_307 = arith.constant 0 : i32
    %swap3A_308 = tpu.memref_slice %arg6[%swap3A_306, %swap3A_307] : memref<8x128xf32, #tpu.memory_space<vmem>> -> memref<1x128xf32, #tpu.memory_space<vmem>>
    %swap3A_309 = tpu.memref_squeeze %swap3A_308 : memref<1x128xf32, #tpu.memory_space<vmem>> -> memref<128xf32, #tpu.memory_space<vmem>>
    %swap3A_310 = arith.constant 80 : index
    %swap3A_311 = tpu.vector_load %swap3A_309[%swap3A_310] {strides = array<i32>} : memref<128xf32, #tpu.memory_space<vmem>>, vector<16xf32>,
    %swap3A_312 = vector.shape_cast %swap3A_311 : vector<16xf32> to vector<16xf32>
    %swap3A_313 = vector.shape_cast %div3A_246 : vector<16xf32> to vector<16xf32>
    tpu.vector_store %swap3A_309[%swap3A_310], %swap3A_313 {strides = array<i32>} : memref<128xf32, #tpu.memory_space<vmem>>, vector<16xf32>,
    %swap3A_314 = arith.constant 0 : i32
    %swap3A_315 = arith.constant 0 : i32
    %swap3A_316 = tpu.memref_slice %arg6[%swap3A_314, %swap3A_315] : memref<8x128xf32, #tpu.memory_space<vmem>> -> memref<1x128xf32, #tpu.memory_space<vmem>>
    %swap3A_317 = tpu.memref_squeeze %swap3A_316 : memref<1x128xf32, #tpu.memory_space<vmem>> -> memref<128xf32, #tpu.memory_space<vmem>>
    %swap3A_318 = arith.constant 96 : index
    %swap3A_319 = tpu.vector_load %swap3A_317[%swap3A_318] {strides = array<i32>} : memref<128xf32, #tpu.memory_space<vmem>>, vector<16xf32>,
    %swap3A_320 = vector.shape_cast %swap3A_319 : vector<16xf32> to vector<16xf32>
    %swap3A_321 = vector.shape_cast %div3A_256 : vector<16xf32> to vector<16xf32>
    tpu.vector_store %swap3A_317[%swap3A_318], %swap3A_321 {strides = array<i32>} : memref<128xf32, #tpu.memory_space<vmem>>, vector<16xf32>,
    %swap3A_322 = arith.constant 0 : i32
    %swap3A_323 = arith.constant 0 : i32
    %swap3A_324 = tpu.memref_slice %arg6[%swap3A_322, %swap3A_323] : memref<8x128xf32, #tpu.memory_space<vmem>> -> memref<1x128xf32, #tpu.memory_space<vmem>>
    %swap3A_325 = tpu.memref_squeeze %swap3A_324 : memref<1x128xf32, #tpu.memory_space<vmem>> -> memref<128xf32, #tpu.memory_space<vmem>>
    %swap3A_326 = arith.constant 112 : index
    %swap3A_327 = tpu.vector_load %swap3A_325[%swap3A_326] {strides = array<i32>} : memref<128xf32, #tpu.memory_space<vmem>>, vector<16xf32>,
    %swap3A_328 = vector.shape_cast %swap3A_327 : vector<16xf32> to vector<16xf32>
    %swap3A_329 = vector.shape_cast %div3A_266 : vector<16xf32> to vector<16xf32>
    tpu.vector_store %swap3A_325[%swap3A_326], %swap3A_329 {strides = array<i32>} : memref<128xf32, #tpu.memory_space<vmem>>, vector<16xf32>,
    %add3A_330 = arith.constant 0 : i32
    %add3A_331 = arith.addi %mul3A_2, %add3A_330 : i32
    %dma_start3A_332 = arith.constant 0 : i32
    %dma_start3A_333 = arith.constant 0 : i32
    %dma_start3A_334 = tpu.memref_slice %arg6[%dma_start3A_332, %dma_start3A_333] : memref<8x128xf32, #tpu.memory_space<vmem>> -> memref<1x128xf32, #tpu.memory_space<vmem>>
    %dma_start3A_335 = tpu.memref_squeeze %dma_start3A_334 : memref<1x128xf32, #tpu.memory_space<vmem>> -> memref<128xf32, #tpu.memory_space<vmem>>
    %dma_start3A_336 = arith.constant 0 : i32
    %dma_start3A_337 = tpu.memref_slice %arg4[%add3A_331, %dma_start3A_336] : memref<128x128xf32, #tpu.memory_space<hbm>> -> memref<1x128xf32, #tpu.memory_space<hbm>>
    %dma_start3A_338 = tpu.memref_squeeze %dma_start3A_337 : memref<1x128xf32, #tpu.memory_space<hbm>> -> memref<128xf32, #tpu.memory_space<hbm>>
    %dma_start3A_339 = arith.constant 0 : i32
    %dma_start3A_340 = tpu.memref_slice %arg4[%add3A_331, %dma_start3A_339] : memref<128x128xf32, #tpu.memory_space<hbm>> -> memref<1x128xf32, #tpu.memory_space<hbm>>
    %dma_start3A_341 = tpu.memref_squeeze %dma_start3A_340 : memref<1x128xf32, #tpu.memory_space<hbm>> -> memref<128xf32, #tpu.memory_space<hbm>>
    %dma_start3A_342 = arith.constant 0 : i32
    %dma_start3A_343 = tpu.memref_slice %arg6[%dma_start3A_332, %dma_start3A_342] : memref<8x128xf32, #tpu.memory_space<vmem>> -> memref<1x128xf32, #tpu.memory_space<vmem>>
    %dma_start3A_344 = tpu.memref_squeeze %dma_start3A_343 : memref<1x128xf32, #tpu.memory_space<vmem>> -> memref<128xf32, #tpu.memory_space<vmem>>
    tpu.enqueue_dma source(%dma_start3A_344 : memref<128xf32, #tpu.memory_space<vmem>>) target(%dma_start3A_341 : memref<128xf32, #tpu.memory_space<hbm>>) target_semaphore(%arg7 : memref<!tpu.dma_semaphore, #tpu.memory_space<semaphore_mem>>)
    %dma_wait3A_345 = arith.constant 1 : i32
    %dma_wait3A_346 = arith.constant 1 : i32
    %dma_wait3A_347 = arith.constant 0 : i32
    %dma_wait3A_348 = tpu.memref_slice %arg6[%dma_wait3A_346, %dma_wait3A_347] : memref<8x128xf32, #tpu.memory_space<vmem>> -> memref<1x128xf32, #tpu.memory_space<vmem>>
    %dma_wait3A_349 = tpu.memref_squeeze %dma_wait3A_348 : memref<1x128xf32, #tpu.memory_space<vmem>> -> memref<128xf32, #tpu.memory_space<vmem>>
    %dma_wait3A_350 = arith.constant 0 : i32
    %dma_wait3A_351 = tpu.memref_slice %arg5[%dma_wait3A_345, %dma_wait3A_350] : memref<8x128xi32, #tpu.memory_space<vmem>> -> memref<1x128xi32, #tpu.memory_space<vmem>>
    %dma_wait3A_352 = tpu.memref_squeeze %dma_wait3A_351 : memref<1x128xi32, #tpu.memory_space<vmem>> -> memref<128xi32, #tpu.memory_space<vmem>>
    %dma_wait3A_353 = arith.constant 0 : i32
    %dma_wait3A_354 = tpu.memref_slice %arg2[%dma_wait3A_353] : memref<1000000xf32, #tpu.memory_space<hbm>> -> memref<1000000xf32, #tpu.memory_space<hbm>>
    tpu.wait_indirect_dma semaphore(%arg8 : memref<!tpu.dma_semaphore, #tpu.memory_space<semaphore_mem>>) src(%dma_wait3A_354 : memref<1000000xf32, #tpu.memory_space<hbm>>) dst(%dma_wait3A_349 : memref<128xf32, #tpu.memory_space<vmem>>)
    %get3A_355 = arith.constant 1 : i32
    %get3A_356 = arith.constant 0 : i32
    %get3A_357 = tpu.memref_slice %arg6[%get3A_355, %get3A_356] : memref<8x128xf32, #tpu.memory_space<vmem>> -> memref<1x128xf32, #tpu.memory_space<vmem>>
    %get3A_358 = tpu.memref_squeeze %get3A_357 : memref<1x128xf32, #tpu.memory_space<vmem>> -> memref<128xf32, #tpu.memory_space<vmem>>
    %get3A_359 = arith.constant 0 : index
    %get3A_360 = tpu.vector_load %get3A_358[%get3A_359] {strides = array<i32>} : memref<128xf32, #tpu.memory_space<vmem>>, vector<16xf32>,
    %get3A_361 = vector.shape_cast %get3A_360 : vector<16xf32> to vector<16xf32>
    %get3A_362 = arith.constant 1 : i32
    %get3A_363 = arith.constant 0 : i32
    %get3A_364 = tpu.memref_slice %arg6[%get3A_362, %get3A_363] : memref<8x128xf32, #tpu.memory_space<vmem>> -> memref<1x128xf32, #tpu.memory_space<vmem>>
    %get3A_365 = tpu.memref_squeeze %get3A_364 : memref<1x128xf32, #tpu.memory_space<vmem>> -> memref<128xf32, #tpu.memory_space<vmem>>
    %get3A_366 = arith.constant 16 : index
    %get3A_367 = tpu.vector_load %get3A_365[%get3A_366] {strides = array<i32>} : memref<128xf32, #tpu.memory_space<vmem>>, vector<16xf32>,
    %get3A_368 = vector.shape_cast %get3A_367 : vector<16xf32> to vector<16xf32>
    %get3A_369 = arith.constant 1 : i32
    %get3A_370 = arith.constant 0 : i32
    %get3A_371 = tpu.memref_slice %arg6[%get3A_369, %get3A_370] : memref<8x128xf32, #tpu.memory_space<vmem>> -> memref<1x128xf32, #tpu.memory_space<vmem>>
    %get3A_372 = tpu.memref_squeeze %get3A_371 : memref<1x128xf32, #tpu.memory_space<vmem>> -> memref<128xf32, #tpu.memory_space<vmem>>
    %get3A_373 = arith.constant 32 : index
    %get3A_374 = tpu.vector_load %get3A_372[%get3A_373] {strides = array<i32>} : memref<128xf32, #tpu.memory_space<vmem>>, vector<16xf32>,
    %get3A_375 = vector.shape_cast %get3A_374 : vector<16xf32> to vector<16xf32>
    %get3A_376 = arith.constant 1 : i32
    %get3A_377 = arith.constant 0 : i32
    %get3A_378 = tpu.memref_slice %arg6[%get3A_376, %get3A_377] : memref<8x128xf32, #tpu.memory_space<vmem>> -> memref<1x128xf32, #tpu.memory_space<vmem>>
    %get3A_379 = tpu.memref_squeeze %get3A_378 : memref<1x128xf32, #tpu.memory_space<vmem>> -> memref<128xf32, #tpu.memory_space<vmem>>
    %get3A_380 = arith.constant 48 : index
    %get3A_381 = tpu.vector_load %get3A_379[%get3A_380] {strides = array<i32>} : memref<128xf32, #tpu.memory_space<vmem>>, vector<16xf32>,
    %get3A_382 = vector.shape_cast %get3A_381 : vector<16xf32> to vector<16xf32>
    %get3A_383 = arith.constant 1 : i32
    %get3A_384 = arith.constant 0 : i32
    %get3A_385 = tpu.memref_slice %arg6[%get3A_383, %get3A_384] : memref<8x128xf32, #tpu.memory_space<vmem>> -> memref<1x128xf32, #tpu.memory_space<vmem>>
    %get3A_386 = tpu.memref_squeeze %get3A_385 : memref<1x128xf32, #tpu.memory_space<vmem>> -> memref<128xf32, #tpu.memory_space<vmem>>
    %get3A_387 = arith.constant 64 : index
    %get3A_388 = tpu.vector_load %get3A_386[%get3A_387] {strides = array<i32>} : memref<128xf32, #tpu.memory_space<vmem>>, vector<16xf32>,
    %get3A_389 = vector.shape_cast %get3A_388 : vector<16xf32> to vector<16xf32>
    %get3A_390 = arith.constant 1 : i32
    %get3A_391 = arith.constant 0 : i32
    %get3A_392 = tpu.memref_slice %arg6[%get3A_390, %get3A_391] : memref<8x128xf32, #tpu.memory_space<vmem>> -> memref<1x128xf32, #tpu.memory_space<vmem>>
    %get3A_393 = tpu.memref_squeeze %get3A_392 : memref<1x128xf32, #tpu.memory_space<vmem>> -> memref<128xf32, #tpu.memory_space<vmem>>
    %get3A_394 = arith.constant 80 : index
    %get3A_395 = tpu.vector_load %get3A_393[%get3A_394] {strides = array<i32>} : memref<128xf32, #tpu.memory_space<vmem>>, vector<16xf32>,
    %get3A_396 = vector.shape_cast %get3A_395 : vector<16xf32> to vector<16xf32>
    %get3A_397 = arith.constant 1 : i32
    %get3A_398 = arith.constant 0 : i32
    %get3A_399 = tpu.memref_slice %arg6[%get3A_397, %get3A_398] : memref<8x128xf32, #tpu.memory_space<vmem>> -> memref<1x128xf32, #tpu.memory_space<vmem>>
    %get3A_400 = tpu.memref_squeeze %get3A_399 : memref<1x128xf32, #tpu.memory_space<vmem>> -> memref<128xf32, #tpu.memory_space<vmem>>
    %get3A_401 = arith.constant 96 : index
    %get3A_402 = tpu.vector_load %get3A_400[%get3A_401] {strides = array<i32>} : memref<128xf32, #tpu.memory_space<vmem>>, vector<16xf32>,
    %get3A_403 = vector.shape_cast %get3A_402 : vector<16xf32> to vector<16xf32>
    %get3A_404 = arith.constant 1 : i32
    %get3A_405 = arith.constant 0 : i32
    %get3A_406 = tpu.memref_slice %arg6[%get3A_404, %get3A_405] : memref<8x128xf32, #tpu.memory_space<vmem>> -> memref<1x128xf32, #tpu.memory_space<vmem>>
    %get3A_407 = tpu.memref_squeeze %get3A_406 : memref<1x128xf32, #tpu.memory_space<vmem>> -> memref<128xf32, #tpu.memory_space<vmem>>
    %get3A_408 = arith.constant 112 : index
    %get3A_409 = tpu.vector_load %get3A_407[%get3A_408] {strides = array<i32>} : memref<128xf32, #tpu.memory_space<vmem>>, vector<16xf32>,
    %get3A_410 = vector.shape_cast %get3A_409 : vector<16xf32> to vector<16xf32>
    %neg3A_411 = arith.constant 0.000000e+00 : f32
    %neg3A_412 = vector.broadcast %neg3A_411 : f32 to vector<16xf32>
    %neg3A_413 = arith.subf %neg3A_412, %get3A_361 : vector<16xf32>
    %exp3A_414 = math.exp %neg3A_413 : vector<16xf32>
    %add3A_415 = arith.constant 1.000000e+00 : f32
    %add3A_416 = vector.broadcast %add3A_415 : f32 to vector<16xf32>
    %add3A_417 = arith.addf %add3A_416, %exp3A_414 : vector<16xf32>
    %div3A_418 = arith.constant 1.000000e+00 : f32
    %div3A_419 = vector.broadcast %div3A_418 : f32 to vector<16xf32>
    %div3A_420 = arith.divf %div3A_419, %add3A_417 : vector<16xf32>
    %neg3A_421 = arith.constant 0.000000e+00 : f32
    %neg3A_422 = vector.broadcast %neg3A_421 : f32 to vector<16xf32>
    %neg3A_423 = arith.subf %neg3A_422, %get3A_368 : vector<16xf32>
    %exp3A_424 = math.exp %neg3A_423 : vector<16xf32>
    %add3A_425 = arith.constant 1.000000e+00 : f32
    %add3A_426 = vector.broadcast %add3A_425 : f32 to vector<16xf32>
    %add3A_427 = arith.addf %add3A_426, %exp3A_424 : vector<16xf32>
    %div3A_428 = arith.constant 1.000000e+00 : f32
    %div3A_429 = vector.broadcast %div3A_428 : f32 to vector<16xf32>
    %div3A_430 = arith.divf %div3A_429, %add3A_427 : vector<16xf32>
    %neg3A_431 = arith.constant 0.000000e+00 : f32
    %neg3A_432 = vector.broadcast %neg3A_431 : f32 to vector<16xf32>
    %neg3A_433 = arith.subf %neg3A_432, %get3A_375 : vector<16xf32>
    %exp3A_434 = math.exp %neg3A_433 : vector<16xf32>
    %add3A_435 = arith.constant 1.000000e+00 : f32
    %add3A_436 = vector.broadcast %add3A_435 : f32 to vector<16xf32>
    %add3A_437 = arith.addf %add3A_436, %exp3A_434 : vector<16xf32>
    %div3A_438 = arith.constant 1.000000e+00 : f32
    %div3A_439 = vector.broadcast %div3A_438 : f32 to vector<16xf32>
    %div3A_440 = arith.divf %div3A_439, %add3A_437 : vector<16xf32>
    %neg3A_441 = arith.constant 0.000000e+00 : f32
    %neg3A_442 = vector.broadcast %neg3A_441 : f32 to vector<16xf32>
    %neg3A_443 = arith.subf %neg3A_442, %get3A_382 : vector<16xf32>
    %exp3A_444 = math.exp %neg3A_443 : vector<16xf32>
    %add3A_445 = arith.constant 1.000000e+00 : f32
    %add3A_446 = vector.broadcast %add3A_445 : f32 to vector<16xf32>
    %add3A_447 = arith.addf %add3A_446, %exp3A_444 : vector<16xf32>
    %div3A_448 = arith.constant 1.000000e+00 : f32
    %div3A_449 = vector.broadcast %div3A_448 : f32 to vector<16xf32>
    %div3A_450 = arith.divf %div3A_449, %add3A_447 : vector<16xf32>
    %neg3A_451 = arith.constant 0.000000e+00 : f32
    %neg3A_452 = vector.broadcast %neg3A_451 : f32 to vector<16xf32>
    %neg3A_453 = arith.subf %neg3A_452, %get3A_389 : vector<16xf32>
    %exp3A_454 = math.exp %neg3A_453 : vector<16xf32>
    %add3A_455 = arith.constant 1.000000e+00 : f32
    %add3A_456 = vector.broadcast %add3A_455 : f32 to vector<16xf32>
    %add3A_457 = arith.addf %add3A_456, %exp3A_454 : vector<16xf32>
    %div3A_458 = arith.constant 1.000000e+00 : f32
    %div3A_459 = vector.broadcast %div3A_458 : f32 to vector<16xf32>
    %div3A_460 = arith.divf %div3A_459, %add3A_457 : vector<16xf32>
    %neg3A_461 = arith.constant 0.000000e+00 : f32
    %neg3A_462 = vector.broadcast %neg3A_461 : f32 to vector<16xf32>
    %neg3A_463 = arith.subf %neg3A_462, %get3A_396 : vector<16xf32>
    %exp3A_464 = math.exp %neg3A_463 : vector<16xf32>
    %add3A_465 = arith.constant 1.000000e+00 : f32
    %add3A_466 = vector.broadcast %add3A_465 : f32 to vector<16xf32>
    %add3A_467 = arith.addf %add3A_466, %exp3A_464 : vector<16xf32>
    %div3A_468 = arith.constant 1.000000e+00 : f32
    %div3A_469 = vector.broadcast %div3A_468 : f32 to vector<16xf32>
    %div3A_470 = arith.divf %div3A_469, %add3A_467 : vector<16xf32>
    %neg3A_471 = arith.constant 0.000000e+00 : f32
    %neg3A_472 = vector.broadcast %neg3A_471 : f32 to vector<16xf32>
    %neg3A_473 = arith.subf %neg3A_472, %get3A_403 : vector<16xf32>
    %exp3A_474 = math.exp %neg3A_473 : vector<16xf32>
    %add3A_475 = arith.constant 1.000000e+00 : f32
    %add3A_476 = vector.broadcast %add3A_475 : f32 to vector<16xf32>
    %add3A_477 = arith.addf %add3A_476, %exp3A_474 : vector<16xf32>
    %div3A_478 = arith.constant 1.000000e+00 : f32
    %div3A_479 = vector.broadcast %div3A_478 : f32 to vector<16xf32>
    %div3A_480 = arith.divf %div3A_479, %add3A_477 : vector<16xf32>
    %neg3A_481 = arith.constant 0.000000e+00 : f32
    %neg3A_482 = vector.broadcast %neg3A_481 : f32 to vector<16xf32>
    %neg3A_483 = arith.subf %neg3A_482, %get3A_410 : vector<16xf32>
    %exp3A_484 = math.exp %neg3A_483 : vector<16xf32>
    %add3A_485 = arith.constant 1.000000e+00 : f32
    %add3A_486 = vector.broadcast %add3A_485 : f32 to vector<16xf32>
    %add3A_487 = arith.addf %add3A_486, %exp3A_484 : vector<16xf32>
    %div3A_488 = arith.constant 1.000000e+00 : f32
    %div3A_489 = vector.broadcast %div3A_488 : f32 to vector<16xf32>
    %div3A_490 = arith.divf %div3A_489, %add3A_487 : vector<16xf32>
    %swap3A_491 = arith.constant 1 : i32
    %swap3A_492 = arith.constant 0 : i32
    %swap3A_493 = tpu.memref_slice %arg6[%swap3A_491, %swap3A_492] : memref<8x128xf32, #tpu.memory_space<vmem>> -> memref<1x128xf32, #tpu.memory_space<vmem>>
    %swap3A_494 = tpu.memref_squeeze %swap3A_493 : memref<1x128xf32, #tpu.memory_space<vmem>> -> memref<128xf32, #tpu.memory_space<vmem>>
    %swap3A_495 = arith.constant 0 : index
    %swap3A_496 = tpu.vector_load %swap3A_494[%swap3A_495] {strides = array<i32>} : memref<128xf32, #tpu.memory_space<vmem>>, vector<16xf32>,
    %swap3A_497 = vector.shape_cast %swap3A_496 : vector<16xf32> to vector<16xf32>
    %swap3A_498 = vector.shape_cast %div3A_420 : vector<16xf32> to vector<16xf32>
    tpu.vector_store %swap3A_494[%swap3A_495], %swap3A_498 {strides = array<i32>} : memref<128xf32, #tpu.memory_space<vmem>>, vector<16xf32>,
    %swap3A_499 = arith.constant 1 : i32
    %swap3A_500 = arith.constant 0 : i32
    %swap3A_501 = tpu.memref_slice %arg6[%swap3A_499, %swap3A_500] : memref<8x128xf32, #tpu.memory_space<vmem>> -> memref<1x128xf32, #tpu.memory_space<vmem>>
    %swap3A_502 = tpu.memref_squeeze %swap3A_501 : memref<1x128xf32, #tpu.memory_space<vmem>> -> memref<128xf32, #tpu.memory_space<vmem>>
    %swap3A_503 = arith.constant 16 : index
    %swap3A_504 = tpu.vector_load %swap3A_502[%swap3A_503] {strides = array<i32>} : memref<128xf32, #tpu.memory_space<vmem>>, vector<16xf32>,
    %swap3A_505 = vector.shape_cast %swap3A_504 : vector<16xf32> to vector<16xf32>
    %swap3A_506 = vector.shape_cast %div3A_430 : vector<16xf32> to vector<16xf32>
    tpu.vector_store %swap3A_502[%swap3A_503], %swap3A_506 {strides = array<i32>} : memref<128xf32, #tpu.memory_space<vmem>>, vector<16xf32>,
    %swap3A_507 = arith.constant 1 : i32
    %swap3A_508 = arith.constant 0 : i32
    %swap3A_509 = tpu.memref_slice %arg6[%swap3A_507, %swap3A_508] : memref<8x128xf32, #tpu.memory_space<vmem>> -> memref<1x128xf32, #tpu.memory_space<vmem>>
    %swap3A_510 = tpu.memref_squeeze %swap3A_509 : memref<1x128xf32, #tpu.memory_space<vmem>> -> memref<128xf32, #tpu.memory_space<vmem>>
    %swap3A_511 = arith.constant 32 : index
    %swap3A_512 = tpu.vector_load %swap3A_510[%swap3A_511] {strides = array<i32>} : memref<128xf32, #tpu.memory_space<vmem>>, vector<16xf32>,
    %swap3A_513 = vector.shape_cast %swap3A_512 : vector<16xf32> to vector<16xf32>
    %swap3A_514 = vector.shape_cast %div3A_440 : vector<16xf32> to vector<16xf32>
    tpu.vector_store %swap3A_510[%swap3A_511], %swap3A_514 {strides = array<i32>} : memref<128xf32, #tpu.memory_space<vmem>>, vector<16xf32>,
    %swap3A_515 = arith.constant 1 : i32
    %swap3A_516 = arith.constant 0 : i32
    %swap3A_517 = tpu.memref_slice %arg6[%swap3A_515, %swap3A_516] : memref<8x128xf32, #tpu.memory_space<vmem>> -> memref<1x128xf32, #tpu.memory_space<vmem>>
    %swap3A_518 = tpu.memref_squeeze %swap3A_517 : memref<1x128xf32, #tpu.memory_space<vmem>> -> memref<128xf32, #tpu.memory_space<vmem>>
    %swap3A_519 = arith.constant 48 : index
    %swap3A_520 = tpu.vector_load %swap3A_518[%swap3A_519] {strides = array<i32>} : memref<128xf32, #tpu.memory_space<vmem>>, vector<16xf32>,
    %swap3A_521 = vector.shape_cast %swap3A_520 : vector<16xf32> to vector<16xf32>
    %swap3A_522 = vector.shape_cast %div3A_450 : vector<16xf32> to vector<16xf32>
    tpu.vector_store %swap3A_518[%swap3A_519], %swap3A_522 {strides = array<i32>} : memref<128xf32, #tpu.memory_space<vmem>>, vector<16xf32>,
    %swap3A_523 = arith.constant 1 : i32
    %swap3A_524 = arith.constant 0 : i32
    %swap3A_525 = tpu.memref_slice %arg6[%swap3A_523, %swap3A_524] : memref<8x128xf32, #tpu.memory_space<vmem>> -> memref<1x128xf32, #tpu.memory_space<vmem>>
    %swap3A_526 = tpu.memref_squeeze %swap3A_525 : memref<1x128xf32, #tpu.memory_space<vmem>> -> memref<128xf32, #tpu.memory_space<vmem>>
    %swap3A_527 = arith.constant 64 : index
    %swap3A_528 = tpu.vector_load %swap3A_526[%swap3A_527] {strides = array<i32>} : memref<128xf32, #tpu.memory_space<vmem>>, vector<16xf32>,
    %swap3A_529 = vector.shape_cast %swap3A_528 : vector<16xf32> to vector<16xf32>
    %swap3A_530 = vector.shape_cast %div3A_460 : vector<16xf32> to vector<16xf32>
    tpu.vector_store %swap3A_526[%swap3A_527], %swap3A_530 {strides = array<i32>} : memref<128xf32, #tpu.memory_space<vmem>>, vector<16xf32>,
    %swap3A_531 = arith.constant 1 : i32
    %swap3A_532 = arith.constant 0 : i32
    %swap3A_533 = tpu.memref_slice %arg6[%swap3A_531, %swap3A_532] : memref<8x128xf32, #tpu.memory_space<vmem>> -> memref<1x128xf32, #tpu.memory_space<vmem>>
    %swap3A_534 = tpu.memref_squeeze %swap3A_533 : memref<1x128xf32, #tpu.memory_space<vmem>> -> memref<128xf32, #tpu.memory_space<vmem>>
    %swap3A_535 = arith.constant 80 : index
    %swap3A_536 = tpu.vector_load %swap3A_534[%swap3A_535] {strides = array<i32>} : memref<128xf32, #tpu.memory_space<vmem>>, vector<16xf32>,
    %swap3A_537 = vector.shape_cast %swap3A_536 : vector<16xf32> to vector<16xf32>
    %swap3A_538 = vector.shape_cast %div3A_470 : vector<16xf32> to vector<16xf32>
    tpu.vector_store %swap3A_534[%swap3A_535], %swap3A_538 {strides = array<i32>} : memref<128xf32, #tpu.memory_space<vmem>>, vector<16xf32>,
    %swap3A_539 = arith.constant 1 : i32
    %swap3A_540 = arith.constant 0 : i32
    %swap3A_541 = tpu.memref_slice %arg6[%swap3A_539, %swap3A_540] : memref<8x128xf32, #tpu.memory_space<vmem>> -> memref<1x128xf32, #tpu.memory_space<vmem>>
    %swap3A_542 = tpu.memref_squeeze %swap3A_541 : memref<1x128xf32, #tpu.memory_space<vmem>> -> memref<128xf32, #tpu.memory_space<vmem>>
    %swap3A_543 = arith.constant 96 : index
    %swap3A_544 = tpu.vector_load %swap3A_542[%swap3A_543] {strides = array<i32>} : memref<128xf32, #tpu.memory_space<vmem>>, vector<16xf32>,
    %swap3A_545 = vector.shape_cast %swap3A_544 : vector<16xf32> to vector<16xf32>
    %swap3A_546 = vector.shape_cast %div3A_480 : vector<16xf32> to vector<16xf32>
    tpu.vector_store %swap3A_542[%swap3A_543], %swap3A_546 {strides = array<i32>} : memref<128xf32, #tpu.memory_space<vmem>>, vector<16xf32>,
    %swap3A_547 = arith.constant 1 : i32
    %swap3A_548 = arith.constant 0 : i32
    %swap3A_549 = tpu.memref_slice %arg6[%swap3A_547, %swap3A_548] : memref<8x128xf32, #tpu.memory_space<vmem>> -> memref<1x128xf32, #tpu.memory_space<vmem>>
    %swap3A_550 = tpu.memref_squeeze %swap3A_549 : memref<1x128xf32, #tpu.memory_space<vmem>> -> memref<128xf32, #tpu.memory_space<vmem>>
    %swap3A_551 = arith.constant 112 : index
    %swap3A_552 = tpu.vector_load %swap3A_550[%swap3A_551] {strides = array<i32>} : memref<128xf32, #tpu.memory_space<vmem>>, vector<16xf32>,
    %swap3A_553 = vector.shape_cast %swap3A_552 : vector<16xf32> to vector<16xf32>
    %swap3A_554 = vector.shape_cast %div3A_490 : vector<16xf32> to vector<16xf32>
    tpu.vector_store %swap3A_550[%swap3A_551], %swap3A_554 {strides = array<i32>} : memref<128xf32, #tpu.memory_space<vmem>>, vector<16xf32>,
    %add3A_555 = arith.constant 1 : i32
    %add3A_556 = arith.addi %mul3A_2, %add3A_555 : i32
    %dma_start3A_557 = arith.constant 1 : i32
    %dma_start3A_558 = arith.constant 0 : i32
    %dma_start3A_559 = tpu.memref_slice %arg6[%dma_start3A_557, %dma_start3A_558] : memref<8x128xf32, #tpu.memory_space<vmem>> -> memref<1x128xf32, #tpu.memory_space<vmem>>
    %dma_start3A_560 = tpu.memref_squeeze %dma_start3A_559 : memref<1x128xf32, #tpu.memory_space<vmem>> -> memref<128xf32, #tpu.memory_space<vmem>>
    %dma_start3A_561 = arith.constant 0 : i32
    %dma_start3A_562 = tpu.memref_slice %arg4[%add3A_556, %dma_start3A_561] : memref<128x128xf32, #tpu.memory_space<hbm>> -> memref<1x128xf32, #tpu.memory_space<hbm>>
    %dma_start3A_563 = tpu.memref_squeeze %dma_start3A_562 : memref<1x128xf32, #tpu.memory_space<hbm>> -> memref<128xf32, #tpu.memory_space<hbm>>
    %dma_start3A_564 = arith.constant 0 : i32
    %dma_start3A_565 = tpu.memref_slice %arg4[%add3A_556, %dma_start3A_564] : memref<128x128xf32, #tpu.memory_space<hbm>> -> memref<1x128xf32, #tpu.memory_space<hbm>>
    %dma_start3A_566 = tpu.memref_squeeze %dma_start3A_565 : memref<1x128xf32, #tpu.memory_space<hbm>> -> memref<128xf32, #tpu.memory_space<hbm>>
    %dma_start3A_567 = arith.constant 0 : i32
    %dma_start3A_568 = tpu.memref_slice %arg6[%dma_start3A_557, %dma_start3A_567] : memref<8x128xf32, #tpu.memory_space<vmem>> -> memref<1x128xf32, #tpu.memory_space<vmem>>
    %dma_start3A_569 = tpu.memref_squeeze %dma_start3A_568 : memref<1x128xf32, #tpu.memory_space<vmem>> -> memref<128xf32, #tpu.memory_space<vmem>>
    tpu.enqueue_dma source(%dma_start3A_569 : memref<128xf32, #tpu.memory_space<vmem>>) target(%dma_start3A_566 : memref<128xf32, #tpu.memory_space<hbm>>) target_semaphore(%arg8 : memref<!tpu.dma_semaphore, #tpu.memory_space<semaphore_mem>>)
    %dma_wait3A_570 = arith.constant 2 : i32
    %dma_wait3A_571 = arith.constant 2 : i32
    %dma_wait3A_572 = arith.constant 0 : i32
    %dma_wait3A_573 = tpu.memref_slice %arg6[%dma_wait3A_571, %dma_wait3A_572] : memref<8x128xf32, #tpu.memory_space<vmem>> -> memref<1x128xf32, #tpu.memory_space<vmem>>
    %dma_wait3A_574 = tpu.memref_squeeze %dma_wait3A_573 : memref<1x128xf32, #tpu.memory_space<vmem>> -> memref<128xf32, #tpu.memory_space<vmem>>
    %dma_wait3A_575 = arith.constant 0 : i32
    %dma_wait3A_576 = tpu.memref_slice %arg5[%dma_wait3A_570, %dma_wait3A_575] : memref<8x128xi32, #tpu.memory_space<vmem>> -> memref<1x128xi32, #tpu.memory_space<vmem>>
    %dma_wait3A_577 = tpu.memref_squeeze %dma_wait3A_576 : memref<1x128xi32, #tpu.memory_space<vmem>> -> memref<128xi32, #tpu.memory_space<vmem>>
    %dma_wait3A_578 = arith.constant 0 : i32
    %dma_wait3A_579 = tpu.memref_slice %arg2[%dma_wait3A_578] : memref<1000000xf32, #tpu.memory_space<hbm>> -> memref<1000000xf32, #tpu.memory_space<hbm>>
    tpu.wait_indirect_dma semaphore(%arg9 : memref<!tpu.dma_semaphore, #tpu.memory_space<semaphore_mem>>) src(%dma_wait3A_579 : memref<1000000xf32, #tpu.memory_space<hbm>>) dst(%dma_wait3A_574 : memref<128xf32, #tpu.memory_space<vmem>>)
    %get3A_580 = arith.constant 2 : i32
    %get3A_581 = arith.constant 0 : i32
    %get3A_582 = tpu.memref_slice %arg6[%get3A_580, %get3A_581] : memref<8x128xf32, #tpu.memory_space<vmem>> -> memref<1x128xf32, #tpu.memory_space<vmem>>
    %get3A_583 = tpu.memref_squeeze %get3A_582 : memref<1x128xf32, #tpu.memory_space<vmem>> -> memref<128xf32, #tpu.memory_space<vmem>>
    %get3A_584 = arith.constant 0 : index
    %get3A_585 = tpu.vector_load %get3A_583[%get3A_584] {strides = array<i32>} : memref<128xf32, #tpu.memory_space<vmem>>, vector<16xf32>,
    %get3A_586 = vector.shape_cast %get3A_585 : vector<16xf32> to vector<16xf32>
    %get3A_587 = arith.constant 2 : i32
    %get3A_588 = arith.constant 0 : i32
    %get3A_589 = tpu.memref_slice %arg6[%get3A_587, %get3A_588] : memref<8x128xf32, #tpu.memory_space<vmem>> -> memref<1x128xf32, #tpu.memory_space<vmem>>
    %get3A_590 = tpu.memref_squeeze %get3A_589 : memref<1x128xf32, #tpu.memory_space<vmem>> -> memref<128xf32, #tpu.memory_space<vmem>>
    %get3A_591 = arith.constant 16 : index
    %get3A_592 = tpu.vector_load %get3A_590[%get3A_591] {strides = array<i32>} : memref<128xf32, #tpu.memory_space<vmem>>, vector<16xf32>,
    %get3A_593 = vector.shape_cast %get3A_592 : vector<16xf32> to vector<16xf32>
    %get3A_594 = arith.constant 2 : i32
    %get3A_595 = arith.constant 0 : i32
    %get3A_596 = tpu.memref_slice %arg6[%get3A_594, %get3A_595] : memref<8x128xf32, #tpu.memory_space<vmem>> -> memref<1x128xf32, #tpu.memory_space<vmem>>
    %get3A_597 = tpu.memref_squeeze %get3A_596 : memref<1x128xf32, #tpu.memory_space<vmem>> -> memref<128xf32, #tpu.memory_space<vmem>>
    %get3A_598 = arith.constant 32 : index
    %get3A_599 = tpu.vector_load %get3A_597[%get3A_598] {strides = array<i32>} : memref<128xf32, #tpu.memory_space<vmem>>, vector<16xf32>,
    %get3A_600 = vector.shape_cast %get3A_599 : vector<16xf32> to vector<16xf32>
    %get3A_601 = arith.constant 2 : i32
    %get3A_602 = arith.constant 0 : i32
    %get3A_603 = tpu.memref_slice %arg6[%get3A_601, %get3A_602] : memref<8x128xf32, #tpu.memory_space<vmem>> -> memref<1x128xf32, #tpu.memory_space<vmem>>
    %get3A_604 = tpu.memref_squeeze %get3A_603 : memref<1x128xf32, #tpu.memory_space<vmem>> -> memref<128xf32, #tpu.memory_space<vmem>>
    %get3A_605 = arith.constant 48 : index
    %get3A_606 = tpu.vector_load %get3A_604[%get3A_605] {strides = array<i32>} : memref<128xf32, #tpu.memory_space<vmem>>, vector<16xf32>,
    %get3A_607 = vector.shape_cast %get3A_606 : vector<16xf32> to vector<16xf32>
    %get3A_608 = arith.constant 2 : i32
    %get3A_609 = arith.constant 0 : i32
    %get3A_610 = tpu.memref_slice %arg6[%get3A_608, %get3A_609] : memref<8x128xf32, #tpu.memory_space<vmem>> -> memref<1x128xf32, #tpu.memory_space<vmem>>
    %get3A_611 = tpu.memref_squeeze %get3A_610 : memref<1x128xf32, #tpu.memory_space<vmem>> -> memref<128xf32, #tpu.memory_space<vmem>>
    %get3A_612 = arith.constant 64 : index
    %get3A_613 = tpu.vector_load %get3A_611[%get3A_612] {strides = array<i32>} : memref<128xf32, #tpu.memory_space<vmem>>, vector<16xf32>,
    %get3A_614 = vector.shape_cast %get3A_613 : vector<16xf32> to vector<16xf32>
    %get3A_615 = arith.constant 2 : i32
    %get3A_616 = arith.constant 0 : i32
    %get3A_617 = tpu.memref_slice %arg6[%get3A_615, %get3A_616] : memref<8x128xf32, #tpu.memory_space<vmem>> -> memref<1x128xf32, #tpu.memory_space<vmem>>
    %get3A_618 = tpu.memref_squeeze %get3A_617 : memref<1x128xf32, #tpu.memory_space<vmem>> -> memref<128xf32, #tpu.memory_space<vmem>>
    %get3A_619 = arith.constant 80 : index
    %get3A_620 = tpu.vector_load %get3A_618[%get3A_619] {strides = array<i32>} : memref<128xf32, #tpu.memory_space<vmem>>, vector<16xf32>,
    %get3A_621 = vector.shape_cast %get3A_620 : vector<16xf32> to vector<16xf32>
    %get3A_622 = arith.constant 2 : i32
    %get3A_623 = arith.constant 0 : i32
    %get3A_624 = tpu.memref_slice %arg6[%get3A_622, %get3A_623] : memref<8x128xf32, #tpu.memory_space<vmem>> -> memref<1x128xf32, #tpu.memory_space<vmem>>
    %get3A_625 = tpu.memref_squeeze %get3A_624 : memref<1x128xf32, #tpu.memory_space<vmem>> -> memref<128xf32, #tpu.memory_space<vmem>>
    %get3A_626 = arith.constant 96 : index
    %get3A_627 = tpu.vector_load %get3A_625[%get3A_626] {strides = array<i32>} : memref<128xf32, #tpu.memory_space<vmem>>, vector<16xf32>,
    %get3A_628 = vector.shape_cast %get3A_627 : vector<16xf32> to vector<16xf32>
    %get3A_629 = arith.constant 2 : i32
    %get3A_630 = arith.constant 0 : i32
    %get3A_631 = tpu.memref_slice %arg6[%get3A_629, %get3A_630] : memref<8x128xf32, #tpu.memory_space<vmem>> -> memref<1x128xf32, #tpu.memory_space<vmem>>
    %get3A_632 = tpu.memref_squeeze %get3A_631 : memref<1x128xf32, #tpu.memory_space<vmem>> -> memref<128xf32, #tpu.memory_space<vmem>>
    %get3A_633 = arith.constant 112 : index
    %get3A_634 = tpu.vector_load %get3A_632[%get3A_633] {strides = array<i32>} : memref<128xf32, #tpu.memory_space<vmem>>, vector<16xf32>,
    %get3A_635 = vector.shape_cast %get3A_634 : vector<16xf32> to vector<16xf32>
    %neg3A_636 = arith.constant 0.000000e+00 : f32
    %neg3A_637 = vector.broadcast %neg3A_636 : f32 to vector<16xf32>
    %neg3A_638 = arith.subf %neg3A_637, %get3A_586 : vector<16xf32>
    %exp3A_639 = math.exp %neg3A_638 : vector<16xf32>
    %add3A_640 = arith.constant 1.000000e+00 : f32
    %add3A_641 = vector.broadcast %add3A_640 : f32 to vector<16xf32>
    %add3A_642 = arith.addf %add3A_641, %exp3A_639 : vector<16xf32>
    %div3A_643 = arith.constant 1.000000e+00 : f32
    %div3A_644 = vector.broadcast %div3A_643 : f32 to vector<16xf32>
    %div3A_645 = arith.divf %div3A_644, %add3A_642 : vector<16xf32>
    %neg3A_646 = arith.constant 0.000000e+00 : f32
    %neg3A_647 = vector.broadcast %neg3A_646 : f32 to vector<16xf32>
    %neg3A_648 = arith.subf %neg3A_647, %get3A_593 : vector<16xf32>
    %exp3A_649 = math.exp %neg3A_648 : vector<16xf32>
    %add3A_650 = arith.constant 1.000000e+00 : f32
    %add3A_651 = vector.broadcast %add3A_650 : f32 to vector<16xf32>
    %add3A_652 = arith.addf %add3A_651, %exp3A_649 : vector<16xf32>
    %div3A_653 = arith.constant 1.000000e+00 : f32
    %div3A_654 = vector.broadcast %div3A_653 : f32 to vector<16xf32>
    %div3A_655 = arith.divf %div3A_654, %add3A_652 : vector<16xf32>
    %neg3A_656 = arith.constant 0.000000e+00 : f32
    %neg3A_657 = vector.broadcast %neg3A_656 : f32 to vector<16xf32>
    %neg3A_658 = arith.subf %neg3A_657, %get3A_600 : vector<16xf32>
    %exp3A_659 = math.exp %neg3A_658 : vector<16xf32>
    %add3A_660 = arith.constant 1.000000e+00 : f32
    %add3A_661 = vector.broadcast %add3A_660 : f32 to vector<16xf32>
    %add3A_662 = arith.addf %add3A_661, %exp3A_659 : vector<16xf32>
    %div3A_663 = arith.constant 1.000000e+00 : f32
    %div3A_664 = vector.broadcast %div3A_663 : f32 to vector<16xf32>
    %div3A_665 = arith.divf %div3A_664, %add3A_662 : vector<16xf32>
    %neg3A_666 = arith.constant 0.000000e+00 : f32
    %neg3A_667 = vector.broadcast %neg3A_666 : f32 to vector<16xf32>
    %neg3A_668 = arith.subf %neg3A_667, %get3A_607 : vector<16xf32>
    %exp3A_669 = math.exp %neg3A_668 : vector<16xf32>
    %add3A_670 = arith.constant 1.000000e+00 : f32
    %add3A_671 = vector.broadcast %add3A_670 : f32 to vector<16xf32>
    %add3A_672 = arith.addf %add3A_671, %exp3A_669 : vector<16xf32>
    %div3A_673 = arith.constant 1.000000e+00 : f32
    %div3A_674 = vector.broadcast %div3A_673 : f32 to vector<16xf32>
    %div3A_675 = arith.divf %div3A_674, %add3A_672 : vector<16xf32>
    %neg3A_676 = arith.constant 0.000000e+00 : f32
    %neg3A_677 = vector.broadcast %neg3A_676 : f32 to vector<16xf32>
    %neg3A_678 = arith.subf %neg3A_677, %get3A_614 : vector<16xf32>
    %exp3A_679 = math.exp %neg3A_678 : vector<16xf32>
    %add3A_680 = arith.constant 1.000000e+00 : f32
    %add3A_681 = vector.broadcast %add3A_680 : f32 to vector<16xf32>
    %add3A_682 = arith.addf %add3A_681, %exp3A_679 : vector<16xf32>
    %div3A_683 = arith.constant 1.000000e+00 : f32
    %div3A_684 = vector.broadcast %div3A_683 : f32 to vector<16xf32>
    %div3A_685 = arith.divf %div3A_684, %add3A_682 : vector<16xf32>
    %neg3A_686 = arith.constant 0.000000e+00 : f32
    %neg3A_687 = vector.broadcast %neg3A_686 : f32 to vector<16xf32>
    %neg3A_688 = arith.subf %neg3A_687, %get3A_621 : vector<16xf32>
    %exp3A_689 = math.exp %neg3A_688 : vector<16xf32>
    %add3A_690 = arith.constant 1.000000e+00 : f32
    %add3A_691 = vector.broadcast %add3A_690 : f32 to vector<16xf32>
    %add3A_692 = arith.addf %add3A_691, %exp3A_689 : vector<16xf32>
    %div3A_693 = arith.constant 1.000000e+00 : f32
    %div3A_694 = vector.broadcast %div3A_693 : f32 to vector<16xf32>
    %div3A_695 = arith.divf %div3A_694, %add3A_692 : vector<16xf32>
    %neg3A_696 = arith.constant 0.000000e+00 : f32
    %neg3A_697 = vector.broadcast %neg3A_696 : f32 to vector<16xf32>
    %neg3A_698 = arith.subf %neg3A_697, %get3A_628 : vector<16xf32>
    %exp3A_699 = math.exp %neg3A_698 : vector<16xf32>
    %add3A_700 = arith.constant 1.000000e+00 : f32
    %add3A_701 = vector.broadcast %add3A_700 : f32 to vector<16xf32>
    %add3A_702 = arith.addf %add3A_701, %exp3A_699 : vector<16xf32>
    %div3A_703 = arith.constant 1.000000e+00 : f32
    %div3A_704 = vector.broadcast %div3A_703 : f32 to vector<16xf32>
    %div3A_705 = arith.divf %div3A_704, %add3A_702 : vector<16xf32>
    %neg3A_706 = arith.constant 0.000000e+00 : f32
    %neg3A_707 = vector.broadcast %neg3A_706 : f32 to vector<16xf32>
    %neg3A_708 = arith.subf %neg3A_707, %get3A_635 : vector<16xf32>
    %exp3A_709 = math.exp %neg3A_708 : vector<16xf32>
    %add3A_710 = arith.constant 1.000000e+00 : f32
    %add3A_711 = vector.broadcast %add3A_710 : f32 to vector<16xf32>
    %add3A_712 = arith.addf %add3A_711, %exp3A_709 : vector<16xf32>
    %div3A_713 = arith.constant 1.000000e+00 : f32
    %div3A_714 = vector.broadcast %div3A_713 : f32 to vector<16xf32>
    %div3A_715 = arith.divf %div3A_714, %add3A_712 : vector<16xf32>
    %swap3A_716 = arith.constant 2 : i32
    %swap3A_717 = arith.constant 0 : i32
    %swap3A_718 = tpu.memref_slice %arg6[%swap3A_716, %swap3A_717] : memref<8x128xf32, #tpu.memory_space<vmem>> -> memref<1x128xf32, #tpu.memory_space<vmem>>
    %swap3A_719 = tpu.memref_squeeze %swap3A_718 : memref<1x128xf32, #tpu.memory_space<vmem>> -> memref<128xf32, #tpu.memory_space<vmem>>
    %swap3A_720 = arith.constant 0 : index
    %swap3A_721 = tpu.vector_load %swap3A_719[%swap3A_720] {strides = array<i32>} : memref<128xf32, #tpu.memory_space<vmem>>, vector<16xf32>,
    %swap3A_722 = vector.shape_cast %swap3A_721 : vector<16xf32> to vector<16xf32>
    %swap3A_723 = vector.shape_cast %div3A_645 : vector<16xf32> to vector<16xf32>
    tpu.vector_store %swap3A_719[%swap3A_720], %swap3A_723 {strides = array<i32>} : memref<128xf32, #tpu.memory_space<vmem>>, vector<16xf32>,
    %swap3A_724 = arith.constant 2 : i32
    %swap3A_725 = arith.constant 0 : i32
    %swap3A_726 = tpu.memref_slice %arg6[%swap3A_724, %swap3A_725] : memref<8x128xf32, #tpu.memory_space<vmem>> -> memref<1x128xf32, #tpu.memory_space<vmem>>
    %swap3A_727 = tpu.memref_squeeze %swap3A_726 : memref<1x128xf32, #tpu.memory_space<vmem>> -> memref<128xf32, #tpu.memory_space<vmem>>
    %swap3A_728 = arith.constant 16 : index
    %swap3A_729 = tpu.vector_load %swap3A_727[%swap3A_728] {strides = array<i32>} : memref<128xf32, #tpu.memory_space<vmem>>, vector<16xf32>,
    %swap3A_730 = vector.shape_cast %swap3A_729 : vector<16xf32> to vector<16xf32>
    %swap3A_731 = vector.shape_cast %div3A_655 : vector<16xf32> to vector<16xf32>
    tpu.vector_store %swap3A_727[%swap3A_728], %swap3A_731 {strides = array<i32>} : memref<128xf32, #tpu.memory_space<vmem>>, vector<16xf32>,
    %swap3A_732 = arith.constant 2 : i32
    %swap3A_733 = arith.constant 0 : i32
    %swap3A_734 = tpu.memref_slice %arg6[%swap3A_732, %swap3A_733] : memref<8x128xf32, #tpu.memory_space<vmem>> -> memref<1x128xf32, #tpu.memory_space<vmem>>
    %swap3A_735 = tpu.memref_squeeze %swap3A_734 : memref<1x128xf32, #tpu.memory_space<vmem>> -> memref<128xf32, #tpu.memory_space<vmem>>
    %swap3A_736 = arith.constant 32 : index
    %swap3A_737 = tpu.vector_load %swap3A_735[%swap3A_736] {strides = array<i32>} : memref<128xf32, #tpu.memory_space<vmem>>, vector<16xf32>,
    %swap3A_738 = vector.shape_cast %swap3A_737 : vector<16xf32> to vector<16xf32>
    %swap3A_739 = vector.shape_cast %div3A_665 : vector<16xf32> to vector<16xf32>
    tpu.vector_store %swap3A_735[%swap3A_736], %swap3A_739 {strides = array<i32>} : memref<128xf32, #tpu.memory_space<vmem>>, vector<16xf32>,
    %swap3A_740 = arith.constant 2 : i32
    %swap3A_741 = arith.constant 0 : i32
    %swap3A_742 = tpu.memref_slice %arg6[%swap3A_740, %swap3A_741] : memref<8x128xf32, #tpu.memory_space<vmem>> -> memref<1x128xf32, #tpu.memory_space<vmem>>
    %swap3A_743 = tpu.memref_squeeze %swap3A_742 : memref<1x128xf32, #tpu.memory_space<vmem>> -> memref<128xf32, #tpu.memory_space<vmem>>
    %swap3A_744 = arith.constant 48 : index
    %swap3A_745 = tpu.vector_load %swap3A_743[%swap3A_744] {strides = array<i32>} : memref<128xf32, #tpu.memory_space<vmem>>, vector<16xf32>,
    %swap3A_746 = vector.shape_cast %swap3A_745 : vector<16xf32> to vector<16xf32>
    %swap3A_747 = vector.shape_cast %div3A_675 : vector<16xf32> to vector<16xf32>
    tpu.vector_store %swap3A_743[%swap3A_744], %swap3A_747 {strides = array<i32>} : memref<128xf32, #tpu.memory_space<vmem>>, vector<16xf32>,
    %swap3A_748 = arith.constant 2 : i32
    %swap3A_749 = arith.constant 0 : i32
    %swap3A_750 = tpu.memref_slice %arg6[%swap3A_748, %swap3A_749] : memref<8x128xf32, #tpu.memory_space<vmem>> -> memref<1x128xf32, #tpu.memory_space<vmem>>
    %swap3A_751 = tpu.memref_squeeze %swap3A_750 : memref<1x128xf32, #tpu.memory_space<vmem>> -> memref<128xf32, #tpu.memory_space<vmem>>
    %swap3A_752 = arith.constant 64 : index
    %swap3A_753 = tpu.vector_load %swap3A_751[%swap3A_752] {strides = array<i32>} : memref<128xf32, #tpu.memory_space<vmem>>, vector<16xf32>,
    %swap3A_754 = vector.shape_cast %swap3A_753 : vector<16xf32> to vector<16xf32>
    %swap3A_755 = vector.shape_cast %div3A_685 : vector<16xf32> to vector<16xf32>
    tpu.vector_store %swap3A_751[%swap3A_752], %swap3A_755 {strides = array<i32>} : memref<128xf32, #tpu.memory_space<vmem>>, vector<16xf32>,
    %swap3A_756 = arith.constant 2 : i32
    %swap3A_757 = arith.constant 0 : i32
    %swap3A_758 = tpu.memref_slice %arg6[%swap3A_756, %swap3A_757] : memref<8x128xf32, #tpu.memory_space<vmem>> -> memref<1x128xf32, #tpu.memory_space<vmem>>
    %swap3A_759 = tpu.memref_squeeze %swap3A_758 : memref<1x128xf32, #tpu.memory_space<vmem>> -> memref<128xf32, #tpu.memory_space<vmem>>
    %swap3A_760 = arith.constant 80 : index
    %swap3A_761 = tpu.vector_load %swap3A_759[%swap3A_760] {strides = array<i32>} : memref<128xf32, #tpu.memory_space<vmem>>, vector<16xf32>,
    %swap3A_762 = vector.shape_cast %swap3A_761 : vector<16xf32> to vector<16xf32>
    %swap3A_763 = vector.shape_cast %div3A_695 : vector<16xf32> to vector<16xf32>
    tpu.vector_store %swap3A_759[%swap3A_760], %swap3A_763 {strides = array<i32>} : memref<128xf32, #tpu.memory_space<vmem>>, vector<16xf32>,
    %swap3A_764 = arith.constant 2 : i32
    %swap3A_765 = arith.constant 0 : i32
    %swap3A_766 = tpu.memref_slice %arg6[%swap3A_764, %swap3A_765] : memref<8x128xf32, #tpu.memory_space<vmem>> -> memref<1x128xf32, #tpu.memory_space<vmem>>
    %swap3A_767 = tpu.memref_squeeze %swap3A_766 : memref<1x128xf32, #tpu.memory_space<vmem>> -> memref<128xf32, #tpu.memory_space<vmem>>
    %swap3A_768 = arith.constant 96 : index
    %swap3A_769 = tpu.vector_load %swap3A_767[%swap3A_768] {strides = array<i32>} : memref<128xf32, #tpu.memory_space<vmem>>, vector<16xf32>,
    %swap3A_770 = vector.shape_cast %swap3A_769 : vector<16xf32> to vector<16xf32>
    %swap3A_771 = vector.shape_cast %div3A_705 : vector<16xf32> to vector<16xf32>
    tpu.vector_store %swap3A_767[%swap3A_768], %swap3A_771 {strides = array<i32>} : memref<128xf32, #tpu.memory_space<vmem>>, vector<16xf32>,
    %swap3A_772 = arith.constant 2 : i32
    %swap3A_773 = arith.constant 0 : i32
    %swap3A_774 = tpu.memref_slice %arg6[%swap3A_772, %swap3A_773] : memref<8x128xf32, #tpu.memory_space<vmem>> -> memref<1x128xf32, #tpu.memory_space<vmem>>
    %swap3A_775 = tpu.memref_squeeze %swap3A_774 : memref<1x128xf32, #tpu.memory_space<vmem>> -> memref<128xf32, #tpu.memory_space<vmem>>
    %swap3A_776 = arith.constant 112 : index
    %swap3A_777 = tpu.vector_load %swap3A_775[%swap3A_776] {strides = array<i32>} : memref<128xf32, #tpu.memory_space<vmem>>, vector<16xf32>,
    %swap3A_778 = vector.shape_cast %swap3A_777 : vector<16xf32> to vector<16xf32>
    %swap3A_779 = vector.shape_cast %div3A_715 : vector<16xf32> to vector<16xf32>
    tpu.vector_store %swap3A_775[%swap3A_776], %swap3A_779 {strides = array<i32>} : memref<128xf32, #tpu.memory_space<vmem>>, vector<16xf32>,
    %add3A_780 = arith.constant 2 : i32
    %add3A_781 = arith.addi %mul3A_2, %add3A_780 : i32
    %dma_start3A_782 = arith.constant 2 : i32
    %dma_start3A_783 = arith.constant 0 : i32
    %dma_start3A_784 = tpu.memref_slice %arg6[%dma_start3A_782, %dma_start3A_783] : memref<8x128xf32, #tpu.memory_space<vmem>> -> memref<1x128xf32, #tpu.memory_space<vmem>>
    %dma_start3A_785 = tpu.memref_squeeze %dma_start3A_784 : memref<1x128xf32, #tpu.memory_space<vmem>> -> memref<128xf32, #tpu.memory_space<vmem>>
    %dma_start3A_786 = arith.constant 0 : i32
    %dma_start3A_787 = tpu.memref_slice %arg4[%add3A_781, %dma_start3A_786] : memref<128x128xf32, #tpu.memory_space<hbm>> -> memref<1x128xf32, #tpu.memory_space<hbm>>
    %dma_start3A_788 = tpu.memref_squeeze %dma_start3A_787 : memref<1x128xf32, #tpu.memory_space<hbm>> -> memref<128xf32, #tpu.memory_space<hbm>>
    %dma_start3A_789 = arith.constant 0 : i32
    %dma_start3A_790 = tpu.memref_slice %arg4[%add3A_781, %dma_start3A_789] : memref<128x128xf32, #tpu.memory_space<hbm>> -> memref<1x128xf32, #tpu.memory_space<hbm>>
    %dma_start3A_791 = tpu.memref_squeeze %dma_start3A_790 : memref<1x128xf32, #tpu.memory_space<hbm>> -> memref<128xf32, #tpu.memory_space<hbm>>
    %dma_start3A_792 = arith.constant 0 : i32
    %dma_start3A_793 = tpu.memref_slice %arg6[%dma_start3A_782, %dma_start3A_792] : memref<8x128xf32, #tpu.memory_space<vmem>> -> memref<1x128xf32, #tpu.memory_space<vmem>>
    %dma_start3A_794 = tpu.memref_squeeze %dma_start3A_793 : memref<1x128xf32, #tpu.memory_space<vmem>> -> memref<128xf32, #tpu.memory_space<vmem>>
    tpu.enqueue_dma source(%dma_start3A_794 : memref<128xf32, #tpu.memory_space<vmem>>) target(%dma_start3A_791 : memref<128xf32, #tpu.memory_space<hbm>>) target_semaphore(%arg9 : memref<!tpu.dma_semaphore, #tpu.memory_space<semaphore_mem>>)
    %dma_wait3A_795 = arith.constant 3 : i32
    %dma_wait3A_796 = arith.constant 3 : i32
    %dma_wait3A_797 = arith.constant 0 : i32
    %dma_wait3A_798 = tpu.memref_slice %arg6[%dma_wait3A_796, %dma_wait3A_797] : memref<8x128xf32, #tpu.memory_space<vmem>> -> memref<1x128xf32, #tpu.memory_space<vmem>>
    %dma_wait3A_799 = tpu.memref_squeeze %dma_wait3A_798 : memref<1x128xf32, #tpu.memory_space<vmem>> -> memref<128xf32, #tpu.memory_space<vmem>>
    %dma_wait3A_800 = arith.constant 0 : i32
    %dma_wait3A_801 = tpu.memref_slice %arg5[%dma_wait3A_795, %dma_wait3A_800] : memref<8x128xi32, #tpu.memory_space<vmem>> -> memref<1x128xi32, #tpu.memory_space<vmem>>
    %dma_wait3A_802 = tpu.memref_squeeze %dma_wait3A_801 : memref<1x128xi32, #tpu.memory_space<vmem>> -> memref<128xi32, #tpu.memory_space<vmem>>
    %dma_wait3A_803 = arith.constant 0 : i32
    %dma_wait3A_804 = tpu.memref_slice %arg2[%dma_wait3A_803] : memref<1000000xf32, #tpu.memory_space<hbm>> -> memref<1000000xf32, #tpu.memory_space<hbm>>
    tpu.wait_indirect_dma semaphore(%arg10 : memref<!tpu.dma_semaphore, #tpu.memory_space<semaphore_mem>>) src(%dma_wait3A_804 : memref<1000000xf32, #tpu.memory_space<hbm>>) dst(%dma_wait3A_799 : memref<128xf32, #tpu.memory_space<vmem>>)
    %get3A_805 = arith.constant 3 : i32
    %get3A_806 = arith.constant 0 : i32
    %get3A_807 = tpu.memref_slice %arg6[%get3A_805, %get3A_806] : memref<8x128xf32, #tpu.memory_space<vmem>> -> memref<1x128xf32, #tpu.memory_space<vmem>>
    %get3A_808 = tpu.memref_squeeze %get3A_807 : memref<1x128xf32, #tpu.memory_space<vmem>> -> memref<128xf32, #tpu.memory_space<vmem>>
    %get3A_809 = arith.constant 0 : index
    %get3A_810 = tpu.vector_load %get3A_808[%get3A_809] {strides = array<i32>} : memref<128xf32, #tpu.memory_space<vmem>>, vector<16xf32>,
    %get3A_811 = vector.shape_cast %get3A_810 : vector<16xf32> to vector<16xf32>
    %get3A_812 = arith.constant 3 : i32
    %get3A_813 = arith.constant 0 : i32
    %get3A_814 = tpu.memref_slice %arg6[%get3A_812, %get3A_813] : memref<8x128xf32, #tpu.memory_space<vmem>> -> memref<1x128xf32, #tpu.memory_space<vmem>>
    %get3A_815 = tpu.memref_squeeze %get3A_814 : memref<1x128xf32, #tpu.memory_space<vmem>> -> memref<128xf32, #tpu.memory_space<vmem>>
    %get3A_816 = arith.constant 16 : index
    %get3A_817 = tpu.vector_load %get3A_815[%get3A_816] {strides = array<i32>} : memref<128xf32, #tpu.memory_space<vmem>>, vector<16xf32>,
    %get3A_818 = vector.shape_cast %get3A_817 : vector<16xf32> to vector<16xf32>
    %get3A_819 = arith.constant 3 : i32
    %get3A_820 = arith.constant 0 : i32
    %get3A_821 = tpu.memref_slice %arg6[%get3A_819, %get3A_820] : memref<8x128xf32, #tpu.memory_space<vmem>> -> memref<1x128xf32, #tpu.memory_space<vmem>>
    %get3A_822 = tpu.memref_squeeze %get3A_821 : memref<1x128xf32, #tpu.memory_space<vmem>> -> memref<128xf32, #tpu.memory_space<vmem>>
    %get3A_823 = arith.constant 32 : index
    %get3A_824 = tpu.vector_load %get3A_822[%get3A_823] {strides = array<i32>} : memref<128xf32, #tpu.memory_space<vmem>>, vector<16xf32>,
    %get3A_825 = vector.shape_cast %get3A_824 : vector<16xf32> to vector<16xf32>
    %get3A_826 = arith.constant 3 : i32
    %get3A_827 = arith.constant 0 : i32
    %get3A_828 = tpu.memref_slice %arg6[%get3A_826, %get3A_827] : memref<8x128xf32, #tpu.memory_space<vmem>> -> memref<1x128xf32, #tpu.memory_space<vmem>>
    %get3A_829 = tpu.memref_squeeze %get3A_828 : memref<1x128xf32, #tpu.memory_space<vmem>> -> memref<128xf32, #tpu.memory_space<vmem>>
    %get3A_830 = arith.constant 48 : index
    %get3A_831 = tpu.vector_load %get3A_829[%get3A_830] {strides = array<i32>} : memref<128xf32, #tpu.memory_space<vmem>>, vector<16xf32>,
    %get3A_832 = vector.shape_cast %get3A_831 : vector<16xf32> to vector<16xf32>
    %get3A_833 = arith.constant 3 : i32
    %get3A_834 = arith.constant 0 : i32
    %get3A_835 = tpu.memref_slice %arg6[%get3A_833, %get3A_834] : memref<8x128xf32, #tpu.memory_space<vmem>> -> memref<1x128xf32, #tpu.memory_space<vmem>>
    %get3A_836 = tpu.memref_squeeze %get3A_835 : memref<1x128xf32, #tpu.memory_space<vmem>> -> memref<128xf32, #tpu.memory_space<vmem>>
    %get3A_837 = arith.constant 64 : index
    %get3A_838 = tpu.vector_load %get3A_836[%get3A_837] {strides = array<i32>} : memref<128xf32, #tpu.memory_space<vmem>>, vector<16xf32>,
    %get3A_839 = vector.shape_cast %get3A_838 : vector<16xf32> to vector<16xf32>
    %get3A_840 = arith.constant 3 : i32
    %get3A_841 = arith.constant 0 : i32
    %get3A_842 = tpu.memref_slice %arg6[%get3A_840, %get3A_841] : memref<8x128xf32, #tpu.memory_space<vmem>> -> memref<1x128xf32, #tpu.memory_space<vmem>>
    %get3A_843 = tpu.memref_squeeze %get3A_842 : memref<1x128xf32, #tpu.memory_space<vmem>> -> memref<128xf32, #tpu.memory_space<vmem>>
    %get3A_844 = arith.constant 80 : index
    %get3A_845 = tpu.vector_load %get3A_843[%get3A_844] {strides = array<i32>} : memref<128xf32, #tpu.memory_space<vmem>>, vector<16xf32>,
    %get3A_846 = vector.shape_cast %get3A_845 : vector<16xf32> to vector<16xf32>
    %get3A_847 = arith.constant 3 : i32
    %get3A_848 = arith.constant 0 : i32
    %get3A_849 = tpu.memref_slice %arg6[%get3A_847, %get3A_848] : memref<8x128xf32, #tpu.memory_space<vmem>> -> memref<1x128xf32, #tpu.memory_space<vmem>>
    %get3A_850 = tpu.memref_squeeze %get3A_849 : memref<1x128xf32, #tpu.memory_space<vmem>> -> memref<128xf32, #tpu.memory_space<vmem>>
    %get3A_851 = arith.constant 96 : index
    %get3A_852 = tpu.vector_load %get3A_850[%get3A_851] {strides = array<i32>} : memref<128xf32, #tpu.memory_space<vmem>>, vector<16xf32>,
    %get3A_853 = vector.shape_cast %get3A_852 : vector<16xf32> to vector<16xf32>
    %get3A_854 = arith.constant 3 : i32
    %get3A_855 = arith.constant 0 : i32
    %get3A_856 = tpu.memref_slice %arg6[%get3A_854, %get3A_855] : memref<8x128xf32, #tpu.memory_space<vmem>> -> memref<1x128xf32, #tpu.memory_space<vmem>>
    %get3A_857 = tpu.memref_squeeze %get3A_856 : memref<1x128xf32, #tpu.memory_space<vmem>> -> memref<128xf32, #tpu.memory_space<vmem>>
    %get3A_858 = arith.constant 112 : index
    %get3A_859 = tpu.vector_load %get3A_857[%get3A_858] {strides = array<i32>} : memref<128xf32, #tpu.memory_space<vmem>>, vector<16xf32>,
    %get3A_860 = vector.shape_cast %get3A_859 : vector<16xf32> to vector<16xf32>
    %neg3A_861 = arith.constant 0.000000e+00 : f32
    %neg3A_862 = vector.broadcast %neg3A_861 : f32 to vector<16xf32>
    %neg3A_863 = arith.subf %neg3A_862, %get3A_811 : vector<16xf32>
    %exp3A_864 = math.exp %neg3A_863 : vector<16xf32>
    %add3A_865 = arith.constant 1.000000e+00 : f32
    %add3A_866 = vector.broadcast %add3A_865 : f32 to vector<16xf32>
    %add3A_867 = arith.addf %add3A_866, %exp3A_864 : vector<16xf32>
    %div3A_868 = arith.constant 1.000000e+00 : f32
    %div3A_869 = vector.broadcast %div3A_868 : f32 to vector<16xf32>
    %div3A_870 = arith.divf %div3A_869, %add3A_867 : vector<16xf32>
    %neg3A_871 = arith.constant 0.000000e+00 : f32
    %neg3A_872 = vector.broadcast %neg3A_871 : f32 to vector<16xf32>
    %neg3A_873 = arith.subf %neg3A_872, %get3A_818 : vector<16xf32>
    %exp3A_874 = math.exp %neg3A_873 : vector<16xf32>
    %add3A_875 = arith.constant 1.000000e+00 : f32
    %add3A_876 = vector.broadcast %add3A_875 : f32 to vector<16xf32>
    %add3A_877 = arith.addf %add3A_876, %exp3A_874 : vector<16xf32>
    %div3A_878 = arith.constant 1.000000e+00 : f32
    %div3A_879 = vector.broadcast %div3A_878 : f32 to vector<16xf32>
    %div3A_880 = arith.divf %div3A_879, %add3A_877 : vector<16xf32>
    %neg3A_881 = arith.constant 0.000000e+00 : f32
    %neg3A_882 = vector.broadcast %neg3A_881 : f32 to vector<16xf32>
    %neg3A_883 = arith.subf %neg3A_882, %get3A_825 : vector<16xf32>
    %exp3A_884 = math.exp %neg3A_883 : vector<16xf32>
    %add3A_885 = arith.constant 1.000000e+00 : f32
    %add3A_886 = vector.broadcast %add3A_885 : f32 to vector<16xf32>
    %add3A_887 = arith.addf %add3A_886, %exp3A_884 : vector<16xf32>
    %div3A_888 = arith.constant 1.000000e+00 : f32
    %div3A_889 = vector.broadcast %div3A_888 : f32 to vector<16xf32>
    %div3A_890 = arith.divf %div3A_889, %add3A_887 : vector<16xf32>
    %neg3A_891 = arith.constant 0.000000e+00 : f32
    %neg3A_892 = vector.broadcast %neg3A_891 : f32 to vector<16xf32>
    %neg3A_893 = arith.subf %neg3A_892, %get3A_832 : vector<16xf32>
    %exp3A_894 = math.exp %neg3A_893 : vector<16xf32>
    %add3A_895 = arith.constant 1.000000e+00 : f32
    %add3A_896 = vector.broadcast %add3A_895 : f32 to vector<16xf32>
    %add3A_897 = arith.addf %add3A_896, %exp3A_894 : vector<16xf32>
    %div3A_898 = arith.constant 1.000000e+00 : f32
    %div3A_899 = vector.broadcast %div3A_898 : f32 to vector<16xf32>
    %div3A_900 = arith.divf %div3A_899, %add3A_897 : vector<16xf32>
    %neg3A_901 = arith.constant 0.000000e+00 : f32
    %neg3A_902 = vector.broadcast %neg3A_901 : f32 to vector<16xf32>
    %neg3A_903 = arith.subf %neg3A_902, %get3A_839 : vector<16xf32>
    %exp3A_904 = math.exp %neg3A_903 : vector<16xf32>
    %add3A_905 = arith.constant 1.000000e+00 : f32
    %add3A_906 = vector.broadcast %add3A_905 : f32 to vector<16xf32>
    %add3A_907 = arith.addf %add3A_906, %exp3A_904 : vector<16xf32>
    %div3A_908 = arith.constant 1.000000e+00 : f32
    %div3A_909 = vector.broadcast %div3A_908 : f32 to vector<16xf32>
    %div3A_910 = arith.divf %div3A_909, %add3A_907 : vector<16xf32>
    %neg3A_911 = arith.constant 0.000000e+00 : f32
    %neg3A_912 = vector.broadcast %neg3A_911 : f32 to vector<16xf32>
    %neg3A_913 = arith.subf %neg3A_912, %get3A_846 : vector<16xf32>
    %exp3A_914 = math.exp %neg3A_913 : vector<16xf32>
    %add3A_915 = arith.constant 1.000000e+00 : f32
    %add3A_916 = vector.broadcast %add3A_915 : f32 to vector<16xf32>
    %add3A_917 = arith.addf %add3A_916, %exp3A_914 : vector<16xf32>
    %div3A_918 = arith.constant 1.000000e+00 : f32
    %div3A_919 = vector.broadcast %div3A_918 : f32 to vector<16xf32>
    %div3A_920 = arith.divf %div3A_919, %add3A_917 : vector<16xf32>
    %neg3A_921 = arith.constant 0.000000e+00 : f32
    %neg3A_922 = vector.broadcast %neg3A_921 : f32 to vector<16xf32>
    %neg3A_923 = arith.subf %neg3A_922, %get3A_853 : vector<16xf32>
    %exp3A_924 = math.exp %neg3A_923 : vector<16xf32>
    %add3A_925 = arith.constant 1.000000e+00 : f32
    %add3A_926 = vector.broadcast %add3A_925 : f32 to vector<16xf32>
    %add3A_927 = arith.addf %add3A_926, %exp3A_924 : vector<16xf32>
    %div3A_928 = arith.constant 1.000000e+00 : f32
    %div3A_929 = vector.broadcast %div3A_928 : f32 to vector<16xf32>
    %div3A_930 = arith.divf %div3A_929, %add3A_927 : vector<16xf32>
    %neg3A_931 = arith.constant 0.000000e+00 : f32
    %neg3A_932 = vector.broadcast %neg3A_931 : f32 to vector<16xf32>
    %neg3A_933 = arith.subf %neg3A_932, %get3A_860 : vector<16xf32>
    %exp3A_934 = math.exp %neg3A_933 : vector<16xf32>
    %add3A_935 = arith.constant 1.000000e+00 : f32
    %add3A_936 = vector.broadcast %add3A_935 : f32 to vector<16xf32>
    %add3A_937 = arith.addf %add3A_936, %exp3A_934 : vector<16xf32>
    %div3A_938 = arith.constant 1.000000e+00 : f32
    %div3A_939 = vector.broadcast %div3A_938 : f32 to vector<16xf32>
    %div3A_940 = arith.divf %div3A_939, %add3A_937 : vector<16xf32>
    %swap3A_941 = arith.constant 3 : i32
    %swap3A_942 = arith.constant 0 : i32
    %swap3A_943 = tpu.memref_slice %arg6[%swap3A_941, %swap3A_942] : memref<8x128xf32, #tpu.memory_space<vmem>> -> memref<1x128xf32, #tpu.memory_space<vmem>>
    %swap3A_944 = tpu.memref_squeeze %swap3A_943 : memref<1x128xf32, #tpu.memory_space<vmem>> -> memref<128xf32, #tpu.memory_space<vmem>>
    %swap3A_945 = arith.constant 0 : index
    %swap3A_946 = tpu.vector_load %swap3A_944[%swap3A_945] {strides = array<i32>} : memref<128xf32, #tpu.memory_space<vmem>>, vector<16xf32>,
    %swap3A_947 = vector.shape_cast %swap3A_946 : vector<16xf32> to vector<16xf32>
    %swap3A_948 = vector.shape_cast %div3A_870 : vector<16xf32> to vector<16xf32>
    tpu.vector_store %swap3A_944[%swap3A_945], %swap3A_948 {strides = array<i32>} : memref<128xf32, #tpu.memory_space<vmem>>, vector<16xf32>,
    %swap3A_949 = arith.constant 3 : i32
    %swap3A_950 = arith.constant 0 : i32
    %swap3A_951 = tpu.memref_slice %arg6[%swap3A_949, %swap3A_950] : memref<8x128xf32, #tpu.memory_space<vmem>> -> memref<1x128xf32, #tpu.memory_space<vmem>>
    %swap3A_952 = tpu.memref_squeeze %swap3A_951 : memref<1x128xf32, #tpu.memory_space<vmem>> -> memref<128xf32, #tpu.memory_space<vmem>>
    %swap3A_953 = arith.constant 16 : index
    %swap3A_954 = tpu.vector_load %swap3A_952[%swap3A_953] {strides = array<i32>} : memref<128xf32, #tpu.memory_space<vmem>>, vector<16xf32>,
    %swap3A_955 = vector.shape_cast %swap3A_954 : vector<16xf32> to vector<16xf32>
    %swap3A_956 = vector.shape_cast %div3A_880 : vector<16xf32> to vector<16xf32>
    tpu.vector_store %swap3A_952[%swap3A_953], %swap3A_956 {strides = array<i32>} : memref<128xf32, #tpu.memory_space<vmem>>, vector<16xf32>,
    %swap3A_957 = arith.constant 3 : i32
    %swap3A_958 = arith.constant 0 : i32
    %swap3A_959 = tpu.memref_slice %arg6[%swap3A_957, %swap3A_958] : memref<8x128xf32, #tpu.memory_space<vmem>> -> memref<1x128xf32, #tpu.memory_space<vmem>>
    %swap3A_960 = tpu.memref_squeeze %swap3A_959 : memref<1x128xf32, #tpu.memory_space<vmem>> -> memref<128xf32, #tpu.memory_space<vmem>>
    %swap3A_961 = arith.constant 32 : index
    %swap3A_962 = tpu.vector_load %swap3A_960[%swap3A_961] {strides = array<i32>} : memref<128xf32, #tpu.memory_space<vmem>>, vector<16xf32>,
    %swap3A_963 = vector.shape_cast %swap3A_962 : vector<16xf32> to vector<16xf32>
    %swap3A_964 = vector.shape_cast %div3A_890 : vector<16xf32> to vector<16xf32>
    tpu.vector_store %swap3A_960[%swap3A_961], %swap3A_964 {strides = array<i32>} : memref<128xf32, #tpu.memory_space<vmem>>, vector<16xf32>,
    %swap3A_965 = arith.constant 3 : i32
    %swap3A_966 = arith.constant 0 : i32
    %swap3A_967 = tpu.memref_slice %arg6[%swap3A_965, %swap3A_966] : memref<8x128xf32, #tpu.memory_space<vmem>> -> memref<1x128xf32, #tpu.memory_space<vmem>>
    %swap3A_968 = tpu.memref_squeeze %swap3A_967 : memref<1x128xf32, #tpu.memory_space<vmem>> -> memref<128xf32, #tpu.memory_space<vmem>>
    %swap3A_969 = arith.constant 48 : index
    %swap3A_970 = tpu.vector_load %swap3A_968[%swap3A_969] {strides = array<i32>} : memref<128xf32, #tpu.memory_space<vmem>>, vector<16xf32>,
    %swap3A_971 = vector.shape_cast %swap3A_970 : vector<16xf32> to vector<16xf32>
    %swap3A_972 = vector.shape_cast %div3A_900 : vector<16xf32> to vector<16xf32>
    tpu.vector_store %swap3A_968[%swap3A_969], %swap3A_972 {strides = array<i32>} : memref<128xf32, #tpu.memory_space<vmem>>, vector<16xf32>,
    %swap3A_973 = arith.constant 3 : i32
    %swap3A_974 = arith.constant 0 : i32
    %swap3A_975 = tpu.memref_slice %arg6[%swap3A_973, %swap3A_974] : memref<8x128xf32, #tpu.memory_space<vmem>> -> memref<1x128xf32, #tpu.memory_space<vmem>>
    %swap3A_976 = tpu.memref_squeeze %swap3A_975 : memref<1x128xf32, #tpu.memory_space<vmem>> -> memref<128xf32, #tpu.memory_space<vmem>>
    %swap3A_977 = arith.constant 64 : index
    %swap3A_978 = tpu.vector_load %swap3A_976[%swap3A_977] {strides = array<i32>} : memref<128xf32, #tpu.memory_space<vmem>>, vector<16xf32>,
    %swap3A_979 = vector.shape_cast %swap3A_978 : vector<16xf32> to vector<16xf32>
    %swap3A_980 = vector.shape_cast %div3A_910 : vector<16xf32> to vector<16xf32>
    tpu.vector_store %swap3A_976[%swap3A_977], %swap3A_980 {strides = array<i32>} : memref<128xf32, #tpu.memory_space<vmem>>, vector<16xf32>,
    %swap3A_981 = arith.constant 3 : i32
    %swap3A_982 = arith.constant 0 : i32
    %swap3A_983 = tpu.memref_slice %arg6[%swap3A_981, %swap3A_982] : memref<8x128xf32, #tpu.memory_space<vmem>> -> memref<1x128xf32, #tpu.memory_space<vmem>>
    %swap3A_984 = tpu.memref_squeeze %swap3A_983 : memref<1x128xf32, #tpu.memory_space<vmem>> -> memref<128xf32, #tpu.memory_space<vmem>>
    %swap3A_985 = arith.constant 80 : index
    %swap3A_986 = tpu.vector_load %swap3A_984[%swap3A_985] {strides = array<i32>} : memref<128xf32, #tpu.memory_space<vmem>>, vector<16xf32>,
    %swap3A_987 = vector.shape_cast %swap3A_986 : vector<16xf32> to vector<16xf32>
    %swap3A_988 = vector.shape_cast %div3A_920 : vector<16xf32> to vector<16xf32>
    tpu.vector_store %swap3A_984[%swap3A_985], %swap3A_988 {strides = array<i32>} : memref<128xf32, #tpu.memory_space<vmem>>, vector<16xf32>,
    %swap3A_989 = arith.constant 3 : i32
    %swap3A_990 = arith.constant 0 : i32
    %swap3A_991 = tpu.memref_slice %arg6[%swap3A_989, %swap3A_990] : memref<8x128xf32, #tpu.memory_space<vmem>> -> memref<1x128xf32, #tpu.memory_space<vmem>>
    %swap3A_992 = tpu.memref_squeeze %swap3A_991 : memref<1x128xf32, #tpu.memory_space<vmem>> -> memref<128xf32, #tpu.memory_space<vmem>>
    %swap3A_993 = arith.constant 96 : index
    %swap3A_994 = tpu.vector_load %swap3A_992[%swap3A_993] {strides = array<i32>} : memref<128xf32, #tpu.memory_space<vmem>>, vector<16xf32>,
    %swap3A_995 = vector.shape_cast %swap3A_994 : vector<16xf32> to vector<16xf32>
    %swap3A_996 = vector.shape_cast %div3A_930 : vector<16xf32> to vector<16xf32>
    tpu.vector_store %swap3A_992[%swap3A_993], %swap3A_996 {strides = array<i32>} : memref<128xf32, #tpu.memory_space<vmem>>, vector<16xf32>,
    %swap3A_997 = arith.constant 3 : i32
    %swap3A_998 = arith.constant 0 : i32
    %swap3A_999 = tpu.memref_slice %arg6[%swap3A_997, %swap3A_998] : memref<8x128xf32, #tpu.memory_space<vmem>> -> memref<1x128xf32, #tpu.memory_space<vmem>>
    %swap3A_1000 = tpu.memref_squeeze %swap3A_999 : memref<1x128xf32, #tpu.memory_space<vmem>> -> memref<128xf32, #tpu.memory_space<vmem>>
    %swap3A_1001 = arith.constant 112 : index
    %swap3A_1002 = tpu.vector_load %swap3A_1000[%swap3A_1001] {strides = array<i32>} : memref<128xf32, #tpu.memory_space<vmem>>, vector<16xf32>,
    %swap3A_1003 = vector.shape_cast %swap3A_1002 : vector<16xf32> to vector<16xf32>
    %swap3A_1004 = vector.shape_cast %div3A_940 : vector<16xf32> to vector<16xf32>
    tpu.vector_store %swap3A_1000[%swap3A_1001], %swap3A_1004 {strides = array<i32>} : memref<128xf32, #tpu.memory_space<vmem>>, vector<16xf32>,
    %add3A_1005 = arith.constant 3 : i32
    %add3A_1006 = arith.addi %mul3A_2, %add3A_1005 : i32
    %dma_start3A_1007 = arith.constant 3 : i32
    %dma_start3A_1008 = arith.constant 0 : i32
    %dma_start3A_1009 = tpu.memref_slice %arg6[%dma_start3A_1007, %dma_start3A_1008] : memref<8x128xf32, #tpu.memory_space<vmem>> -> memref<1x128xf32, #tpu.memory_space<vmem>>
    %dma_start3A_1010 = tpu.memref_squeeze %dma_start3A_1009 : memref<1x128xf32, #tpu.memory_space<vmem>> -> memref<128xf32, #tpu.memory_space<vmem>>
    %dma_start3A_1011 = arith.constant 0 : i32
    %dma_start3A_1012 = tpu.memref_slice %arg4[%add3A_1006, %dma_start3A_1011] : memref<128x128xf32, #tpu.memory_space<hbm>> -> memref<1x128xf32, #tpu.memory_space<hbm>>
    %dma_start3A_1013 = tpu.memref_squeeze %dma_start3A_1012 : memref<1x128xf32, #tpu.memory_space<hbm>> -> memref<128xf32, #tpu.memory_space<hbm>>
    %dma_start3A_1014 = arith.constant 0 : i32
    %dma_start3A_1015 = tpu.memref_slice %arg4[%add3A_1006, %dma_start3A_1014] : memref<128x128xf32, #tpu.memory_space<hbm>> -> memref<1x128xf32, #tpu.memory_space<hbm>>
    %dma_start3A_1016 = tpu.memref_squeeze %dma_start3A_1015 : memref<1x128xf32, #tpu.memory_space<hbm>> -> memref<128xf32, #tpu.memory_space<hbm>>
    %dma_start3A_1017 = arith.constant 0 : i32
    %dma_start3A_1018 = tpu.memref_slice %arg6[%dma_start3A_1007, %dma_start3A_1017] : memref<8x128xf32, #tpu.memory_space<vmem>> -> memref<1x128xf32, #tpu.memory_space<vmem>>
    %dma_start3A_1019 = tpu.memref_squeeze %dma_start3A_1018 : memref<1x128xf32, #tpu.memory_space<vmem>> -> memref<128xf32, #tpu.memory_space<vmem>>
    tpu.enqueue_dma source(%dma_start3A_1019 : memref<128xf32, #tpu.memory_space<vmem>>) target(%dma_start3A_1016 : memref<128xf32, #tpu.memory_space<hbm>>) target_semaphore(%arg10 : memref<!tpu.dma_semaphore, #tpu.memory_space<semaphore_mem>>)
    %dma_wait3A_1020 = arith.constant 4 : i32
    %dma_wait3A_1021 = arith.constant 4 : i32
    %dma_wait3A_1022 = arith.constant 0 : i32
    %dma_wait3A_1023 = tpu.memref_slice %arg6[%dma_wait3A_1021, %dma_wait3A_1022] : memref<8x128xf32, #tpu.memory_space<vmem>> -> memref<1x128xf32, #tpu.memory_space<vmem>>
    %dma_wait3A_1024 = tpu.memref_squeeze %dma_wait3A_1023 : memref<1x128xf32, #tpu.memory_space<vmem>> -> memref<128xf32, #tpu.memory_space<vmem>>
    %dma_wait3A_1025 = arith.constant 0 : i32
    %dma_wait3A_1026 = tpu.memref_slice %arg5[%dma_wait3A_1020, %dma_wait3A_1025] : memref<8x128xi32, #tpu.memory_space<vmem>> -> memref<1x128xi32, #tpu.memory_space<vmem>>
    %dma_wait3A_1027 = tpu.memref_squeeze %dma_wait3A_1026 : memref<1x128xi32, #tpu.memory_space<vmem>> -> memref<128xi32, #tpu.memory_space<vmem>>
    %dma_wait3A_1028 = arith.constant 0 : i32
    %dma_wait3A_1029 = tpu.memref_slice %arg2[%dma_wait3A_1028] : memref<1000000xf32, #tpu.memory_space<hbm>> -> memref<1000000xf32, #tpu.memory_space<hbm>>
    tpu.wait_indirect_dma semaphore(%arg11 : memref<!tpu.dma_semaphore, #tpu.memory_space<semaphore_mem>>) src(%dma_wait3A_1029 : memref<1000000xf32, #tpu.memory_space<hbm>>) dst(%dma_wait3A_1024 : memref<128xf32, #tpu.memory_space<vmem>>)
    %get3A_1030 = arith.constant 4 : i32
    %get3A_1031 = arith.constant 0 : i32
    %get3A_1032 = tpu.memref_slice %arg6[%get3A_1030, %get3A_1031] : memref<8x128xf32, #tpu.memory_space<vmem>> -> memref<1x128xf32, #tpu.memory_space<vmem>>
    %get3A_1033 = tpu.memref_squeeze %get3A_1032 : memref<1x128xf32, #tpu.memory_space<vmem>> -> memref<128xf32, #tpu.memory_space<vmem>>
    %get3A_1034 = arith.constant 0 : index
    %get3A_1035 = tpu.vector_load %get3A_1033[%get3A_1034] {strides = array<i32>} : memref<128xf32, #tpu.memory_space<vmem>>, vector<16xf32>,
    %get3A_1036 = vector.shape_cast %get3A_1035 : vector<16xf32> to vector<16xf32>
    %get3A_1037 = arith.constant 4 : i32
    %get3A_1038 = arith.constant 0 : i32
    %get3A_1039 = tpu.memref_slice %arg6[%get3A_1037, %get3A_1038] : memref<8x128xf32, #tpu.memory_space<vmem>> -> memref<1x128xf32, #tpu.memory_space<vmem>>
    %get3A_1040 = tpu.memref_squeeze %get3A_1039 : memref<1x128xf32, #tpu.memory_space<vmem>> -> memref<128xf32, #tpu.memory_space<vmem>>
    %get3A_1041 = arith.constant 16 : index
    %get3A_1042 = tpu.vector_load %get3A_1040[%get3A_1041] {strides = array<i32>} : memref<128xf32, #tpu.memory_space<vmem>>, vector<16xf32>,
    %get3A_1043 = vector.shape_cast %get3A_1042 : vector<16xf32> to vector<16xf32>
    %get3A_1044 = arith.constant 4 : i32
    %get3A_1045 = arith.constant 0 : i32
    %get3A_1046 = tpu.memref_slice %arg6[%get3A_1044, %get3A_1045] : memref<8x128xf32, #tpu.memory_space<vmem>> -> memref<1x128xf32, #tpu.memory_space<vmem>>
    %get3A_1047 = tpu.memref_squeeze %get3A_1046 : memref<1x128xf32, #tpu.memory_space<vmem>> -> memref<128xf32, #tpu.memory_space<vmem>>
    %get3A_1048 = arith.constant 32 : index
    %get3A_1049 = tpu.vector_load %get3A_1047[%get3A_1048] {strides = array<i32>} : memref<128xf32, #tpu.memory_space<vmem>>, vector<16xf32>,
    %get3A_1050 = vector.shape_cast %get3A_1049 : vector<16xf32> to vector<16xf32>
    %get3A_1051 = arith.constant 4 : i32
    %get3A_1052 = arith.constant 0 : i32
    %get3A_1053 = tpu.memref_slice %arg6[%get3A_1051, %get3A_1052] : memref<8x128xf32, #tpu.memory_space<vmem>> -> memref<1x128xf32, #tpu.memory_space<vmem>>
    %get3A_1054 = tpu.memref_squeeze %get3A_1053 : memref<1x128xf32, #tpu.memory_space<vmem>> -> memref<128xf32, #tpu.memory_space<vmem>>
    %get3A_1055 = arith.constant 48 : index
    %get3A_1056 = tpu.vector_load %get3A_1054[%get3A_1055] {strides = array<i32>} : memref<128xf32, #tpu.memory_space<vmem>>, vector<16xf32>,
    %get3A_1057 = vector.shape_cast %get3A_1056 : vector<16xf32> to vector<16xf32>
    %get3A_1058 = arith.constant 4 : i32
    %get3A_1059 = arith.constant 0 : i32
    %get3A_1060 = tpu.memref_slice %arg6[%get3A_1058, %get3A_1059] : memref<8x128xf32, #tpu.memory_space<vmem>> -> memref<1x128xf32, #tpu.memory_space<vmem>>
    %get3A_1061 = tpu.memref_squeeze %get3A_1060 : memref<1x128xf32, #tpu.memory_space<vmem>> -> memref<128xf32, #tpu.memory_space<vmem>>
    %get3A_1062 = arith.constant 64 : index
    %get3A_1063 = tpu.vector_load %get3A_1061[%get3A_1062] {strides = array<i32>} : memref<128xf32, #tpu.memory_space<vmem>>, vector<16xf32>,
    %get3A_1064 = vector.shape_cast %get3A_1063 : vector<16xf32> to vector<16xf32>
    %get3A_1065 = arith.constant 4 : i32
    %get3A_1066 = arith.constant 0 : i32
    %get3A_1067 = tpu.memref_slice %arg6[%get3A_1065, %get3A_1066] : memref<8x128xf32, #tpu.memory_space<vmem>> -> memref<1x128xf32, #tpu.memory_space<vmem>>
    %get3A_1068 = tpu.memref_squeeze %get3A_1067 : memref<1x128xf32, #tpu.memory_space<vmem>> -> memref<128xf32, #tpu.memory_space<vmem>>
    %get3A_1069 = arith.constant 80 : index
    %get3A_1070 = tpu.vector_load %get3A_1068[%get3A_1069] {strides = array<i32>} : memref<128xf32, #tpu.memory_space<vmem>>, vector<16xf32>,
    %get3A_1071 = vector.shape_cast %get3A_1070 : vector<16xf32> to vector<16xf32>
    %get3A_1072 = arith.constant 4 : i32
    %get3A_1073 = arith.constant 0 : i32
    %get3A_1074 = tpu.memref_slice %arg6[%get3A_1072, %get3A_1073] : memref<8x128xf32, #tpu.memory_space<vmem>> -> memref<1x128xf32, #tpu.memory_space<vmem>>
    %get3A_1075 = tpu.memref_squeeze %get3A_1074 : memref<1x128xf32, #tpu.memory_space<vmem>> -> memref<128xf32, #tpu.memory_space<vmem>>
    %get3A_1076 = arith.constant 96 : index
    %get3A_1077 = tpu.vector_load %get3A_1075[%get3A_1076] {strides = array<i32>} : memref<128xf32, #tpu.memory_space<vmem>>, vector<16xf32>,
    %get3A_1078 = vector.shape_cast %get3A_1077 : vector<16xf32> to vector<16xf32>
    %get3A_1079 = arith.constant 4 : i32
    %get3A_1080 = arith.constant 0 : i32
    %get3A_1081 = tpu.memref_slice %arg6[%get3A_1079, %get3A_1080] : memref<8x128xf32, #tpu.memory_space<vmem>> -> memref<1x128xf32, #tpu.memory_space<vmem>>
    %get3A_1082 = tpu.memref_squeeze %get3A_1081 : memref<1x128xf32, #tpu.memory_space<vmem>> -> memref<128xf32, #tpu.memory_space<vmem>>
    %get3A_1083 = arith.constant 112 : index
    %get3A_1084 = tpu.vector_load %get3A_1082[%get3A_1083] {strides = array<i32>} : memref<128xf32, #tpu.memory_space<vmem>>, vector<16xf32>,
    %get3A_1085 = vector.shape_cast %get3A_1084 : vector<16xf32> to vector<16xf32>
    %neg3A_1086 = arith.constant 0.000000e+00 : f32
    %neg3A_1087 = vector.broadcast %neg3A_1086 : f32 to vector<16xf32>
    %neg3A_1088 = arith.subf %neg3A_1087, %get3A_1036 : vector<16xf32>
    %exp3A_1089 = math.exp %neg3A_1088 : vector<16xf32>
    %add3A_1090 = arith.constant 1.000000e+00 : f32
    %add3A_1091 = vector.broadcast %add3A_1090 : f32 to vector<16xf32>
    %add3A_1092 = arith.addf %add3A_1091, %exp3A_1089 : vector<16xf32>
    %div3A_1093 = arith.constant 1.000000e+00 : f32
    %div3A_1094 = vector.broadcast %div3A_1093 : f32 to vector<16xf32>
    %div3A_1095 = arith.divf %div3A_1094, %add3A_1092 : vector<16xf32>
    %neg3A_1096 = arith.constant 0.000000e+00 : f32
    %neg3A_1097 = vector.broadcast %neg3A_1096 : f32 to vector<16xf32>
    %neg3A_1098 = arith.subf %neg3A_1097, %get3A_1043 : vector<16xf32>
    %exp3A_1099 = math.exp %neg3A_1098 : vector<16xf32>
    %add3A_1100 = arith.constant 1.000000e+00 : f32
    %add3A_1101 = vector.broadcast %add3A_1100 : f32 to vector<16xf32>
    %add3A_1102 = arith.addf %add3A_1101, %exp3A_1099 : vector<16xf32>
    %div3A_1103 = arith.constant 1.000000e+00 : f32
    %div3A_1104 = vector.broadcast %div3A_1103 : f32 to vector<16xf32>
    %div3A_1105 = arith.divf %div3A_1104, %add3A_1102 : vector<16xf32>
    %neg3A_1106 = arith.constant 0.000000e+00 : f32
    %neg3A_1107 = vector.broadcast %neg3A_1106 : f32 to vector<16xf32>
    %neg3A_1108 = arith.subf %neg3A_1107, %get3A_1050 : vector<16xf32>
    %exp3A_1109 = math.exp %neg3A_1108 : vector<16xf32>
    %add3A_1110 = arith.constant 1.000000e+00 : f32
    %add3A_1111 = vector.broadcast %add3A_1110 : f32 to vector<16xf32>
    %add3A_1112 = arith.addf %add3A_1111, %exp3A_1109 : vector<16xf32>
    %div3A_1113 = arith.constant 1.000000e+00 : f32
    %div3A_1114 = vector.broadcast %div3A_1113 : f32 to vector<16xf32>
    %div3A_1115 = arith.divf %div3A_1114, %add3A_1112 : vector<16xf32>
    %neg3A_1116 = arith.constant 0.000000e+00 : f32
    %neg3A_1117 = vector.broadcast %neg3A_1116 : f32 to vector<16xf32>
    %neg3A_1118 = arith.subf %neg3A_1117, %get3A_1057 : vector<16xf32>
    %exp3A_1119 = math.exp %neg3A_1118 : vector<16xf32>
    %add3A_1120 = arith.constant 1.000000e+00 : f32
    %add3A_1121 = vector.broadcast %add3A_1120 : f32 to vector<16xf32>
    %add3A_1122 = arith.addf %add3A_1121, %exp3A_1119 : vector<16xf32>
    %div3A_1123 = arith.constant 1.000000e+00 : f32
    %div3A_1124 = vector.broadcast %div3A_1123 : f32 to vector<16xf32>
    %div3A_1125 = arith.divf %div3A_1124, %add3A_1122 : vector<16xf32>
    %neg3A_1126 = arith.constant 0.000000e+00 : f32
    %neg3A_1127 = vector.broadcast %neg3A_1126 : f32 to vector<16xf32>
    %neg3A_1128 = arith.subf %neg3A_1127, %get3A_1064 : vector<16xf32>
    %exp3A_1129 = math.exp %neg3A_1128 : vector<16xf32>
    %add3A_1130 = arith.constant 1.000000e+00 : f32
    %add3A_1131 = vector.broadcast %add3A_1130 : f32 to vector<16xf32>
    %add3A_1132 = arith.addf %add3A_1131, %exp3A_1129 : vector<16xf32>
    %div3A_1133 = arith.constant 1.000000e+00 : f32
    %div3A_1134 = vector.broadcast %div3A_1133 : f32 to vector<16xf32>
    %div3A_1135 = arith.divf %div3A_1134, %add3A_1132 : vector<16xf32>
    %neg3A_1136 = arith.constant 0.000000e+00 : f32
    %neg3A_1137 = vector.broadcast %neg3A_1136 : f32 to vector<16xf32>
    %neg3A_1138 = arith.subf %neg3A_1137, %get3A_1071 : vector<16xf32>
    %exp3A_1139 = math.exp %neg3A_1138 : vector<16xf32>
    %add3A_1140 = arith.constant 1.000000e+00 : f32
    %add3A_1141 = vector.broadcast %add3A_1140 : f32 to vector<16xf32>
    %add3A_1142 = arith.addf %add3A_1141, %exp3A_1139 : vector<16xf32>
    %div3A_1143 = arith.constant 1.000000e+00 : f32
    %div3A_1144 = vector.broadcast %div3A_1143 : f32 to vector<16xf32>
    %div3A_1145 = arith.divf %div3A_1144, %add3A_1142 : vector<16xf32>
    %neg3A_1146 = arith.constant 0.000000e+00 : f32
    %neg3A_1147 = vector.broadcast %neg3A_1146 : f32 to vector<16xf32>
    %neg3A_1148 = arith.subf %neg3A_1147, %get3A_1078 : vector<16xf32>
    %exp3A_1149 = math.exp %neg3A_1148 : vector<16xf32>
    %add3A_1150 = arith.constant 1.000000e+00 : f32
    %add3A_1151 = vector.broadcast %add3A_1150 : f32 to vector<16xf32>
    %add3A_1152 = arith.addf %add3A_1151, %exp3A_1149 : vector<16xf32>
    %div3A_1153 = arith.constant 1.000000e+00 : f32
    %div3A_1154 = vector.broadcast %div3A_1153 : f32 to vector<16xf32>
    %div3A_1155 = arith.divf %div3A_1154, %add3A_1152 : vector<16xf32>
    %neg3A_1156 = arith.constant 0.000000e+00 : f32
    %neg3A_1157 = vector.broadcast %neg3A_1156 : f32 to vector<16xf32>
    %neg3A_1158 = arith.subf %neg3A_1157, %get3A_1085 : vector<16xf32>
    %exp3A_1159 = math.exp %neg3A_1158 : vector<16xf32>
    %add3A_1160 = arith.constant 1.000000e+00 : f32
    %add3A_1161 = vector.broadcast %add3A_1160 : f32 to vector<16xf32>
    %add3A_1162 = arith.addf %add3A_1161, %exp3A_1159 : vector<16xf32>
    %div3A_1163 = arith.constant 1.000000e+00 : f32
    %div3A_1164 = vector.broadcast %div3A_1163 : f32 to vector<16xf32>
    %div3A_1165 = arith.divf %div3A_1164, %add3A_1162 : vector<16xf32>
    %swap3A_1166 = arith.constant 4 : i32
    %swap3A_1167 = arith.constant 0 : i32
    %swap3A_1168 = tpu.memref_slice %arg6[%swap3A_1166, %swap3A_1167] : memref<8x128xf32, #tpu.memory_space<vmem>> -> memref<1x128xf32, #tpu.memory_space<vmem>>
    %swap3A_1169 = tpu.memref_squeeze %swap3A_1168 : memref<1x128xf32, #tpu.memory_space<vmem>> -> memref<128xf32, #tpu.memory_space<vmem>>
    %swap3A_1170 = arith.constant 0 : index
    %swap3A_1171 = tpu.vector_load %swap3A_1169[%swap3A_1170] {strides = array<i32>} : memref<128xf32, #tpu.memory_space<vmem>>, vector<16xf32>,
    %swap3A_1172 = vector.shape_cast %swap3A_1171 : vector<16xf32> to vector<16xf32>
    %swap3A_1173 = vector.shape_cast %div3A_1095 : vector<16xf32> to vector<16xf32>
    tpu.vector_store %swap3A_1169[%swap3A_1170], %swap3A_1173 {strides = array<i32>} : memref<128xf32, #tpu.memory_space<vmem>>, vector<16xf32>,
    %swap3A_1174 = arith.constant 4 : i32
    %swap3A_1175 = arith.constant 0 : i32
    %swap3A_1176 = tpu.memref_slice %arg6[%swap3A_1174, %swap3A_1175] : memref<8x128xf32, #tpu.memory_space<vmem>> -> memref<1x128xf32, #tpu.memory_space<vmem>>
    %swap3A_1177 = tpu.memref_squeeze %swap3A_1176 : memref<1x128xf32, #tpu.memory_space<vmem>> -> memref<128xf32, #tpu.memory_space<vmem>>
    %swap3A_1178 = arith.constant 16 : index
    %swap3A_1179 = tpu.vector_load %swap3A_1177[%swap3A_1178] {strides = array<i32>} : memref<128xf32, #tpu.memory_space<vmem>>, vector<16xf32>,
    %swap3A_1180 = vector.shape_cast %swap3A_1179 : vector<16xf32> to vector<16xf32>
    %swap3A_1181 = vector.shape_cast %div3A_1105 : vector<16xf32> to vector<16xf32>
    tpu.vector_store %swap3A_1177[%swap3A_1178], %swap3A_1181 {strides = array<i32>} : memref<128xf32, #tpu.memory_space<vmem>>, vector<16xf32>,
    %swap3A_1182 = arith.constant 4 : i32
    %swap3A_1183 = arith.constant 0 : i32
    %swap3A_1184 = tpu.memref_slice %arg6[%swap3A_1182, %swap3A_1183] : memref<8x128xf32, #tpu.memory_space<vmem>> -> memref<1x128xf32, #tpu.memory_space<vmem>>
    %swap3A_1185 = tpu.memref_squeeze %swap3A_1184 : memref<1x128xf32, #tpu.memory_space<vmem>> -> memref<128xf32, #tpu.memory_space<vmem>>
    %swap3A_1186 = arith.constant 32 : index
    %swap3A_1187 = tpu.vector_load %swap3A_1185[%swap3A_1186] {strides = array<i32>} : memref<128xf32, #tpu.memory_space<vmem>>, vector<16xf32>,
    %swap3A_1188 = vector.shape_cast %swap3A_1187 : vector<16xf32> to vector<16xf32>
    %swap3A_1189 = vector.shape_cast %div3A_1115 : vector<16xf32> to vector<16xf32>
    tpu.vector_store %swap3A_1185[%swap3A_1186], %swap3A_1189 {strides = array<i32>} : memref<128xf32, #tpu.memory_space<vmem>>, vector<16xf32>,
    %swap3A_1190 = arith.constant 4 : i32
    %swap3A_1191 = arith.constant 0 : i32
    %swap3A_1192 = tpu.memref_slice %arg6[%swap3A_1190, %swap3A_1191] : memref<8x128xf32, #tpu.memory_space<vmem>> -> memref<1x128xf32, #tpu.memory_space<vmem>>
    %swap3A_1193 = tpu.memref_squeeze %swap3A_1192 : memref<1x128xf32, #tpu.memory_space<vmem>> -> memref<128xf32, #tpu.memory_space<vmem>>
    %swap3A_1194 = arith.constant 48 : index
    %swap3A_1195 = tpu.vector_load %swap3A_1193[%swap3A_1194] {strides = array<i32>} : memref<128xf32, #tpu.memory_space<vmem>>, vector<16xf32>,
    %swap3A_1196 = vector.shape_cast %swap3A_1195 : vector<16xf32> to vector<16xf32>
    %swap3A_1197 = vector.shape_cast %div3A_1125 : vector<16xf32> to vector<16xf32>
    tpu.vector_store %swap3A_1193[%swap3A_1194], %swap3A_1197 {strides = array<i32>} : memref<128xf32, #tpu.memory_space<vmem>>, vector<16xf32>,
    %swap3A_1198 = arith.constant 4 : i32
    %swap3A_1199 = arith.constant 0 : i32
    %swap3A_1200 = tpu.memref_slice %arg6[%swap3A_1198, %swap3A_1199] : memref<8x128xf32, #tpu.memory_space<vmem>> -> memref<1x128xf32, #tpu.memory_space<vmem>>
    %swap3A_1201 = tpu.memref_squeeze %swap3A_1200 : memref<1x128xf32, #tpu.memory_space<vmem>> -> memref<128xf32, #tpu.memory_space<vmem>>
    %swap3A_1202 = arith.constant 64 : index
    %swap3A_1203 = tpu.vector_load %swap3A_1201[%swap3A_1202] {strides = array<i32>} : memref<128xf32, #tpu.memory_space<vmem>>, vector<16xf32>,
    %swap3A_1204 = vector.shape_cast %swap3A_1203 : vector<16xf32> to vector<16xf32>
    %swap3A_1205 = vector.shape_cast %div3A_1135 : vector<16xf32> to vector<16xf32>
    tpu.vector_store %swap3A_1201[%swap3A_1202], %swap3A_1205 {strides = array<i32>} : memref<128xf32, #tpu.memory_space<vmem>>, vector<16xf32>,
    %swap3A_1206 = arith.constant 4 : i32
    %swap3A_1207 = arith.constant 0 : i32
    %swap3A_1208 = tpu.memref_slice %arg6[%swap3A_1206, %swap3A_1207] : memref<8x128xf32, #tpu.memory_space<vmem>> -> memref<1x128xf32, #tpu.memory_space<vmem>>
    %swap3A_1209 = tpu.memref_squeeze %swap3A_1208 : memref<1x128xf32, #tpu.memory_space<vmem>> -> memref<128xf32, #tpu.memory_space<vmem>>
    %swap3A_1210 = arith.constant 80 : index
    %swap3A_1211 = tpu.vector_load %swap3A_1209[%swap3A_1210] {strides = array<i32>} : memref<128xf32, #tpu.memory_space<vmem>>, vector<16xf32>,
    %swap3A_1212 = vector.shape_cast %swap3A_1211 : vector<16xf32> to vector<16xf32>
    %swap3A_1213 = vector.shape_cast %div3A_1145 : vector<16xf32> to vector<16xf32>
    tpu.vector_store %swap3A_1209[%swap3A_1210], %swap3A_1213 {strides = array<i32>} : memref<128xf32, #tpu.memory_space<vmem>>, vector<16xf32>,
    %swap3A_1214 = arith.constant 4 : i32
    %swap3A_1215 = arith.constant 0 : i32
    %swap3A_1216 = tpu.memref_slice %arg6[%swap3A_1214, %swap3A_1215] : memref<8x128xf32, #tpu.memory_space<vmem>> -> memref<1x128xf32, #tpu.memory_space<vmem>>
    %swap3A_1217 = tpu.memref_squeeze %swap3A_1216 : memref<1x128xf32, #tpu.memory_space<vmem>> -> memref<128xf32, #tpu.memory_space<vmem>>
    %swap3A_1218 = arith.constant 96 : index
    %swap3A_1219 = tpu.vector_load %swap3A_1217[%swap3A_1218] {strides = array<i32>} : memref<128xf32, #tpu.memory_space<vmem>>, vector<16xf32>,
    %swap3A_1220 = vector.shape_cast %swap3A_1219 : vector<16xf32> to vector<16xf32>
    %swap3A_1221 = vector.shape_cast %div3A_1155 : vector<16xf32> to vector<16xf32>
    tpu.vector_store %swap3A_1217[%swap3A_1218], %swap3A_1221 {strides = array<i32>} : memref<128xf32, #tpu.memory_space<vmem>>, vector<16xf32>,
    %swap3A_1222 = arith.constant 4 : i32
    %swap3A_1223 = arith.constant 0 : i32
    %swap3A_1224 = tpu.memref_slice %arg6[%swap3A_1222, %swap3A_1223] : memref<8x128xf32, #tpu.memory_space<vmem>> -> memref<1x128xf32, #tpu.memory_space<vmem>>
    %swap3A_1225 = tpu.memref_squeeze %swap3A_1224 : memref<1x128xf32, #tpu.memory_space<vmem>> -> memref<128xf32, #tpu.memory_space<vmem>>
    %swap3A_1226 = arith.constant 112 : index
    %swap3A_1227 = tpu.vector_load %swap3A_1225[%swap3A_1226] {strides = array<i32>} : memref<128xf32, #tpu.memory_space<vmem>>, vector<16xf32>,
    %swap3A_1228 = vector.shape_cast %swap3A_1227 : vector<16xf32> to vector<16xf32>
    %swap3A_1229 = vector.shape_cast %div3A_1165 : vector<16xf32> to vector<16xf32>
    tpu.vector_store %swap3A_1225[%swap3A_1226], %swap3A_1229 {strides = array<i32>} : memref<128xf32, #tpu.memory_space<vmem>>, vector<16xf32>,
    %add3A_1230 = arith.constant 4 : i32
    %add3A_1231 = arith.addi %mul3A_2, %add3A_1230 : i32
    %dma_start3A_1232 = arith.constant 4 : i32
    %dma_start3A_1233 = arith.constant 0 : i32
    %dma_start3A_1234 = tpu.memref_slice %arg6[%dma_start3A_1232, %dma_start3A_1233] : memref<8x128xf32, #tpu.memory_space<vmem>> -> memref<1x128xf32, #tpu.memory_space<vmem>>
    %dma_start3A_1235 = tpu.memref_squeeze %dma_start3A_1234 : memref<1x128xf32, #tpu.memory_space<vmem>> -> memref<128xf32, #tpu.memory_space<vmem>>
    %dma_start3A_1236 = arith.constant 0 : i32
    %dma_start3A_1237 = tpu.memref_slice %arg4[%add3A_1231, %dma_start3A_1236] : memref<128x128xf32, #tpu.memory_space<hbm>> -> memref<1x128xf32, #tpu.memory_space<hbm>>
    %dma_start3A_1238 = tpu.memref_squeeze %dma_start3A_1237 : memref<1x128xf32, #tpu.memory_space<hbm>> -> memref<128xf32, #tpu.memory_space<hbm>>
    %dma_start3A_1239 = arith.constant 0 : i32
    %dma_start3A_1240 = tpu.memref_slice %arg4[%add3A_1231, %dma_start3A_1239] : memref<128x128xf32, #tpu.memory_space<hbm>> -> memref<1x128xf32, #tpu.memory_space<hbm>>
    %dma_start3A_1241 = tpu.memref_squeeze %dma_start3A_1240 : memref<1x128xf32, #tpu.memory_space<hbm>> -> memref<128xf32, #tpu.memory_space<hbm>>
    %dma_start3A_1242 = arith.constant 0 : i32
    %dma_start3A_1243 = tpu.memref_slice %arg6[%dma_start3A_1232, %dma_start3A_1242] : memref<8x128xf32, #tpu.memory_space<vmem>> -> memref<1x128xf32, #tpu.memory_space<vmem>>
    %dma_start3A_1244 = tpu.memref_squeeze %dma_start3A_1243 : memref<1x128xf32, #tpu.memory_space<vmem>> -> memref<128xf32, #tpu.memory_space<vmem>>
    tpu.enqueue_dma source(%dma_start3A_1244 : memref<128xf32, #tpu.memory_space<vmem>>) target(%dma_start3A_1241 : memref<128xf32, #tpu.memory_space<hbm>>) target_semaphore(%arg11 : memref<!tpu.dma_semaphore, #tpu.memory_space<semaphore_mem>>)
    %dma_wait3A_1245 = arith.constant 5 : i32
    %dma_wait3A_1246 = arith.constant 5 : i32
    %dma_wait3A_1247 = arith.constant 0 : i32
    %dma_wait3A_1248 = tpu.memref_slice %arg6[%dma_wait3A_1246, %dma_wait3A_1247] : memref<8x128xf32, #tpu.memory_space<vmem>> -> memref<1x128xf32, #tpu.memory_space<vmem>>
    %dma_wait3A_1249 = tpu.memref_squeeze %dma_wait3A_1248 : memref<1x128xf32, #tpu.memory_space<vmem>> -> memref<128xf32, #tpu.memory_space<vmem>>
    %dma_wait3A_1250 = arith.constant 0 : i32
    %dma_wait3A_1251 = tpu.memref_slice %arg5[%dma_wait3A_1245, %dma_wait3A_1250] : memref<8x128xi32, #tpu.memory_space<vmem>> -> memref<1x128xi32, #tpu.memory_space<vmem>>
    %dma_wait3A_1252 = tpu.memref_squeeze %dma_wait3A_1251 : memref<1x128xi32, #tpu.memory_space<vmem>> -> memref<128xi32, #tpu.memory_space<vmem>>
    %dma_wait3A_1253 = arith.constant 0 : i32
    %dma_wait3A_1254 = tpu.memref_slice %arg2[%dma_wait3A_1253] : memref<1000000xf32, #tpu.memory_space<hbm>> -> memref<1000000xf32, #tpu.memory_space<hbm>>
    tpu.wait_indirect_dma semaphore(%arg12 : memref<!tpu.dma_semaphore, #tpu.memory_space<semaphore_mem>>) src(%dma_wait3A_1254 : memref<1000000xf32, #tpu.memory_space<hbm>>) dst(%dma_wait3A_1249 : memref<128xf32, #tpu.memory_space<vmem>>)
    %get3A_1255 = arith.constant 5 : i32
    %get3A_1256 = arith.constant 0 : i32
    %get3A_1257 = tpu.memref_slice %arg6[%get3A_1255, %get3A_1256] : memref<8x128xf32, #tpu.memory_space<vmem>> -> memref<1x128xf32, #tpu.memory_space<vmem>>
    %get3A_1258 = tpu.memref_squeeze %get3A_1257 : memref<1x128xf32, #tpu.memory_space<vmem>> -> memref<128xf32, #tpu.memory_space<vmem>>
    %get3A_1259 = arith.constant 0 : index
    %get3A_1260 = tpu.vector_load %get3A_1258[%get3A_1259] {strides = array<i32>} : memref<128xf32, #tpu.memory_space<vmem>>, vector<16xf32>,
    %get3A_1261 = vector.shape_cast %get3A_1260 : vector<16xf32> to vector<16xf32>
    %get3A_1262 = arith.constant 5 : i32
    %get3A_1263 = arith.constant 0 : i32
    %get3A_1264 = tpu.memref_slice %arg6[%get3A_1262, %get3A_1263] : memref<8x128xf32, #tpu.memory_space<vmem>> -> memref<1x128xf32, #tpu.memory_space<vmem>>
    %get3A_1265 = tpu.memref_squeeze %get3A_1264 : memref<1x128xf32, #tpu.memory_space<vmem>> -> memref<128xf32, #tpu.memory_space<vmem>>
    %get3A_1266 = arith.constant 16 : index
    %get3A_1267 = tpu.vector_load %get3A_1265[%get3A_1266] {strides = array<i32>} : memref<128xf32, #tpu.memory_space<vmem>>, vector<16xf32>,
    %get3A_1268 = vector.shape_cast %get3A_1267 : vector<16xf32> to vector<16xf32>
    %get3A_1269 = arith.constant 5 : i32
    %get3A_1270 = arith.constant 0 : i32
    %get3A_1271 = tpu.memref_slice %arg6[%get3A_1269, %get3A_1270] : memref<8x128xf32, #tpu.memory_space<vmem>> -> memref<1x128xf32, #tpu.memory_space<vmem>>
    %get3A_1272 = tpu.memref_squeeze %get3A_1271 : memref<1x128xf32, #tpu.memory_space<vmem>> -> memref<128xf32, #tpu.memory_space<vmem>>
    %get3A_1273 = arith.constant 32 : index
    %get3A_1274 = tpu.vector_load %get3A_1272[%get3A_1273] {strides = array<i32>} : memref<128xf32, #tpu.memory_space<vmem>>, vector<16xf32>,
    %get3A_1275 = vector.shape_cast %get3A_1274 : vector<16xf32> to vector<16xf32>
    %get3A_1276 = arith.constant 5 : i32
    %get3A_1277 = arith.constant 0 : i32
    %get3A_1278 = tpu.memref_slice %arg6[%get3A_1276, %get3A_1277] : memref<8x128xf32, #tpu.memory_space<vmem>> -> memref<1x128xf32, #tpu.memory_space<vmem>>
    %get3A_1279 = tpu.memref_squeeze %get3A_1278 : memref<1x128xf32, #tpu.memory_space<vmem>> -> memref<128xf32, #tpu.memory_space<vmem>>
    %get3A_1280 = arith.constant 48 : index
    %get3A_1281 = tpu.vector_load %get3A_1279[%get3A_1280] {strides = array<i32>} : memref<128xf32, #tpu.memory_space<vmem>>, vector<16xf32>,
    %get3A_1282 = vector.shape_cast %get3A_1281 : vector<16xf32> to vector<16xf32>
    %get3A_1283 = arith.constant 5 : i32
    %get3A_1284 = arith.constant 0 : i32
    %get3A_1285 = tpu.memref_slice %arg6[%get3A_1283, %get3A_1284] : memref<8x128xf32, #tpu.memory_space<vmem>> -> memref<1x128xf32, #tpu.memory_space<vmem>>
    %get3A_1286 = tpu.memref_squeeze %get3A_1285 : memref<1x128xf32, #tpu.memory_space<vmem>> -> memref<128xf32, #tpu.memory_space<vmem>>
    %get3A_1287 = arith.constant 64 : index
    %get3A_1288 = tpu.vector_load %get3A_1286[%get3A_1287] {strides = array<i32>} : memref<128xf32, #tpu.memory_space<vmem>>, vector<16xf32>,
    %get3A_1289 = vector.shape_cast %get3A_1288 : vector<16xf32> to vector<16xf32>
    %get3A_1290 = arith.constant 5 : i32
    %get3A_1291 = arith.constant 0 : i32
    %get3A_1292 = tpu.memref_slice %arg6[%get3A_1290, %get3A_1291] : memref<8x128xf32, #tpu.memory_space<vmem>> -> memref<1x128xf32, #tpu.memory_space<vmem>>
    %get3A_1293 = tpu.memref_squeeze %get3A_1292 : memref<1x128xf32, #tpu.memory_space<vmem>> -> memref<128xf32, #tpu.memory_space<vmem>>
    %get3A_1294 = arith.constant 80 : index
    %get3A_1295 = tpu.vector_load %get3A_1293[%get3A_1294] {strides = array<i32>} : memref<128xf32, #tpu.memory_space<vmem>>, vector<16xf32>,
    %get3A_1296 = vector.shape_cast %get3A_1295 : vector<16xf32> to vector<16xf32>
    %get3A_1297 = arith.constant 5 : i32
    %get3A_1298 = arith.constant 0 : i32
    %get3A_1299 = tpu.memref_slice %arg6[%get3A_1297, %get3A_1298] : memref<8x128xf32, #tpu.memory_space<vmem>> -> memref<1x128xf32, #tpu.memory_space<vmem>>
    %get3A_1300 = tpu.memref_squeeze %get3A_1299 : memref<1x128xf32, #tpu.memory_space<vmem>> -> memref<128xf32, #tpu.memory_space<vmem>>
    %get3A_1301 = arith.constant 96 : index
    %get3A_1302 = tpu.vector_load %get3A_1300[%get3A_1301] {strides = array<i32>} : memref<128xf32, #tpu.memory_space<vmem>>, vector<16xf32>,
    %get3A_1303 = vector.shape_cast %get3A_1302 : vector<16xf32> to vector<16xf32>
    %get3A_1304 = arith.constant 5 : i32
    %get3A_1305 = arith.constant 0 : i32
    %get3A_1306 = tpu.memref_slice %arg6[%get3A_1304, %get3A_1305] : memref<8x128xf32, #tpu.memory_space<vmem>> -> memref<1x128xf32, #tpu.memory_space<vmem>>
    %get3A_1307 = tpu.memref_squeeze %get3A_1306 : memref<1x128xf32, #tpu.memory_space<vmem>> -> memref<128xf32, #tpu.memory_space<vmem>>
    %get3A_1308 = arith.constant 112 : index
    %get3A_1309 = tpu.vector_load %get3A_1307[%get3A_1308] {strides = array<i32>} : memref<128xf32, #tpu.memory_space<vmem>>, vector<16xf32>,
    %get3A_1310 = vector.shape_cast %get3A_1309 : vector<16xf32> to vector<16xf32>
    %neg3A_1311 = arith.constant 0.000000e+00 : f32
    %neg3A_1312 = vector.broadcast %neg3A_1311 : f32 to vector<16xf32>
    %neg3A_1313 = arith.subf %neg3A_1312, %get3A_1261 : vector<16xf32>
    %exp3A_1314 = math.exp %neg3A_1313 : vector<16xf32>
    %add3A_1315 = arith.constant 1.000000e+00 : f32
    %add3A_1316 = vector.broadcast %add3A_1315 : f32 to vector<16xf32>
    %add3A_1317 = arith.addf %add3A_1316, %exp3A_1314 : vector<16xf32>
    %div3A_1318 = arith.constant 1.000000e+00 : f32
    %div3A_1319 = vector.broadcast %div3A_1318 : f32 to vector<16xf32>
    %div3A_1320 = arith.divf %div3A_1319, %add3A_1317 : vector<16xf32>
    %neg3A_1321 = arith.constant 0.000000e+00 : f32
    %neg3A_1322 = vector.broadcast %neg3A_1321 : f32 to vector<16xf32>
    %neg3A_1323 = arith.subf %neg3A_1322, %get3A_1268 : vector<16xf32>
    %exp3A_1324 = math.exp %neg3A_1323 : vector<16xf32>
    %add3A_1325 = arith.constant 1.000000e+00 : f32
    %add3A_1326 = vector.broadcast %add3A_1325 : f32 to vector<16xf32>
    %add3A_1327 = arith.addf %add3A_1326, %exp3A_1324 : vector<16xf32>
    %div3A_1328 = arith.constant 1.000000e+00 : f32
    %div3A_1329 = vector.broadcast %div3A_1328 : f32 to vector<16xf32>
    %div3A_1330 = arith.divf %div3A_1329, %add3A_1327 : vector<16xf32>
    %neg3A_1331 = arith.constant 0.000000e+00 : f32
    %neg3A_1332 = vector.broadcast %neg3A_1331 : f32 to vector<16xf32>
    %neg3A_1333 = arith.subf %neg3A_1332, %get3A_1275 : vector<16xf32>
    %exp3A_1334 = math.exp %neg3A_1333 : vector<16xf32>
    %add3A_1335 = arith.constant 1.000000e+00 : f32
    %add3A_1336 = vector.broadcast %add3A_1335 : f32 to vector<16xf32>
    %add3A_1337 = arith.addf %add3A_1336, %exp3A_1334 : vector<16xf32>
    %div3A_1338 = arith.constant 1.000000e+00 : f32
    %div3A_1339 = vector.broadcast %div3A_1338 : f32 to vector<16xf32>
    %div3A_1340 = arith.divf %div3A_1339, %add3A_1337 : vector<16xf32>
    %neg3A_1341 = arith.constant 0.000000e+00 : f32
    %neg3A_1342 = vector.broadcast %neg3A_1341 : f32 to vector<16xf32>
    %neg3A_1343 = arith.subf %neg3A_1342, %get3A_1282 : vector<16xf32>
    %exp3A_1344 = math.exp %neg3A_1343 : vector<16xf32>
    %add3A_1345 = arith.constant 1.000000e+00 : f32
    %add3A_1346 = vector.broadcast %add3A_1345 : f32 to vector<16xf32>
    %add3A_1347 = arith.addf %add3A_1346, %exp3A_1344 : vector<16xf32>
    %div3A_1348 = arith.constant 1.000000e+00 : f32
    %div3A_1349 = vector.broadcast %div3A_1348 : f32 to vector<16xf32>
    %div3A_1350 = arith.divf %div3A_1349, %add3A_1347 : vector<16xf32>
    %neg3A_1351 = arith.constant 0.000000e+00 : f32
    %neg3A_1352 = vector.broadcast %neg3A_1351 : f32 to vector<16xf32>
    %neg3A_1353 = arith.subf %neg3A_1352, %get3A_1289 : vector<16xf32>
    %exp3A_1354 = math.exp %neg3A_1353 : vector<16xf32>
    %add3A_1355 = arith.constant 1.000000e+00 : f32
    %add3A_1356 = vector.broadcast %add3A_1355 : f32 to vector<16xf32>
    %add3A_1357 = arith.addf %add3A_1356, %exp3A_1354 : vector<16xf32>
    %div3A_1358 = arith.constant 1.000000e+00 : f32
    %div3A_1359 = vector.broadcast %div3A_1358 : f32 to vector<16xf32>
    %div3A_1360 = arith.divf %div3A_1359, %add3A_1357 : vector<16xf32>
    %neg3A_1361 = arith.constant 0.000000e+00 : f32
    %neg3A_1362 = vector.broadcast %neg3A_1361 : f32 to vector<16xf32>
    %neg3A_1363 = arith.subf %neg3A_1362, %get3A_1296 : vector<16xf32>
    %exp3A_1364 = math.exp %neg3A_1363 : vector<16xf32>
    %add3A_1365 = arith.constant 1.000000e+00 : f32
    %add3A_1366 = vector.broadcast %add3A_1365 : f32 to vector<16xf32>
    %add3A_1367 = arith.addf %add3A_1366, %exp3A_1364 : vector<16xf32>
    %div3A_1368 = arith.constant 1.000000e+00 : f32
    %div3A_1369 = vector.broadcast %div3A_1368 : f32 to vector<16xf32>
    %div3A_1370 = arith.divf %div3A_1369, %add3A_1367 : vector<16xf32>
    %neg3A_1371 = arith.constant 0.000000e+00 : f32
    %neg3A_1372 = vector.broadcast %neg3A_1371 : f32 to vector<16xf32>
    %neg3A_1373 = arith.subf %neg3A_1372, %get3A_1303 : vector<16xf32>
    %exp3A_1374 = math.exp %neg3A_1373 : vector<16xf32>
    %add3A_1375 = arith.constant 1.000000e+00 : f32
    %add3A_1376 = vector.broadcast %add3A_1375 : f32 to vector<16xf32>
    %add3A_1377 = arith.addf %add3A_1376, %exp3A_1374 : vector<16xf32>
    %div3A_1378 = arith.constant 1.000000e+00 : f32
    %div3A_1379 = vector.broadcast %div3A_1378 : f32 to vector<16xf32>
    %div3A_1380 = arith.divf %div3A_1379, %add3A_1377 : vector<16xf32>
    %neg3A_1381 = arith.constant 0.000000e+00 : f32
    %neg3A_1382 = vector.broadcast %neg3A_1381 : f32 to vector<16xf32>
    %neg3A_1383 = arith.subf %neg3A_1382, %get3A_1310 : vector<16xf32>
    %exp3A_1384 = math.exp %neg3A_1383 : vector<16xf32>
    %add3A_1385 = arith.constant 1.000000e+00 : f32
    %add3A_1386 = vector.broadcast %add3A_1385 : f32 to vector<16xf32>
    %add3A_1387 = arith.addf %add3A_1386, %exp3A_1384 : vector<16xf32>
    %div3A_1388 = arith.constant 1.000000e+00 : f32
    %div3A_1389 = vector.broadcast %div3A_1388 : f32 to vector<16xf32>
    %div3A_1390 = arith.divf %div3A_1389, %add3A_1387 : vector<16xf32>
    %swap3A_1391 = arith.constant 5 : i32
    %swap3A_1392 = arith.constant 0 : i32
    %swap3A_1393 = tpu.memref_slice %arg6[%swap3A_1391, %swap3A_1392] : memref<8x128xf32, #tpu.memory_space<vmem>> -> memref<1x128xf32, #tpu.memory_space<vmem>>
    %swap3A_1394 = tpu.memref_squeeze %swap3A_1393 : memref<1x128xf32, #tpu.memory_space<vmem>> -> memref<128xf32, #tpu.memory_space<vmem>>
    %swap3A_1395 = arith.constant 0 : index
    %swap3A_1396 = tpu.vector_load %swap3A_1394[%swap3A_1395] {strides = array<i32>} : memref<128xf32, #tpu.memory_space<vmem>>, vector<16xf32>,
    %swap3A_1397 = vector.shape_cast %swap3A_1396 : vector<16xf32> to vector<16xf32>
    %swap3A_1398 = vector.shape_cast %div3A_1320 : vector<16xf32> to vector<16xf32>
    tpu.vector_store %swap3A_1394[%swap3A_1395], %swap3A_1398 {strides = array<i32>} : memref<128xf32, #tpu.memory_space<vmem>>, vector<16xf32>,
    %swap3A_1399 = arith.constant 5 : i32
    %swap3A_1400 = arith.constant 0 : i32
    %swap3A_1401 = tpu.memref_slice %arg6[%swap3A_1399, %swap3A_1400] : memref<8x128xf32, #tpu.memory_space<vmem>> -> memref<1x128xf32, #tpu.memory_space<vmem>>
    %swap3A_1402 = tpu.memref_squeeze %swap3A_1401 : memref<1x128xf32, #tpu.memory_space<vmem>> -> memref<128xf32, #tpu.memory_space<vmem>>
    %swap3A_1403 = arith.constant 16 : index
    %swap3A_1404 = tpu.vector_load %swap3A_1402[%swap3A_1403] {strides = array<i32>} : memref<128xf32, #tpu.memory_space<vmem>>, vector<16xf32>,
    %swap3A_1405 = vector.shape_cast %swap3A_1404 : vector<16xf32> to vector<16xf32>
    %swap3A_1406 = vector.shape_cast %div3A_1330 : vector<16xf32> to vector<16xf32>
    tpu.vector_store %swap3A_1402[%swap3A_1403], %swap3A_1406 {strides = array<i32>} : memref<128xf32, #tpu.memory_space<vmem>>, vector<16xf32>,
    %swap3A_1407 = arith.constant 5 : i32
    %swap3A_1408 = arith.constant 0 : i32
    %swap3A_1409 = tpu.memref_slice %arg6[%swap3A_1407, %swap3A_1408] : memref<8x128xf32, #tpu.memory_space<vmem>> -> memref<1x128xf32, #tpu.memory_space<vmem>>
    %swap3A_1410 = tpu.memref_squeeze %swap3A_1409 : memref<1x128xf32, #tpu.memory_space<vmem>> -> memref<128xf32, #tpu.memory_space<vmem>>
    %swap3A_1411 = arith.constant 32 : index
    %swap3A_1412 = tpu.vector_load %swap3A_1410[%swap3A_1411] {strides = array<i32>} : memref<128xf32, #tpu.memory_space<vmem>>, vector<16xf32>,
    %swap3A_1413 = vector.shape_cast %swap3A_1412 : vector<16xf32> to vector<16xf32>
    %swap3A_1414 = vector.shape_cast %div3A_1340 : vector<16xf32> to vector<16xf32>
    tpu.vector_store %swap3A_1410[%swap3A_1411], %swap3A_1414 {strides = array<i32>} : memref<128xf32, #tpu.memory_space<vmem>>, vector<16xf32>,
    %swap3A_1415 = arith.constant 5 : i32
    %swap3A_1416 = arith.constant 0 : i32
    %swap3A_1417 = tpu.memref_slice %arg6[%swap3A_1415, %swap3A_1416] : memref<8x128xf32, #tpu.memory_space<vmem>> -> memref<1x128xf32, #tpu.memory_space<vmem>>
    %swap3A_1418 = tpu.memref_squeeze %swap3A_1417 : memref<1x128xf32, #tpu.memory_space<vmem>> -> memref<128xf32, #tpu.memory_space<vmem>>
    %swap3A_1419 = arith.constant 48 : index
    %swap3A_1420 = tpu.vector_load %swap3A_1418[%swap3A_1419] {strides = array<i32>} : memref<128xf32, #tpu.memory_space<vmem>>, vector<16xf32>,
    %swap3A_1421 = vector.shape_cast %swap3A_1420 : vector<16xf32> to vector<16xf32>
    %swap3A_1422 = vector.shape_cast %div3A_1350 : vector<16xf32> to vector<16xf32>
    tpu.vector_store %swap3A_1418[%swap3A_1419], %swap3A_1422 {strides = array<i32>} : memref<128xf32, #tpu.memory_space<vmem>>, vector<16xf32>,
    %swap3A_1423 = arith.constant 5 : i32
    %swap3A_1424 = arith.constant 0 : i32
    %swap3A_1425 = tpu.memref_slice %arg6[%swap3A_1423, %swap3A_1424] : memref<8x128xf32, #tpu.memory_space<vmem>> -> memref<1x128xf32, #tpu.memory_space<vmem>>
    %swap3A_1426 = tpu.memref_squeeze %swap3A_1425 : memref<1x128xf32, #tpu.memory_space<vmem>> -> memref<128xf32, #tpu.memory_space<vmem>>
    %swap3A_1427 = arith.constant 64 : index
    %swap3A_1428 = tpu.vector_load %swap3A_1426[%swap3A_1427] {strides = array<i32>} : memref<128xf32, #tpu.memory_space<vmem>>, vector<16xf32>,
    %swap3A_1429 = vector.shape_cast %swap3A_1428 : vector<16xf32> to vector<16xf32>
    %swap3A_1430 = vector.shape_cast %div3A_1360 : vector<16xf32> to vector<16xf32>
    tpu.vector_store %swap3A_1426[%swap3A_1427], %swap3A_1430 {strides = array<i32>} : memref<128xf32, #tpu.memory_space<vmem>>, vector<16xf32>,
    %swap3A_1431 = arith.constant 5 : i32
    %swap3A_1432 = arith.constant 0 : i32
    %swap3A_1433 = tpu.memref_slice %arg6[%swap3A_1431, %swap3A_1432] : memref<8x128xf32, #tpu.memory_space<vmem>> -> memref<1x128xf32, #tpu.memory_space<vmem>>
    %swap3A_1434 = tpu.memref_squeeze %swap3A_1433 : memref<1x128xf32, #tpu.memory_space<vmem>> -> memref<128xf32, #tpu.memory_space<vmem>>
    %swap3A_1435 = arith.constant 80 : index
    %swap3A_1436 = tpu.vector_load %swap3A_1434[%swap3A_1435] {strides = array<i32>} : memref<128xf32, #tpu.memory_space<vmem>>, vector<16xf32>,
    %swap3A_1437 = vector.shape_cast %swap3A_1436 : vector<16xf32> to vector<16xf32>
    %swap3A_1438 = vector.shape_cast %div3A_1370 : vector<16xf32> to vector<16xf32>
    tpu.vector_store %swap3A_1434[%swap3A_1435], %swap3A_1438 {strides = array<i32>} : memref<128xf32, #tpu.memory_space<vmem>>, vector<16xf32>,
    %swap3A_1439 = arith.constant 5 : i32
    %swap3A_1440 = arith.constant 0 : i32
    %swap3A_1441 = tpu.memref_slice %arg6[%swap3A_1439, %swap3A_1440] : memref<8x128xf32, #tpu.memory_space<vmem>> -> memref<1x128xf32, #tpu.memory_space<vmem>>
    %swap3A_1442 = tpu.memref_squeeze %swap3A_1441 : memref<1x128xf32, #tpu.memory_space<vmem>> -> memref<128xf32, #tpu.memory_space<vmem>>
    %swap3A_1443 = arith.constant 96 : index
    %swap3A_1444 = tpu.vector_load %swap3A_1442[%swap3A_1443] {strides = array<i32>} : memref<128xf32, #tpu.memory_space<vmem>>, vector<16xf32>,
    %swap3A_1445 = vector.shape_cast %swap3A_1444 : vector<16xf32> to vector<16xf32>
    %swap3A_1446 = vector.shape_cast %div3A_1380 : vector<16xf32> to vector<16xf32>
    tpu.vector_store %swap3A_1442[%swap3A_1443], %swap3A_1446 {strides = array<i32>} : memref<128xf32, #tpu.memory_space<vmem>>, vector<16xf32>,
    %swap3A_1447 = arith.constant 5 : i32
    %swap3A_1448 = arith.constant 0 : i32
    %swap3A_1449 = tpu.memref_slice %arg6[%swap3A_1447, %swap3A_1448] : memref<8x128xf32, #tpu.memory_space<vmem>> -> memref<1x128xf32, #tpu.memory_space<vmem>>
    %swap3A_1450 = tpu.memref_squeeze %swap3A_1449 : memref<1x128xf32, #tpu.memory_space<vmem>> -> memref<128xf32, #tpu.memory_space<vmem>>
    %swap3A_1451 = arith.constant 112 : index
    %swap3A_1452 = tpu.vector_load %swap3A_1450[%swap3A_1451] {strides = array<i32>} : memref<128xf32, #tpu.memory_space<vmem>>, vector<16xf32>,
    %swap3A_1453 = vector.shape_cast %swap3A_1452 : vector<16xf32> to vector<16xf32>
    %swap3A_1454 = vector.shape_cast %div3A_1390 : vector<16xf32> to vector<16xf32>
    tpu.vector_store %swap3A_1450[%swap3A_1451], %swap3A_1454 {strides = array<i32>} : memref<128xf32, #tpu.memory_space<vmem>>, vector<16xf32>,
    %add3A_1455 = arith.constant 5 : i32
    %add3A_1456 = arith.addi %mul3A_2, %add3A_1455 : i32
    %dma_start3A_1457 = arith.constant 5 : i32
    %dma_start3A_1458 = arith.constant 0 : i32
    %dma_start3A_1459 = tpu.memref_slice %arg6[%dma_start3A_1457, %dma_start3A_1458] : memref<8x128xf32, #tpu.memory_space<vmem>> -> memref<1x128xf32, #tpu.memory_space<vmem>>
    %dma_start3A_1460 = tpu.memref_squeeze %dma_start3A_1459 : memref<1x128xf32, #tpu.memory_space<vmem>> -> memref<128xf32, #tpu.memory_space<vmem>>
    %dma_start3A_1461 = arith.constant 0 : i32
    %dma_start3A_1462 = tpu.memref_slice %arg4[%add3A_1456, %dma_start3A_1461] : memref<128x128xf32, #tpu.memory_space<hbm>> -> memref<1x128xf32, #tpu.memory_space<hbm>>
    %dma_start3A_1463 = tpu.memref_squeeze %dma_start3A_1462 : memref<1x128xf32, #tpu.memory_space<hbm>> -> memref<128xf32, #tpu.memory_space<hbm>>
    %dma_start3A_1464 = arith.constant 0 : i32
    %dma_start3A_1465 = tpu.memref_slice %arg4[%add3A_1456, %dma_start3A_1464] : memref<128x128xf32, #tpu.memory_space<hbm>> -> memref<1x128xf32, #tpu.memory_space<hbm>>
    %dma_start3A_1466 = tpu.memref_squeeze %dma_start3A_1465 : memref<1x128xf32, #tpu.memory_space<hbm>> -> memref<128xf32, #tpu.memory_space<hbm>>
    %dma_start3A_1467 = arith.constant 0 : i32
    %dma_start3A_1468 = tpu.memref_slice %arg6[%dma_start3A_1457, %dma_start3A_1467] : memref<8x128xf32, #tpu.memory_space<vmem>> -> memref<1x128xf32, #tpu.memory_space<vmem>>
    %dma_start3A_1469 = tpu.memref_squeeze %dma_start3A_1468 : memref<1x128xf32, #tpu.memory_space<vmem>> -> memref<128xf32, #tpu.memory_space<vmem>>
    tpu.enqueue_dma source(%dma_start3A_1469 : memref<128xf32, #tpu.memory_space<vmem>>) target(%dma_start3A_1466 : memref<128xf32, #tpu.memory_space<hbm>>) target_semaphore(%arg12 : memref<!tpu.dma_semaphore, #tpu.memory_space<semaphore_mem>>)
    %dma_wait3A_1470 = arith.constant 6 : i32
    %dma_wait3A_1471 = arith.constant 6 : i32
    %dma_wait3A_1472 = arith.constant 0 : i32
    %dma_wait3A_1473 = tpu.memref_slice %arg6[%dma_wait3A_1471, %dma_wait3A_1472] : memref<8x128xf32, #tpu.memory_space<vmem>> -> memref<1x128xf32, #tpu.memory_space<vmem>>
    %dma_wait3A_1474 = tpu.memref_squeeze %dma_wait3A_1473 : memref<1x128xf32, #tpu.memory_space<vmem>> -> memref<128xf32, #tpu.memory_space<vmem>>
    %dma_wait3A_1475 = arith.constant 0 : i32
    %dma_wait3A_1476 = tpu.memref_slice %arg5[%dma_wait3A_1470, %dma_wait3A_1475] : memref<8x128xi32, #tpu.memory_space<vmem>> -> memref<1x128xi32, #tpu.memory_space<vmem>>
    %dma_wait3A_1477 = tpu.memref_squeeze %dma_wait3A_1476 : memref<1x128xi32, #tpu.memory_space<vmem>> -> memref<128xi32, #tpu.memory_space<vmem>>
    %dma_wait3A_1478 = arith.constant 0 : i32
    %dma_wait3A_1479 = tpu.memref_slice %arg2[%dma_wait3A_1478] : memref<1000000xf32, #tpu.memory_space<hbm>> -> memref<1000000xf32, #tpu.memory_space<hbm>>
    tpu.wait_indirect_dma semaphore(%arg13 : memref<!tpu.dma_semaphore, #tpu.memory_space<semaphore_mem>>) src(%dma_wait3A_1479 : memref<1000000xf32, #tpu.memory_space<hbm>>) dst(%dma_wait3A_1474 : memref<128xf32, #tpu.memory_space<vmem>>)
    %get3A_1480 = arith.constant 6 : i32
    %get3A_1481 = arith.constant 0 : i32
    %get3A_1482 = tpu.memref_slice %arg6[%get3A_1480, %get3A_1481] : memref<8x128xf32, #tpu.memory_space<vmem>> -> memref<1x128xf32, #tpu.memory_space<vmem>>
    %get3A_1483 = tpu.memref_squeeze %get3A_1482 : memref<1x128xf32, #tpu.memory_space<vmem>> -> memref<128xf32, #tpu.memory_space<vmem>>
    %get3A_1484 = arith.constant 0 : index
    %get3A_1485 = tpu.vector_load %get3A_1483[%get3A_1484] {strides = array<i32>} : memref<128xf32, #tpu.memory_space<vmem>>, vector<16xf32>,
    %get3A_1486 = vector.shape_cast %get3A_1485 : vector<16xf32> to vector<16xf32>
    %get3A_1487 = arith.constant 6 : i32
    %get3A_1488 = arith.constant 0 : i32
    %get3A_1489 = tpu.memref_slice %arg6[%get3A_1487, %get3A_1488] : memref<8x128xf32, #tpu.memory_space<vmem>> -> memref<1x128xf32, #tpu.memory_space<vmem>>
    %get3A_1490 = tpu.memref_squeeze %get3A_1489 : memref<1x128xf32, #tpu.memory_space<vmem>> -> memref<128xf32, #tpu.memory_space<vmem>>
    %get3A_1491 = arith.constant 16 : index
    %get3A_1492 = tpu.vector_load %get3A_1490[%get3A_1491] {strides = array<i32>} : memref<128xf32, #tpu.memory_space<vmem>>, vector<16xf32>,
    %get3A_1493 = vector.shape_cast %get3A_1492 : vector<16xf32> to vector<16xf32>
    %get3A_1494 = arith.constant 6 : i32
    %get3A_1495 = arith.constant 0 : i32
    %get3A_1496 = tpu.memref_slice %arg6[%get3A_1494, %get3A_1495] : memref<8x128xf32, #tpu.memory_space<vmem>> -> memref<1x128xf32, #tpu.memory_space<vmem>>
    %get3A_1497 = tpu.memref_squeeze %get3A_1496 : memref<1x128xf32, #tpu.memory_space<vmem>> -> memref<128xf32, #tpu.memory_space<vmem>>
    %get3A_1498 = arith.constant 32 : index
    %get3A_1499 = tpu.vector_load %get3A_1497[%get3A_1498] {strides = array<i32>} : memref<128xf32, #tpu.memory_space<vmem>>, vector<16xf32>,
    %get3A_1500 = vector.shape_cast %get3A_1499 : vector<16xf32> to vector<16xf32>
    %get3A_1501 = arith.constant 6 : i32
    %get3A_1502 = arith.constant 0 : i32
    %get3A_1503 = tpu.memref_slice %arg6[%get3A_1501, %get3A_1502] : memref<8x128xf32, #tpu.memory_space<vmem>> -> memref<1x128xf32, #tpu.memory_space<vmem>>
    %get3A_1504 = tpu.memref_squeeze %get3A_1503 : memref<1x128xf32, #tpu.memory_space<vmem>> -> memref<128xf32, #tpu.memory_space<vmem>>
    %get3A_1505 = arith.constant 48 : index
    %get3A_1506 = tpu.vector_load %get3A_1504[%get3A_1505] {strides = array<i32>} : memref<128xf32, #tpu.memory_space<vmem>>, vector<16xf32>,
    %get3A_1507 = vector.shape_cast %get3A_1506 : vector<16xf32> to vector<16xf32>
    %get3A_1508 = arith.constant 6 : i32
    %get3A_1509 = arith.constant 0 : i32
    %get3A_1510 = tpu.memref_slice %arg6[%get3A_1508, %get3A_1509] : memref<8x128xf32, #tpu.memory_space<vmem>> -> memref<1x128xf32, #tpu.memory_space<vmem>>
    %get3A_1511 = tpu.memref_squeeze %get3A_1510 : memref<1x128xf32, #tpu.memory_space<vmem>> -> memref<128xf32, #tpu.memory_space<vmem>>
    %get3A_1512 = arith.constant 64 : index
    %get3A_1513 = tpu.vector_load %get3A_1511[%get3A_1512] {strides = array<i32>} : memref<128xf32, #tpu.memory_space<vmem>>, vector<16xf32>,
    %get3A_1514 = vector.shape_cast %get3A_1513 : vector<16xf32> to vector<16xf32>
    %get3A_1515 = arith.constant 6 : i32
    %get3A_1516 = arith.constant 0 : i32
    %get3A_1517 = tpu.memref_slice %arg6[%get3A_1515, %get3A_1516] : memref<8x128xf32, #tpu.memory_space<vmem>> -> memref<1x128xf32, #tpu.memory_space<vmem>>
    %get3A_1518 = tpu.memref_squeeze %get3A_1517 : memref<1x128xf32, #tpu.memory_space<vmem>> -> memref<128xf32, #tpu.memory_space<vmem>>
    %get3A_1519 = arith.constant 80 : index
    %get3A_1520 = tpu.vector_load %get3A_1518[%get3A_1519] {strides = array<i32>} : memref<128xf32, #tpu.memory_space<vmem>>, vector<16xf32>,
    %get3A_1521 = vector.shape_cast %get3A_1520 : vector<16xf32> to vector<16xf32>
    %get3A_1522 = arith.constant 6 : i32
    %get3A_1523 = arith.constant 0 : i32
    %get3A_1524 = tpu.memref_slice %arg6[%get3A_1522, %get3A_1523] : memref<8x128xf32, #tpu.memory_space<vmem>> -> memref<1x128xf32, #tpu.memory_space<vmem>>
    %get3A_1525 = tpu.memref_squeeze %get3A_1524 : memref<1x128xf32, #tpu.memory_space<vmem>> -> memref<128xf32, #tpu.memory_space<vmem>>
    %get3A_1526 = arith.constant 96 : index
    %get3A_1527 = tpu.vector_load %get3A_1525[%get3A_1526] {strides = array<i32>} : memref<128xf32, #tpu.memory_space<vmem>>, vector<16xf32>,
    %get3A_1528 = vector.shape_cast %get3A_1527 : vector<16xf32> to vector<16xf32>
    %get3A_1529 = arith.constant 6 : i32
    %get3A_1530 = arith.constant 0 : i32
    %get3A_1531 = tpu.memref_slice %arg6[%get3A_1529, %get3A_1530] : memref<8x128xf32, #tpu.memory_space<vmem>> -> memref<1x128xf32, #tpu.memory_space<vmem>>
    %get3A_1532 = tpu.memref_squeeze %get3A_1531 : memref<1x128xf32, #tpu.memory_space<vmem>> -> memref<128xf32, #tpu.memory_space<vmem>>
    %get3A_1533 = arith.constant 112 : index
    %get3A_1534 = tpu.vector_load %get3A_1532[%get3A_1533] {strides = array<i32>} : memref<128xf32, #tpu.memory_space<vmem>>, vector<16xf32>,
    %get3A_1535 = vector.shape_cast %get3A_1534 : vector<16xf32> to vector<16xf32>
    %neg3A_1536 = arith.constant 0.000000e+00 : f32
    %neg3A_1537 = vector.broadcast %neg3A_1536 : f32 to vector<16xf32>
    %neg3A_1538 = arith.subf %neg3A_1537, %get3A_1486 : vector<16xf32>
    %exp3A_1539 = math.exp %neg3A_1538 : vector<16xf32>
    %add3A_1540 = arith.constant 1.000000e+00 : f32
    %add3A_1541 = vector.broadcast %add3A_1540 : f32 to vector<16xf32>
    %add3A_1542 = arith.addf %add3A_1541, %exp3A_1539 : vector<16xf32>
    %div3A_1543 = arith.constant 1.000000e+00 : f32
    %div3A_1544 = vector.broadcast %div3A_1543 : f32 to vector<16xf32>
    %div3A_1545 = arith.divf %div3A_1544, %add3A_1542 : vector<16xf32>
    %neg3A_1546 = arith.constant 0.000000e+00 : f32
    %neg3A_1547 = vector.broadcast %neg3A_1546 : f32 to vector<16xf32>
    %neg3A_1548 = arith.subf %neg3A_1547, %get3A_1493 : vector<16xf32>
    %exp3A_1549 = math.exp %neg3A_1548 : vector<16xf32>
    %add3A_1550 = arith.constant 1.000000e+00 : f32
    %add3A_1551 = vector.broadcast %add3A_1550 : f32 to vector<16xf32>
    %add3A_1552 = arith.addf %add3A_1551, %exp3A_1549 : vector<16xf32>
    %div3A_1553 = arith.constant 1.000000e+00 : f32
    %div3A_1554 = vector.broadcast %div3A_1553 : f32 to vector<16xf32>
    %div3A_1555 = arith.divf %div3A_1554, %add3A_1552 : vector<16xf32>
    %neg3A_1556 = arith.constant 0.000000e+00 : f32
    %neg3A_1557 = vector.broadcast %neg3A_1556 : f32 to vector<16xf32>
    %neg3A_1558 = arith.subf %neg3A_1557, %get3A_1500 : vector<16xf32>
    %exp3A_1559 = math.exp %neg3A_1558 : vector<16xf32>
    %add3A_1560 = arith.constant 1.000000e+00 : f32
    %add3A_1561 = vector.broadcast %add3A_1560 : f32 to vector<16xf32>
    %add3A_1562 = arith.addf %add3A_1561, %exp3A_1559 : vector<16xf32>
    %div3A_1563 = arith.constant 1.000000e+00 : f32
    %div3A_1564 = vector.broadcast %div3A_1563 : f32 to vector<16xf32>
    %div3A_1565 = arith.divf %div3A_1564, %add3A_1562 : vector<16xf32>
    %neg3A_1566 = arith.constant 0.000000e+00 : f32
    %neg3A_1567 = vector.broadcast %neg3A_1566 : f32 to vector<16xf32>
    %neg3A_1568 = arith.subf %neg3A_1567, %get3A_1507 : vector<16xf32>
    %exp3A_1569 = math.exp %neg3A_1568 : vector<16xf32>
    %add3A_1570 = arith.constant 1.000000e+00 : f32
    %add3A_1571 = vector.broadcast %add3A_1570 : f32 to vector<16xf32>
    %add3A_1572 = arith.addf %add3A_1571, %exp3A_1569 : vector<16xf32>
    %div3A_1573 = arith.constant 1.000000e+00 : f32
    %div3A_1574 = vector.broadcast %div3A_1573 : f32 to vector<16xf32>
    %div3A_1575 = arith.divf %div3A_1574, %add3A_1572 : vector<16xf32>
    %neg3A_1576 = arith.constant 0.000000e+00 : f32
    %neg3A_1577 = vector.broadcast %neg3A_1576 : f32 to vector<16xf32>
    %neg3A_1578 = arith.subf %neg3A_1577, %get3A_1514 : vector<16xf32>
    %exp3A_1579 = math.exp %neg3A_1578 : vector<16xf32>
    %add3A_1580 = arith.constant 1.000000e+00 : f32
    %add3A_1581 = vector.broadcast %add3A_1580 : f32 to vector<16xf32>
    %add3A_1582 = arith.addf %add3A_1581, %exp3A_1579 : vector<16xf32>
    %div3A_1583 = arith.constant 1.000000e+00 : f32
    %div3A_1584 = vector.broadcast %div3A_1583 : f32 to vector<16xf32>
    %div3A_1585 = arith.divf %div3A_1584, %add3A_1582 : vector<16xf32>
    %neg3A_1586 = arith.constant 0.000000e+00 : f32
    %neg3A_1587 = vector.broadcast %neg3A_1586 : f32 to vector<16xf32>
    %neg3A_1588 = arith.subf %neg3A_1587, %get3A_1521 : vector<16xf32>
    %exp3A_1589 = math.exp %neg3A_1588 : vector<16xf32>
    %add3A_1590 = arith.constant 1.000000e+00 : f32
    %add3A_1591 = vector.broadcast %add3A_1590 : f32 to vector<16xf32>
    %add3A_1592 = arith.addf %add3A_1591, %exp3A_1589 : vector<16xf32>
    %div3A_1593 = arith.constant 1.000000e+00 : f32
    %div3A_1594 = vector.broadcast %div3A_1593 : f32 to vector<16xf32>
    %div3A_1595 = arith.divf %div3A_1594, %add3A_1592 : vector<16xf32>
    %neg3A_1596 = arith.constant 0.000000e+00 : f32
    %neg3A_1597 = vector.broadcast %neg3A_1596 : f32 to vector<16xf32>
    %neg3A_1598 = arith.subf %neg3A_1597, %get3A_1528 : vector<16xf32>
    %exp3A_1599 = math.exp %neg3A_1598 : vector<16xf32>
    %add3A_1600 = arith.constant 1.000000e+00 : f32
    %add3A_1601 = vector.broadcast %add3A_1600 : f32 to vector<16xf32>
    %add3A_1602 = arith.addf %add3A_1601, %exp3A_1599 : vector<16xf32>
    %div3A_1603 = arith.constant 1.000000e+00 : f32
    %div3A_1604 = vector.broadcast %div3A_1603 : f32 to vector<16xf32>
    %div3A_1605 = arith.divf %div3A_1604, %add3A_1602 : vector<16xf32>
    %neg3A_1606 = arith.constant 0.000000e+00 : f32
    %neg3A_1607 = vector.broadcast %neg3A_1606 : f32 to vector<16xf32>
    %neg3A_1608 = arith.subf %neg3A_1607, %get3A_1535 : vector<16xf32>
    %exp3A_1609 = math.exp %neg3A_1608 : vector<16xf32>
    %add3A_1610 = arith.constant 1.000000e+00 : f32
    %add3A_1611 = vector.broadcast %add3A_1610 : f32 to vector<16xf32>
    %add3A_1612 = arith.addf %add3A_1611, %exp3A_1609 : vector<16xf32>
    %div3A_1613 = arith.constant 1.000000e+00 : f32
    %div3A_1614 = vector.broadcast %div3A_1613 : f32 to vector<16xf32>
    %div3A_1615 = arith.divf %div3A_1614, %add3A_1612 : vector<16xf32>
    %swap3A_1616 = arith.constant 6 : i32
    %swap3A_1617 = arith.constant 0 : i32
    %swap3A_1618 = tpu.memref_slice %arg6[%swap3A_1616, %swap3A_1617] : memref<8x128xf32, #tpu.memory_space<vmem>> -> memref<1x128xf32, #tpu.memory_space<vmem>>
    %swap3A_1619 = tpu.memref_squeeze %swap3A_1618 : memref<1x128xf32, #tpu.memory_space<vmem>> -> memref<128xf32, #tpu.memory_space<vmem>>
    %swap3A_1620 = arith.constant 0 : index
    %swap3A_1621 = tpu.vector_load %swap3A_1619[%swap3A_1620] {strides = array<i32>} : memref<128xf32, #tpu.memory_space<vmem>>, vector<16xf32>,
    %swap3A_1622 = vector.shape_cast %swap3A_1621 : vector<16xf32> to vector<16xf32>
    %swap3A_1623 = vector.shape_cast %div3A_1545 : vector<16xf32> to vector<16xf32>
    tpu.vector_store %swap3A_1619[%swap3A_1620], %swap3A_1623 {strides = array<i32>} : memref<128xf32, #tpu.memory_space<vmem>>, vector<16xf32>,
    %swap3A_1624 = arith.constant 6 : i32
    %swap3A_1625 = arith.constant 0 : i32
    %swap3A_1626 = tpu.memref_slice %arg6[%swap3A_1624, %swap3A_1625] : memref<8x128xf32, #tpu.memory_space<vmem>> -> memref<1x128xf32, #tpu.memory_space<vmem>>
    %swap3A_1627 = tpu.memref_squeeze %swap3A_1626 : memref<1x128xf32, #tpu.memory_space<vmem>> -> memref<128xf32, #tpu.memory_space<vmem>>
    %swap3A_1628 = arith.constant 16 : index
    %swap3A_1629 = tpu.vector_load %swap3A_1627[%swap3A_1628] {strides = array<i32>} : memref<128xf32, #tpu.memory_space<vmem>>, vector<16xf32>,
    %swap3A_1630 = vector.shape_cast %swap3A_1629 : vector<16xf32> to vector<16xf32>
    %swap3A_1631 = vector.shape_cast %div3A_1555 : vector<16xf32> to vector<16xf32>
    tpu.vector_store %swap3A_1627[%swap3A_1628], %swap3A_1631 {strides = array<i32>} : memref<128xf32, #tpu.memory_space<vmem>>, vector<16xf32>,
    %swap3A_1632 = arith.constant 6 : i32
    %swap3A_1633 = arith.constant 0 : i32
    %swap3A_1634 = tpu.memref_slice %arg6[%swap3A_1632, %swap3A_1633] : memref<8x128xf32, #tpu.memory_space<vmem>> -> memref<1x128xf32, #tpu.memory_space<vmem>>
    %swap3A_1635 = tpu.memref_squeeze %swap3A_1634 : memref<1x128xf32, #tpu.memory_space<vmem>> -> memref<128xf32, #tpu.memory_space<vmem>>
    %swap3A_1636 = arith.constant 32 : index
    %swap3A_1637 = tpu.vector_load %swap3A_1635[%swap3A_1636] {strides = array<i32>} : memref<128xf32, #tpu.memory_space<vmem>>, vector<16xf32>,
    %swap3A_1638 = vector.shape_cast %swap3A_1637 : vector<16xf32> to vector<16xf32>
    %swap3A_1639 = vector.shape_cast %div3A_1565 : vector<16xf32> to vector<16xf32>
    tpu.vector_store %swap3A_1635[%swap3A_1636], %swap3A_1639 {strides = array<i32>} : memref<128xf32, #tpu.memory_space<vmem>>, vector<16xf32>,
    %swap3A_1640 = arith.constant 6 : i32
    %swap3A_1641 = arith.constant 0 : i32
    %swap3A_1642 = tpu.memref_slice %arg6[%swap3A_1640, %swap3A_1641] : memref<8x128xf32, #tpu.memory_space<vmem>> -> memref<1x128xf32, #tpu.memory_space<vmem>>
    %swap3A_1643 = tpu.memref_squeeze %swap3A_1642 : memref<1x128xf32, #tpu.memory_space<vmem>> -> memref<128xf32, #tpu.memory_space<vmem>>
    %swap3A_1644 = arith.constant 48 : index
    %swap3A_1645 = tpu.vector_load %swap3A_1643[%swap3A_1644] {strides = array<i32>} : memref<128xf32, #tpu.memory_space<vmem>>, vector<16xf32>,
    %swap3A_1646 = vector.shape_cast %swap3A_1645 : vector<16xf32> to vector<16xf32>
    %swap3A_1647 = vector.shape_cast %div3A_1575 : vector<16xf32> to vector<16xf32>
    tpu.vector_store %swap3A_1643[%swap3A_1644], %swap3A_1647 {strides = array<i32>} : memref<128xf32, #tpu.memory_space<vmem>>, vector<16xf32>,
    %swap3A_1648 = arith.constant 6 : i32
    %swap3A_1649 = arith.constant 0 : i32
    %swap3A_1650 = tpu.memref_slice %arg6[%swap3A_1648, %swap3A_1649] : memref<8x128xf32, #tpu.memory_space<vmem>> -> memref<1x128xf32, #tpu.memory_space<vmem>>
    %swap3A_1651 = tpu.memref_squeeze %swap3A_1650 : memref<1x128xf32, #tpu.memory_space<vmem>> -> memref<128xf32, #tpu.memory_space<vmem>>
    %swap3A_1652 = arith.constant 64 : index
    %swap3A_1653 = tpu.vector_load %swap3A_1651[%swap3A_1652] {strides = array<i32>} : memref<128xf32, #tpu.memory_space<vmem>>, vector<16xf32>,
    %swap3A_1654 = vector.shape_cast %swap3A_1653 : vector<16xf32> to vector<16xf32>
    %swap3A_1655 = vector.shape_cast %div3A_1585 : vector<16xf32> to vector<16xf32>
    tpu.vector_store %swap3A_1651[%swap3A_1652], %swap3A_1655 {strides = array<i32>} : memref<128xf32, #tpu.memory_space<vmem>>, vector<16xf32>,
    %swap3A_1656 = arith.constant 6 : i32
    %swap3A_1657 = arith.constant 0 : i32
    %swap3A_1658 = tpu.memref_slice %arg6[%swap3A_1656, %swap3A_1657] : memref<8x128xf32, #tpu.memory_space<vmem>> -> memref<1x128xf32, #tpu.memory_space<vmem>>
    %swap3A_1659 = tpu.memref_squeeze %swap3A_1658 : memref<1x128xf32, #tpu.memory_space<vmem>> -> memref<128xf32, #tpu.memory_space<vmem>>
    %swap3A_1660 = arith.constant 80 : index
    %swap3A_1661 = tpu.vector_load %swap3A_1659[%swap3A_1660] {strides = array<i32>} : memref<128xf32, #tpu.memory_space<vmem>>, vector<16xf32>,
    %swap3A_1662 = vector.shape_cast %swap3A_1661 : vector<16xf32> to vector<16xf32>
    %swap3A_1663 = vector.shape_cast %div3A_1595 : vector<16xf32> to vector<16xf32>
    tpu.vector_store %swap3A_1659[%swap3A_1660], %swap3A_1663 {strides = array<i32>} : memref<128xf32, #tpu.memory_space<vmem>>, vector<16xf32>,
    %swap3A_1664 = arith.constant 6 : i32
    %swap3A_1665 = arith.constant 0 : i32
    %swap3A_1666 = tpu.memref_slice %arg6[%swap3A_1664, %swap3A_1665] : memref<8x128xf32, #tpu.memory_space<vmem>> -> memref<1x128xf32, #tpu.memory_space<vmem>>
    %swap3A_1667 = tpu.memref_squeeze %swap3A_1666 : memref<1x128xf32, #tpu.memory_space<vmem>> -> memref<128xf32, #tpu.memory_space<vmem>>
    %swap3A_1668 = arith.constant 96 : index
    %swap3A_1669 = tpu.vector_load %swap3A_1667[%swap3A_1668] {strides = array<i32>} : memref<128xf32, #tpu.memory_space<vmem>>, vector<16xf32>,
    %swap3A_1670 = vector.shape_cast %swap3A_1669 : vector<16xf32> to vector<16xf32>
    %swap3A_1671 = vector.shape_cast %div3A_1605 : vector<16xf32> to vector<16xf32>
    tpu.vector_store %swap3A_1667[%swap3A_1668], %swap3A_1671 {strides = array<i32>} : memref<128xf32, #tpu.memory_space<vmem>>, vector<16xf32>,
    %swap3A_1672 = arith.constant 6 : i32
    %swap3A_1673 = arith.constant 0 : i32
    %swap3A_1674 = tpu.memref_slice %arg6[%swap3A_1672, %swap3A_1673] : memref<8x128xf32, #tpu.memory_space<vmem>> -> memref<1x128xf32, #tpu.memory_space<vmem>>
    %swap3A_1675 = tpu.memref_squeeze %swap3A_1674 : memref<1x128xf32, #tpu.memory_space<vmem>> -> memref<128xf32, #tpu.memory_space<vmem>>
    %swap3A_1676 = arith.constant 112 : index
    %swap3A_1677 = tpu.vector_load %swap3A_1675[%swap3A_1676] {strides = array<i32>} : memref<128xf32, #tpu.memory_space<vmem>>, vector<16xf32>,
    %swap3A_1678 = vector.shape_cast %swap3A_1677 : vector<16xf32> to vector<16xf32>
    %swap3A_1679 = vector.shape_cast %div3A_1615 : vector<16xf32> to vector<16xf32>
    tpu.vector_store %swap3A_1675[%swap3A_1676], %swap3A_1679 {strides = array<i32>} : memref<128xf32, #tpu.memory_space<vmem>>, vector<16xf32>,
    %add3A_1680 = arith.constant 6 : i32
    %add3A_1681 = arith.addi %mul3A_2, %add3A_1680 : i32
    %dma_start3A_1682 = arith.constant 6 : i32
    %dma_start3A_1683 = arith.constant 0 : i32
    %dma_start3A_1684 = tpu.memref_slice %arg6[%dma_start3A_1682, %dma_start3A_1683] : memref<8x128xf32, #tpu.memory_space<vmem>> -> memref<1x128xf32, #tpu.memory_space<vmem>>
    %dma_start3A_1685 = tpu.memref_squeeze %dma_start3A_1684 : memref<1x128xf32, #tpu.memory_space<vmem>> -> memref<128xf32, #tpu.memory_space<vmem>>
    %dma_start3A_1686 = arith.constant 0 : i32
    %dma_start3A_1687 = tpu.memref_slice %arg4[%add3A_1681, %dma_start3A_1686] : memref<128x128xf32, #tpu.memory_space<hbm>> -> memref<1x128xf32, #tpu.memory_space<hbm>>
    %dma_start3A_1688 = tpu.memref_squeeze %dma_start3A_1687 : memref<1x128xf32, #tpu.memory_space<hbm>> -> memref<128xf32, #tpu.memory_space<hbm>>
    %dma_start3A_1689 = arith.constant 0 : i32
    %dma_start3A_1690 = tpu.memref_slice %arg4[%add3A_1681, %dma_start3A_1689] : memref<128x128xf32, #tpu.memory_space<hbm>> -> memref<1x128xf32, #tpu.memory_space<hbm>>
    %dma_start3A_1691 = tpu.memref_squeeze %dma_start3A_1690 : memref<1x128xf32, #tpu.memory_space<hbm>> -> memref<128xf32, #tpu.memory_space<hbm>>
    %dma_start3A_1692 = arith.constant 0 : i32
    %dma_start3A_1693 = tpu.memref_slice %arg6[%dma_start3A_1682, %dma_start3A_1692] : memref<8x128xf32, #tpu.memory_space<vmem>> -> memref<1x128xf32, #tpu.memory_space<vmem>>
    %dma_start3A_1694 = tpu.memref_squeeze %dma_start3A_1693 : memref<1x128xf32, #tpu.memory_space<vmem>> -> memref<128xf32, #tpu.memory_space<vmem>>
    tpu.enqueue_dma source(%dma_start3A_1694 : memref<128xf32, #tpu.memory_space<vmem>>) target(%dma_start3A_1691 : memref<128xf32, #tpu.memory_space<hbm>>) target_semaphore(%arg13 : memref<!tpu.dma_semaphore, #tpu.memory_space<semaphore_mem>>)
    %dma_wait3A_1695 = arith.constant 7 : i32
    %dma_wait3A_1696 = arith.constant 7 : i32
    %dma_wait3A_1697 = arith.constant 0 : i32
    %dma_wait3A_1698 = tpu.memref_slice %arg6[%dma_wait3A_1696, %dma_wait3A_1697] : memref<8x128xf32, #tpu.memory_space<vmem>> -> memref<1x128xf32, #tpu.memory_space<vmem>>
    %dma_wait3A_1699 = tpu.memref_squeeze %dma_wait3A_1698 : memref<1x128xf32, #tpu.memory_space<vmem>> -> memref<128xf32, #tpu.memory_space<vmem>>
    %dma_wait3A_1700 = arith.constant 0 : i32
    %dma_wait3A_1701 = tpu.memref_slice %arg5[%dma_wait3A_1695, %dma_wait3A_1700] : memref<8x128xi32, #tpu.memory_space<vmem>> -> memref<1x128xi32, #tpu.memory_space<vmem>>
    %dma_wait3A_1702 = tpu.memref_squeeze %dma_wait3A_1701 : memref<1x128xi32, #tpu.memory_space<vmem>> -> memref<128xi32, #tpu.memory_space<vmem>>
    %dma_wait3A_1703 = arith.constant 0 : i32
    %dma_wait3A_1704 = tpu.memref_slice %arg2[%dma_wait3A_1703] : memref<1000000xf32, #tpu.memory_space<hbm>> -> memref<1000000xf32, #tpu.memory_space<hbm>>
    tpu.wait_indirect_dma semaphore(%arg14 : memref<!tpu.dma_semaphore, #tpu.memory_space<semaphore_mem>>) src(%dma_wait3A_1704 : memref<1000000xf32, #tpu.memory_space<hbm>>) dst(%dma_wait3A_1699 : memref<128xf32, #tpu.memory_space<vmem>>)
    %get3A_1705 = arith.constant 7 : i32
    %get3A_1706 = arith.constant 0 : i32
    %get3A_1707 = tpu.memref_slice %arg6[%get3A_1705, %get3A_1706] : memref<8x128xf32, #tpu.memory_space<vmem>> -> memref<1x128xf32, #tpu.memory_space<vmem>>
    %get3A_1708 = tpu.memref_squeeze %get3A_1707 : memref<1x128xf32, #tpu.memory_space<vmem>> -> memref<128xf32, #tpu.memory_space<vmem>>
    %get3A_1709 = arith.constant 0 : index
    %get3A_1710 = tpu.vector_load %get3A_1708[%get3A_1709] {strides = array<i32>} : memref<128xf32, #tpu.memory_space<vmem>>, vector<16xf32>,
    %get3A_1711 = vector.shape_cast %get3A_1710 : vector<16xf32> to vector<16xf32>
    %get3A_1712 = arith.constant 7 : i32
    %get3A_1713 = arith.constant 0 : i32
    %get3A_1714 = tpu.memref_slice %arg6[%get3A_1712, %get3A_1713] : memref<8x128xf32, #tpu.memory_space<vmem>> -> memref<1x128xf32, #tpu.memory_space<vmem>>
    %get3A_1715 = tpu.memref_squeeze %get3A_1714 : memref<1x128xf32, #tpu.memory_space<vmem>> -> memref<128xf32, #tpu.memory_space<vmem>>
    %get3A_1716 = arith.constant 16 : index
    %get3A_1717 = tpu.vector_load %get3A_1715[%get3A_1716] {strides = array<i32>} : memref<128xf32, #tpu.memory_space<vmem>>, vector<16xf32>,
    %get3A_1718 = vector.shape_cast %get3A_1717 : vector<16xf32> to vector<16xf32>
    %get3A_1719 = arith.constant 7 : i32
    %get3A_1720 = arith.constant 0 : i32
    %get3A_1721 = tpu.memref_slice %arg6[%get3A_1719, %get3A_1720] : memref<8x128xf32, #tpu.memory_space<vmem>> -> memref<1x128xf32, #tpu.memory_space<vmem>>
    %get3A_1722 = tpu.memref_squeeze %get3A_1721 : memref<1x128xf32, #tpu.memory_space<vmem>> -> memref<128xf32, #tpu.memory_space<vmem>>
    %get3A_1723 = arith.constant 32 : index
    %get3A_1724 = tpu.vector_load %get3A_1722[%get3A_1723] {strides = array<i32>} : memref<128xf32, #tpu.memory_space<vmem>>, vector<16xf32>,
    %get3A_1725 = vector.shape_cast %get3A_1724 : vector<16xf32> to vector<16xf32>
    %get3A_1726 = arith.constant 7 : i32
    %get3A_1727 = arith.constant 0 : i32
    %get3A_1728 = tpu.memref_slice %arg6[%get3A_1726, %get3A_1727] : memref<8x128xf32, #tpu.memory_space<vmem>> -> memref<1x128xf32, #tpu.memory_space<vmem>>
    %get3A_1729 = tpu.memref_squeeze %get3A_1728 : memref<1x128xf32, #tpu.memory_space<vmem>> -> memref<128xf32, #tpu.memory_space<vmem>>
    %get3A_1730 = arith.constant 48 : index
    %get3A_1731 = tpu.vector_load %get3A_1729[%get3A_1730] {strides = array<i32>} : memref<128xf32, #tpu.memory_space<vmem>>, vector<16xf32>,
    %get3A_1732 = vector.shape_cast %get3A_1731 : vector<16xf32> to vector<16xf32>
    %get3A_1733 = arith.constant 7 : i32
    %get3A_1734 = arith.constant 0 : i32
    %get3A_1735 = tpu.memref_slice %arg6[%get3A_1733, %get3A_1734] : memref<8x128xf32, #tpu.memory_space<vmem>> -> memref<1x128xf32, #tpu.memory_space<vmem>>
    %get3A_1736 = tpu.memref_squeeze %get3A_1735 : memref<1x128xf32, #tpu.memory_space<vmem>> -> memref<128xf32, #tpu.memory_space<vmem>>
    %get3A_1737 = arith.constant 64 : index
    %get3A_1738 = tpu.vector_load %get3A_1736[%get3A_1737] {strides = array<i32>} : memref<128xf32, #tpu.memory_space<vmem>>, vector<16xf32>,
    %get3A_1739 = vector.shape_cast %get3A_1738 : vector<16xf32> to vector<16xf32>
    %get3A_1740 = arith.constant 7 : i32
    %get3A_1741 = arith.constant 0 : i32
    %get3A_1742 = tpu.memref_slice %arg6[%get3A_1740, %get3A_1741] : memref<8x128xf32, #tpu.memory_space<vmem>> -> memref<1x128xf32, #tpu.memory_space<vmem>>
    %get3A_1743 = tpu.memref_squeeze %get3A_1742 : memref<1x128xf32, #tpu.memory_space<vmem>> -> memref<128xf32, #tpu.memory_space<vmem>>
    %get3A_1744 = arith.constant 80 : index
    %get3A_1745 = tpu.vector_load %get3A_1743[%get3A_1744] {strides = array<i32>} : memref<128xf32, #tpu.memory_space<vmem>>, vector<16xf32>,
    %get3A_1746 = vector.shape_cast %get3A_1745 : vector<16xf32> to vector<16xf32>
    %get3A_1747 = arith.constant 7 : i32
    %get3A_1748 = arith.constant 0 : i32
    %get3A_1749 = tpu.memref_slice %arg6[%get3A_1747, %get3A_1748] : memref<8x128xf32, #tpu.memory_space<vmem>> -> memref<1x128xf32, #tpu.memory_space<vmem>>
    %get3A_1750 = tpu.memref_squeeze %get3A_1749 : memref<1x128xf32, #tpu.memory_space<vmem>> -> memref<128xf32, #tpu.memory_space<vmem>>
    %get3A_1751 = arith.constant 96 : index
    %get3A_1752 = tpu.vector_load %get3A_1750[%get3A_1751] {strides = array<i32>} : memref<128xf32, #tpu.memory_space<vmem>>, vector<16xf32>,
    %get3A_1753 = vector.shape_cast %get3A_1752 : vector<16xf32> to vector<16xf32>
    %get3A_1754 = arith.constant 7 : i32
    %get3A_1755 = arith.constant 0 : i32
    %get3A_1756 = tpu.memref_slice %arg6[%get3A_1754, %get3A_1755] : memref<8x128xf32, #tpu.memory_space<vmem>> -> memref<1x128xf32, #tpu.memory_space<vmem>>
    %get3A_1757 = tpu.memref_squeeze %get3A_1756 : memref<1x128xf32, #tpu.memory_space<vmem>> -> memref<128xf32, #tpu.memory_space<vmem>>
    %get3A_1758 = arith.constant 112 : index
    %get3A_1759 = tpu.vector_load %get3A_1757[%get3A_1758] {strides = array<i32>} : memref<128xf32, #tpu.memory_space<vmem>>, vector<16xf32>,
    %get3A_1760 = vector.shape_cast %get3A_1759 : vector<16xf32> to vector<16xf32>
    %neg3A_1761 = arith.constant 0.000000e+00 : f32
    %neg3A_1762 = vector.broadcast %neg3A_1761 : f32 to vector<16xf32>
    %neg3A_1763 = arith.subf %neg3A_1762, %get3A_1711 : vector<16xf32>
    %exp3A_1764 = math.exp %neg3A_1763 : vector<16xf32>
    %add3A_1765 = arith.constant 1.000000e+00 : f32
    %add3A_1766 = vector.broadcast %add3A_1765 : f32 to vector<16xf32>
    %add3A_1767 = arith.addf %add3A_1766, %exp3A_1764 : vector<16xf32>
    %div3A_1768 = arith.constant 1.000000e+00 : f32
    %div3A_1769 = vector.broadcast %div3A_1768 : f32 to vector<16xf32>
    %div3A_1770 = arith.divf %div3A_1769, %add3A_1767 : vector<16xf32>
    %neg3A_1771 = arith.constant 0.000000e+00 : f32
    %neg3A_1772 = vector.broadcast %neg3A_1771 : f32 to vector<16xf32>
    %neg3A_1773 = arith.subf %neg3A_1772, %get3A_1718 : vector<16xf32>
    %exp3A_1774 = math.exp %neg3A_1773 : vector<16xf32>
    %add3A_1775 = arith.constant 1.000000e+00 : f32
    %add3A_1776 = vector.broadcast %add3A_1775 : f32 to vector<16xf32>
    %add3A_1777 = arith.addf %add3A_1776, %exp3A_1774 : vector<16xf32>
    %div3A_1778 = arith.constant 1.000000e+00 : f32
    %div3A_1779 = vector.broadcast %div3A_1778 : f32 to vector<16xf32>
    %div3A_1780 = arith.divf %div3A_1779, %add3A_1777 : vector<16xf32>
    %neg3A_1781 = arith.constant 0.000000e+00 : f32
    %neg3A_1782 = vector.broadcast %neg3A_1781 : f32 to vector<16xf32>
    %neg3A_1783 = arith.subf %neg3A_1782, %get3A_1725 : vector<16xf32>
    %exp3A_1784 = math.exp %neg3A_1783 : vector<16xf32>
    %add3A_1785 = arith.constant 1.000000e+00 : f32
    %add3A_1786 = vector.broadcast %add3A_1785 : f32 to vector<16xf32>
    %add3A_1787 = arith.addf %add3A_1786, %exp3A_1784 : vector<16xf32>
    %div3A_1788 = arith.constant 1.000000e+00 : f32
    %div3A_1789 = vector.broadcast %div3A_1788 : f32 to vector<16xf32>
    %div3A_1790 = arith.divf %div3A_1789, %add3A_1787 : vector<16xf32>
    %neg3A_1791 = arith.constant 0.000000e+00 : f32
    %neg3A_1792 = vector.broadcast %neg3A_1791 : f32 to vector<16xf32>
    %neg3A_1793 = arith.subf %neg3A_1792, %get3A_1732 : vector<16xf32>
    %exp3A_1794 = math.exp %neg3A_1793 : vector<16xf32>
    %add3A_1795 = arith.constant 1.000000e+00 : f32
    %add3A_1796 = vector.broadcast %add3A_1795 : f32 to vector<16xf32>
    %add3A_1797 = arith.addf %add3A_1796, %exp3A_1794 : vector<16xf32>
    %div3A_1798 = arith.constant 1.000000e+00 : f32
    %div3A_1799 = vector.broadcast %div3A_1798 : f32 to vector<16xf32>
    %div3A_1800 = arith.divf %div3A_1799, %add3A_1797 : vector<16xf32>
    %neg3A_1801 = arith.constant 0.000000e+00 : f32
    %neg3A_1802 = vector.broadcast %neg3A_1801 : f32 to vector<16xf32>
    %neg3A_1803 = arith.subf %neg3A_1802, %get3A_1739 : vector<16xf32>
    %exp3A_1804 = math.exp %neg3A_1803 : vector<16xf32>
    %add3A_1805 = arith.constant 1.000000e+00 : f32
    %add3A_1806 = vector.broadcast %add3A_1805 : f32 to vector<16xf32>
    %add3A_1807 = arith.addf %add3A_1806, %exp3A_1804 : vector<16xf32>
    %div3A_1808 = arith.constant 1.000000e+00 : f32
    %div3A_1809 = vector.broadcast %div3A_1808 : f32 to vector<16xf32>
    %div3A_1810 = arith.divf %div3A_1809, %add3A_1807 : vector<16xf32>
    %neg3A_1811 = arith.constant 0.000000e+00 : f32
    %neg3A_1812 = vector.broadcast %neg3A_1811 : f32 to vector<16xf32>
    %neg3A_1813 = arith.subf %neg3A_1812, %get3A_1746 : vector<16xf32>
    %exp3A_1814 = math.exp %neg3A_1813 : vector<16xf32>
    %add3A_1815 = arith.constant 1.000000e+00 : f32
    %add3A_1816 = vector.broadcast %add3A_1815 : f32 to vector<16xf32>
    %add3A_1817 = arith.addf %add3A_1816, %exp3A_1814 : vector<16xf32>
    %div3A_1818 = arith.constant 1.000000e+00 : f32
    %div3A_1819 = vector.broadcast %div3A_1818 : f32 to vector<16xf32>
    %div3A_1820 = arith.divf %div3A_1819, %add3A_1817 : vector<16xf32>
    %neg3A_1821 = arith.constant 0.000000e+00 : f32
    %neg3A_1822 = vector.broadcast %neg3A_1821 : f32 to vector<16xf32>
    %neg3A_1823 = arith.subf %neg3A_1822, %get3A_1753 : vector<16xf32>
    %exp3A_1824 = math.exp %neg3A_1823 : vector<16xf32>
    %add3A_1825 = arith.constant 1.000000e+00 : f32
    %add3A_1826 = vector.broadcast %add3A_1825 : f32 to vector<16xf32>
    %add3A_1827 = arith.addf %add3A_1826, %exp3A_1824 : vector<16xf32>
    %div3A_1828 = arith.constant 1.000000e+00 : f32
    %div3A_1829 = vector.broadcast %div3A_1828 : f32 to vector<16xf32>
    %div3A_1830 = arith.divf %div3A_1829, %add3A_1827 : vector<16xf32>
    %neg3A_1831 = arith.constant 0.000000e+00 : f32
    %neg3A_1832 = vector.broadcast %neg3A_1831 : f32 to vector<16xf32>
    %neg3A_1833 = arith.subf %neg3A_1832, %get3A_1760 : vector<16xf32>
    %exp3A_1834 = math.exp %neg3A_1833 : vector<16xf32>
    %add3A_1835 = arith.constant 1.000000e+00 : f32
    %add3A_1836 = vector.broadcast %add3A_1835 : f32 to vector<16xf32>
    %add3A_1837 = arith.addf %add3A_1836, %exp3A_1834 : vector<16xf32>
    %div3A_1838 = arith.constant 1.000000e+00 : f32
    %div3A_1839 = vector.broadcast %div3A_1838 : f32 to vector<16xf32>
    %div3A_1840 = arith.divf %div3A_1839, %add3A_1837 : vector<16xf32>
    %swap3A_1841 = arith.constant 7 : i32
    %swap3A_1842 = arith.constant 0 : i32
    %swap3A_1843 = tpu.memref_slice %arg6[%swap3A_1841, %swap3A_1842] : memref<8x128xf32, #tpu.memory_space<vmem>> -> memref<1x128xf32, #tpu.memory_space<vmem>>
    %swap3A_1844 = tpu.memref_squeeze %swap3A_1843 : memref<1x128xf32, #tpu.memory_space<vmem>> -> memref<128xf32, #tpu.memory_space<vmem>>
    %swap3A_1845 = arith.constant 0 : index
    %swap3A_1846 = tpu.vector_load %swap3A_1844[%swap3A_1845] {strides = array<i32>} : memref<128xf32, #tpu.memory_space<vmem>>, vector<16xf32>,
    %swap3A_1847 = vector.shape_cast %swap3A_1846 : vector<16xf32> to vector<16xf32>
    %swap3A_1848 = vector.shape_cast %div3A_1770 : vector<16xf32> to vector<16xf32>
    tpu.vector_store %swap3A_1844[%swap3A_1845], %swap3A_1848 {strides = array<i32>} : memref<128xf32, #tpu.memory_space<vmem>>, vector<16xf32>,
    %swap3A_1849 = arith.constant 7 : i32
    %swap3A_1850 = arith.constant 0 : i32
    %swap3A_1851 = tpu.memref_slice %arg6[%swap3A_1849, %swap3A_1850] : memref<8x128xf32, #tpu.memory_space<vmem>> -> memref<1x128xf32, #tpu.memory_space<vmem>>
    %swap3A_1852 = tpu.memref_squeeze %swap3A_1851 : memref<1x128xf32, #tpu.memory_space<vmem>> -> memref<128xf32, #tpu.memory_space<vmem>>
    %swap3A_1853 = arith.constant 16 : index
    %swap3A_1854 = tpu.vector_load %swap3A_1852[%swap3A_1853] {strides = array<i32>} : memref<128xf32, #tpu.memory_space<vmem>>, vector<16xf32>,
    %swap3A_1855 = vector.shape_cast %swap3A_1854 : vector<16xf32> to vector<16xf32>
    %swap3A_1856 = vector.shape_cast %div3A_1780 : vector<16xf32> to vector<16xf32>
    tpu.vector_store %swap3A_1852[%swap3A_1853], %swap3A_1856 {strides = array<i32>} : memref<128xf32, #tpu.memory_space<vmem>>, vector<16xf32>,
    %swap3A_1857 = arith.constant 7 : i32
    %swap3A_1858 = arith.constant 0 : i32
    %swap3A_1859 = tpu.memref_slice %arg6[%swap3A_1857, %swap3A_1858] : memref<8x128xf32, #tpu.memory_space<vmem>> -> memref<1x128xf32, #tpu.memory_space<vmem>>
    %swap3A_1860 = tpu.memref_squeeze %swap3A_1859 : memref<1x128xf32, #tpu.memory_space<vmem>> -> memref<128xf32, #tpu.memory_space<vmem>>
    %swap3A_1861 = arith.constant 32 : index
    %swap3A_1862 = tpu.vector_load %swap3A_1860[%swap3A_1861] {strides = array<i32>} : memref<128xf32, #tpu.memory_space<vmem>>, vector<16xf32>,
    %swap3A_1863 = vector.shape_cast %swap3A_1862 : vector<16xf32> to vector<16xf32>
    %swap3A_1864 = vector.shape_cast %div3A_1790 : vector<16xf32> to vector<16xf32>
    tpu.vector_store %swap3A_1860[%swap3A_1861], %swap3A_1864 {strides = array<i32>} : memref<128xf32, #tpu.memory_space<vmem>>, vector<16xf32>,
    %swap3A_1865 = arith.constant 7 : i32
    %swap3A_1866 = arith.constant 0 : i32
    %swap3A_1867 = tpu.memref_slice %arg6[%swap3A_1865, %swap3A_1866] : memref<8x128xf32, #tpu.memory_space<vmem>> -> memref<1x128xf32, #tpu.memory_space<vmem>>
    %swap3A_1868 = tpu.memref_squeeze %swap3A_1867 : memref<1x128xf32, #tpu.memory_space<vmem>> -> memref<128xf32, #tpu.memory_space<vmem>>
    %swap3A_1869 = arith.constant 48 : index
    %swap3A_1870 = tpu.vector_load %swap3A_1868[%swap3A_1869] {strides = array<i32>} : memref<128xf32, #tpu.memory_space<vmem>>, vector<16xf32>,
    %swap3A_1871 = vector.shape_cast %swap3A_1870 : vector<16xf32> to vector<16xf32>
    %swap3A_1872 = vector.shape_cast %div3A_1800 : vector<16xf32> to vector<16xf32>
    tpu.vector_store %swap3A_1868[%swap3A_1869], %swap3A_1872 {strides = array<i32>} : memref<128xf32, #tpu.memory_space<vmem>>, vector<16xf32>,
    %swap3A_1873 = arith.constant 7 : i32
    %swap3A_1874 = arith.constant 0 : i32
    %swap3A_1875 = tpu.memref_slice %arg6[%swap3A_1873, %swap3A_1874] : memref<8x128xf32, #tpu.memory_space<vmem>> -> memref<1x128xf32, #tpu.memory_space<vmem>>
    %swap3A_1876 = tpu.memref_squeeze %swap3A_1875 : memref<1x128xf32, #tpu.memory_space<vmem>> -> memref<128xf32, #tpu.memory_space<vmem>>
    %swap3A_1877 = arith.constant 64 : index
    %swap3A_1878 = tpu.vector_load %swap3A_1876[%swap3A_1877] {strides = array<i32>} : memref<128xf32, #tpu.memory_space<vmem>>, vector<16xf32>,
    %swap3A_1879 = vector.shape_cast %swap3A_1878 : vector<16xf32> to vector<16xf32>
    %swap3A_1880 = vector.shape_cast %div3A_1810 : vector<16xf32> to vector<16xf32>
    tpu.vector_store %swap3A_1876[%swap3A_1877], %swap3A_1880 {strides = array<i32>} : memref<128xf32, #tpu.memory_space<vmem>>, vector<16xf32>,
    %swap3A_1881 = arith.constant 7 : i32
    %swap3A_1882 = arith.constant 0 : i32
    %swap3A_1883 = tpu.memref_slice %arg6[%swap3A_1881, %swap3A_1882] : memref<8x128xf32, #tpu.memory_space<vmem>> -> memref<1x128xf32, #tpu.memory_space<vmem>>
    %swap3A_1884 = tpu.memref_squeeze %swap3A_1883 : memref<1x128xf32, #tpu.memory_space<vmem>> -> memref<128xf32, #tpu.memory_space<vmem>>
    %swap3A_1885 = arith.constant 80 : index
    %swap3A_1886 = tpu.vector_load %swap3A_1884[%swap3A_1885] {strides = array<i32>} : memref<128xf32, #tpu.memory_space<vmem>>, vector<16xf32>,
    %swap3A_1887 = vector.shape_cast %swap3A_1886 : vector<16xf32> to vector<16xf32>
    %swap3A_1888 = vector.shape_cast %div3A_1820 : vector<16xf32> to vector<16xf32>
    tpu.vector_store %swap3A_1884[%swap3A_1885], %swap3A_1888 {strides = array<i32>} : memref<128xf32, #tpu.memory_space<vmem>>, vector<16xf32>,
    %swap3A_1889 = arith.constant 7 : i32
    %swap3A_1890 = arith.constant 0 : i32
    %swap3A_1891 = tpu.memref_slice %arg6[%swap3A_1889, %swap3A_1890] : memref<8x128xf32, #tpu.memory_space<vmem>> -> memref<1x128xf32, #tpu.memory_space<vmem>>
    %swap3A_1892 = tpu.memref_squeeze %swap3A_1891 : memref<1x128xf32, #tpu.memory_space<vmem>> -> memref<128xf32, #tpu.memory_space<vmem>>
    %swap3A_1893 = arith.constant 96 : index
    %swap3A_1894 = tpu.vector_load %swap3A_1892[%swap3A_1893] {strides = array<i32>} : memref<128xf32, #tpu.memory_space<vmem>>, vector<16xf32>,
    %swap3A_1895 = vector.shape_cast %swap3A_1894 : vector<16xf32> to vector<16xf32>
    %swap3A_1896 = vector.shape_cast %div3A_1830 : vector<16xf32> to vector<16xf32>
    tpu.vector_store %swap3A_1892[%swap3A_1893], %swap3A_1896 {strides = array<i32>} : memref<128xf32, #tpu.memory_space<vmem>>, vector<16xf32>,
    %swap3A_1897 = arith.constant 7 : i32
    %swap3A_1898 = arith.constant 0 : i32
    %swap3A_1899 = tpu.memref_slice %arg6[%swap3A_1897, %swap3A_1898] : memref<8x128xf32, #tpu.memory_space<vmem>> -> memref<1x128xf32, #tpu.memory_space<vmem>>
    %swap3A_1900 = tpu.memref_squeeze %swap3A_1899 : memref<1x128xf32, #tpu.memory_space<vmem>> -> memref<128xf32, #tpu.memory_space<vmem>>
    %swap3A_1901 = arith.constant 112 : index
    %swap3A_1902 = tpu.vector_load %swap3A_1900[%swap3A_1901] {strides = array<i32>} : memref<128xf32, #tpu.memory_space<vmem>>, vector<16xf32>,
    %swap3A_1903 = vector.shape_cast %swap3A_1902 : vector<16xf32> to vector<16xf32>
    %swap3A_1904 = vector.shape_cast %div3A_1840 : vector<16xf32> to vector<16xf32>
    tpu.vector_store %swap3A_1900[%swap3A_1901], %swap3A_1904 {strides = array<i32>} : memref<128xf32, #tpu.memory_space<vmem>>, vector<16xf32>,
    %add3A_1905 = arith.constant 7 : i32
    %add3A_1906 = arith.addi %mul3A_2, %add3A_1905 : i32
    %dma_start3A_1907 = arith.constant 7 : i32
    %dma_start3A_1908 = arith.constant 0 : i32
    %dma_start3A_1909 = tpu.memref_slice %arg6[%dma_start3A_1907, %dma_start3A_1908] : memref<8x128xf32, #tpu.memory_space<vmem>> -> memref<1x128xf32, #tpu.memory_space<vmem>>
    %dma_start3A_1910 = tpu.memref_squeeze %dma_start3A_1909 : memref<1x128xf32, #tpu.memory_space<vmem>> -> memref<128xf32, #tpu.memory_space<vmem>>
    %dma_start3A_1911 = arith.constant 0 : i32
    %dma_start3A_1912 = tpu.memref_slice %arg4[%add3A_1906, %dma_start3A_1911] : memref<128x128xf32, #tpu.memory_space<hbm>> -> memref<1x128xf32, #tpu.memory_space<hbm>>
    %dma_start3A_1913 = tpu.memref_squeeze %dma_start3A_1912 : memref<1x128xf32, #tpu.memory_space<hbm>> -> memref<128xf32, #tpu.memory_space<hbm>>
    %dma_start3A_1914 = arith.constant 0 : i32
    %dma_start3A_1915 = tpu.memref_slice %arg4[%add3A_1906, %dma_start3A_1914] : memref<128x128xf32, #tpu.memory_space<hbm>> -> memref<1x128xf32, #tpu.memory_space<hbm>>
    %dma_start3A_1916 = tpu.memref_squeeze %dma_start3A_1915 : memref<1x128xf32, #tpu.memory_space<hbm>> -> memref<128xf32, #tpu.memory_space<hbm>>
    %dma_start3A_1917 = arith.constant 0 : i32
    %dma_start3A_1918 = tpu.memref_slice %arg6[%dma_start3A_1907, %dma_start3A_1917] : memref<8x128xf32, #tpu.memory_space<vmem>> -> memref<1x128xf32, #tpu.memory_space<vmem>>
    %dma_start3A_1919 = tpu.memref_squeeze %dma_start3A_1918 : memref<1x128xf32, #tpu.memory_space<vmem>> -> memref<128xf32, #tpu.memory_space<vmem>>
    tpu.enqueue_dma source(%dma_start3A_1919 : memref<128xf32, #tpu.memory_space<vmem>>) target(%dma_start3A_1916 : memref<128xf32, #tpu.memory_space<hbm>>) target_semaphore(%arg14 : memref<!tpu.dma_semaphore, #tpu.memory_space<semaphore_mem>>)
    %dma_wait3A_1920 = arith.constant 0 : i32
    %dma_wait3A_1921 = arith.constant 0 : i32
    %dma_wait3A_1922 = tpu.memref_slice %arg6[%dma_wait3A_1920, %dma_wait3A_1921] : memref<8x128xf32, #tpu.memory_space<vmem>> -> memref<1x128xf32, #tpu.memory_space<vmem>>
    %dma_wait3A_1923 = tpu.memref_squeeze %dma_wait3A_1922 : memref<1x128xf32, #tpu.memory_space<vmem>> -> memref<128xf32, #tpu.memory_space<vmem>>
    %dma_wait3A_1924 = arith.constant 0 : i32
    %dma_wait3A_1925 = tpu.memref_slice %arg4[%add3A_331, %dma_wait3A_1924] : memref<128x128xf32, #tpu.memory_space<hbm>> -> memref<1x128xf32, #tpu.memory_space<hbm>>
    %dma_wait3A_1926 = tpu.memref_squeeze %dma_wait3A_1925 : memref<1x128xf32, #tpu.memory_space<hbm>> -> memref<128xf32, #tpu.memory_space<hbm>>
    %dma_wait3A_1927 = arith.constant 0 : i32
    %dma_wait3A_1928 = tpu.memref_slice %arg4[%add3A_331, %dma_wait3A_1927] : memref<128x128xf32, #tpu.memory_space<hbm>> -> memref<1x128xf32, #tpu.memory_space<hbm>>
    %dma_wait3A_1929 = tpu.memref_squeeze %dma_wait3A_1928 : memref<1x128xf32, #tpu.memory_space<hbm>> -> memref<128xf32, #tpu.memory_space<hbm>>
    %dma_wait3A_1930 = arith.constant 0 : i32
    %dma_wait3A_1931 = tpu.memref_slice %arg6[%dma_wait3A_1920, %dma_wait3A_1930] : memref<8x128xf32, #tpu.memory_space<vmem>> -> memref<1x128xf32, #tpu.memory_space<vmem>>
    %dma_wait3A_1932 = tpu.memref_squeeze %dma_wait3A_1931 : memref<1x128xf32, #tpu.memory_space<vmem>> -> memref<128xf32, #tpu.memory_space<vmem>>
    tpu.wait_dma2 semaphore(%arg7 : memref<!tpu.dma_semaphore, #tpu.memory_space<semaphore_mem>>) src(%dma_wait3A_1932 : memref<128xf32, #tpu.memory_space<vmem>>) dst(%dma_wait3A_1929 : memref<128xf32, #tpu.memory_space<hbm>>)
    %dma_wait3A_1933 = arith.constant 1 : i32
    %dma_wait3A_1934 = arith.constant 0 : i32
    %dma_wait3A_1935 = tpu.memref_slice %arg6[%dma_wait3A_1933, %dma_wait3A_1934] : memref<8x128xf32, #tpu.memory_space<vmem>> -> memref<1x128xf32, #tpu.memory_space<vmem>>
    %dma_wait3A_1936 = tpu.memref_squeeze %dma_wait3A_1935 : memref<1x128xf32, #tpu.memory_space<vmem>> -> memref<128xf32, #tpu.memory_space<vmem>>
    %dma_wait3A_1937 = arith.constant 0 : i32
    %dma_wait3A_1938 = tpu.memref_slice %arg4[%add3A_556, %dma_wait3A_1937] : memref<128x128xf32, #tpu.memory_space<hbm>> -> memref<1x128xf32, #tpu.memory_space<hbm>>
    %dma_wait3A_1939 = tpu.memref_squeeze %dma_wait3A_1938 : memref<1x128xf32, #tpu.memory_space<hbm>> -> memref<128xf32, #tpu.memory_space<hbm>>
    %dma_wait3A_1940 = arith.constant 0 : i32
    %dma_wait3A_1941 = tpu.memref_slice %arg4[%add3A_556, %dma_wait3A_1940] : memref<128x128xf32, #tpu.memory_space<hbm>> -> memref<1x128xf32, #tpu.memory_space<hbm>>
    %dma_wait3A_1942 = tpu.memref_squeeze %dma_wait3A_1941 : memref<1x128xf32, #tpu.memory_space<hbm>> -> memref<128xf32, #tpu.memory_space<hbm>>
    %dma_wait3A_1943 = arith.constant 0 : i32
    %dma_wait3A_1944 = tpu.memref_slice %arg6[%dma_wait3A_1933, %dma_wait3A_1943] : memref<8x128xf32, #tpu.memory_space<vmem>> -> memref<1x128xf32, #tpu.memory_space<vmem>>
    %dma_wait3A_1945 = tpu.memref_squeeze %dma_wait3A_1944 : memref<1x128xf32, #tpu.memory_space<vmem>> -> memref<128xf32, #tpu.memory_space<vmem>>
    tpu.wait_dma2 semaphore(%arg8 : memref<!tpu.dma_semaphore, #tpu.memory_space<semaphore_mem>>) src(%dma_wait3A_1945 : memref<128xf32, #tpu.memory_space<vmem>>) dst(%dma_wait3A_1942 : memref<128xf32, #tpu.memory_space<hbm>>)
    %dma_wait3A_1946 = arith.constant 2 : i32
    %dma_wait3A_1947 = arith.constant 0 : i32
    %dma_wait3A_1948 = tpu.memref_slice %arg6[%dma_wait3A_1946, %dma_wait3A_1947] : memref<8x128xf32, #tpu.memory_space<vmem>> -> memref<1x128xf32, #tpu.memory_space<vmem>>
    %dma_wait3A_1949 = tpu.memref_squeeze %dma_wait3A_1948 : memref<1x128xf32, #tpu.memory_space<vmem>> -> memref<128xf32, #tpu.memory_space<vmem>>
    %dma_wait3A_1950 = arith.constant 0 : i32
    %dma_wait3A_1951 = tpu.memref_slice %arg4[%add3A_781, %dma_wait3A_1950] : memref<128x128xf32, #tpu.memory_space<hbm>> -> memref<1x128xf32, #tpu.memory_space<hbm>>
    %dma_wait3A_1952 = tpu.memref_squeeze %dma_wait3A_1951 : memref<1x128xf32, #tpu.memory_space<hbm>> -> memref<128xf32, #tpu.memory_space<hbm>>
    %dma_wait3A_1953 = arith.constant 0 : i32
    %dma_wait3A_1954 = tpu.memref_slice %arg4[%add3A_781, %dma_wait3A_1953] : memref<128x128xf32, #tpu.memory_space<hbm>> -> memref<1x128xf32, #tpu.memory_space<hbm>>
    %dma_wait3A_1955 = tpu.memref_squeeze %dma_wait3A_1954 : memref<1x128xf32, #tpu.memory_space<hbm>> -> memref<128xf32, #tpu.memory_space<hbm>>
    %dma_wait3A_1956 = arith.constant 0 : i32
    %dma_wait3A_1957 = tpu.memref_slice %arg6[%dma_wait3A_1946, %dma_wait3A_1956] : memref<8x128xf32, #tpu.memory_space<vmem>> -> memref<1x128xf32, #tpu.memory_space<vmem>>
    %dma_wait3A_1958 = tpu.memref_squeeze %dma_wait3A_1957 : memref<1x128xf32, #tpu.memory_space<vmem>> -> memref<128xf32, #tpu.memory_space<vmem>>
    tpu.wait_dma2 semaphore(%arg9 : memref<!tpu.dma_semaphore, #tpu.memory_space<semaphore_mem>>) src(%dma_wait3A_1958 : memref<128xf32, #tpu.memory_space<vmem>>) dst(%dma_wait3A_1955 : memref<128xf32, #tpu.memory_space<hbm>>)
    %dma_wait3A_1959 = arith.constant 3 : i32
    %dma_wait3A_1960 = arith.constant 0 : i32
    %dma_wait3A_1961 = tpu.memref_slice %arg6[%dma_wait3A_1959, %dma_wait3A_1960] : memref<8x128xf32, #tpu.memory_space<vmem>> -> memref<1x128xf32, #tpu.memory_space<vmem>>
    %dma_wait3A_1962 = tpu.memref_squeeze %dma_wait3A_1961 : memref<1x128xf32, #tpu.memory_space<vmem>> -> memref<128xf32, #tpu.memory_space<vmem>>
    %dma_wait3A_1963 = arith.constant 0 : i32
    %dma_wait3A_1964 = tpu.memref_slice %arg4[%add3A_1006, %dma_wait3A_1963] : memref<128x128xf32, #tpu.memory_space<hbm>> -> memref<1x128xf32, #tpu.memory_space<hbm>>
    %dma_wait3A_1965 = tpu.memref_squeeze %dma_wait3A_1964 : memref<1x128xf32, #tpu.memory_space<hbm>> -> memref<128xf32, #tpu.memory_space<hbm>>
    %dma_wait3A_1966 = arith.constant 0 : i32
    %dma_wait3A_1967 = tpu.memref_slice %arg4[%add3A_1006, %dma_wait3A_1966] : memref<128x128xf32, #tpu.memory_space<hbm>> -> memref<1x128xf32, #tpu.memory_space<hbm>>
    %dma_wait3A_1968 = tpu.memref_squeeze %dma_wait3A_1967 : memref<1x128xf32, #tpu.memory_space<hbm>> -> memref<128xf32, #tpu.memory_space<hbm>>
    %dma_wait3A_1969 = arith.constant 0 : i32
    %dma_wait3A_1970 = tpu.memref_slice %arg6[%dma_wait3A_1959, %dma_wait3A_1969] : memref<8x128xf32, #tpu.memory_space<vmem>> -> memref<1x128xf32, #tpu.memory_space<vmem>>
    %dma_wait3A_1971 = tpu.memref_squeeze %dma_wait3A_1970 : memref<1x128xf32, #tpu.memory_space<vmem>> -> memref<128xf32, #tpu.memory_space<vmem>>
    tpu.wait_dma2 semaphore(%arg10 : memref<!tpu.dma_semaphore, #tpu.memory_space<semaphore_mem>>) src(%dma_wait3A_1971 : memref<128xf32, #tpu.memory_space<vmem>>) dst(%dma_wait3A_1968 : memref<128xf32, #tpu.memory_space<hbm>>)
    %dma_wait3A_1972 = arith.constant 4 : i32
    %dma_wait3A_1973 = arith.constant 0 : i32
    %dma_wait3A_1974 = tpu.memref_slice %arg6[%dma_wait3A_1972, %dma_wait3A_1973] : memref<8x128xf32, #tpu.memory_space<vmem>> -> memref<1x128xf32, #tpu.memory_space<vmem>>
    %dma_wait3A_1975 = tpu.memref_squeeze %dma_wait3A_1974 : memref<1x128xf32, #tpu.memory_space<vmem>> -> memref<128xf32, #tpu.memory_space<vmem>>
    %dma_wait3A_1976 = arith.constant 0 : i32
    %dma_wait3A_1977 = tpu.memref_slice %arg4[%add3A_1231, %dma_wait3A_1976] : memref<128x128xf32, #tpu.memory_space<hbm>> -> memref<1x128xf32, #tpu.memory_space<hbm>>
    %dma_wait3A_1978 = tpu.memref_squeeze %dma_wait3A_1977 : memref<1x128xf32, #tpu.memory_space<hbm>> -> memref<128xf32, #tpu.memory_space<hbm>>
    %dma_wait3A_1979 = arith.constant 0 : i32
    %dma_wait3A_1980 = tpu.memref_slice %arg4[%add3A_1231, %dma_wait3A_1979] : memref<128x128xf32, #tpu.memory_space<hbm>> -> memref<1x128xf32, #tpu.memory_space<hbm>>
    %dma_wait3A_1981 = tpu.memref_squeeze %dma_wait3A_1980 : memref<1x128xf32, #tpu.memory_space<hbm>> -> memref<128xf32, #tpu.memory_space<hbm>>
    %dma_wait3A_1982 = arith.constant 0 : i32
    %dma_wait3A_1983 = tpu.memref_slice %arg6[%dma_wait3A_1972, %dma_wait3A_1982] : memref<8x128xf32, #tpu.memory_space<vmem>> -> memref<1x128xf32, #tpu.memory_space<vmem>>
    %dma_wait3A_1984 = tpu.memref_squeeze %dma_wait3A_1983 : memref<1x128xf32, #tpu.memory_space<vmem>> -> memref<128xf32, #tpu.memory_space<vmem>>
    tpu.wait_dma2 semaphore(%arg11 : memref<!tpu.dma_semaphore, #tpu.memory_space<semaphore_mem>>) src(%dma_wait3A_1984 : memref<128xf32, #tpu.memory_space<vmem>>) dst(%dma_wait3A_1981 : memref<128xf32, #tpu.memory_space<hbm>>)
    %dma_wait3A_1985 = arith.constant 5 : i32
    %dma_wait3A_1986 = arith.constant 0 : i32
    %dma_wait3A_1987 = tpu.memref_slice %arg6[%dma_wait3A_1985, %dma_wait3A_1986] : memref<8x128xf32, #tpu.memory_space<vmem>> -> memref<1x128xf32, #tpu.memory_space<vmem>>
    %dma_wait3A_1988 = tpu.memref_squeeze %dma_wait3A_1987 : memref<1x128xf32, #tpu.memory_space<vmem>> -> memref<128xf32, #tpu.memory_space<vmem>>
    %dma_wait3A_1989 = arith.constant 0 : i32
    %dma_wait3A_1990 = tpu.memref_slice %arg4[%add3A_1456, %dma_wait3A_1989] : memref<128x128xf32, #tpu.memory_space<hbm>> -> memref<1x128xf32, #tpu.memory_space<hbm>>
    %dma_wait3A_1991 = tpu.memref_squeeze %dma_wait3A_1990 : memref<1x128xf32, #tpu.memory_space<hbm>> -> memref<128xf32, #tpu.memory_space<hbm>>
    %dma_wait3A_1992 = arith.constant 0 : i32
    %dma_wait3A_1993 = tpu.memref_slice %arg4[%add3A_1456, %dma_wait3A_1992] : memref<128x128xf32, #tpu.memory_space<hbm>> -> memref<1x128xf32, #tpu.memory_space<hbm>>
    %dma_wait3A_1994 = tpu.memref_squeeze %dma_wait3A_1993 : memref<1x128xf32, #tpu.memory_space<hbm>> -> memref<128xf32, #tpu.memory_space<hbm>>
    %dma_wait3A_1995 = arith.constant 0 : i32
    %dma_wait3A_1996 = tpu.memref_slice %arg6[%dma_wait3A_1985, %dma_wait3A_1995] : memref<8x128xf32, #tpu.memory_space<vmem>> -> memref<1x128xf32, #tpu.memory_space<vmem>>
    %dma_wait3A_1997 = tpu.memref_squeeze %dma_wait3A_1996 : memref<1x128xf32, #tpu.memory_space<vmem>> -> memref<128xf32, #tpu.memory_space<vmem>>
    tpu.wait_dma2 semaphore(%arg12 : memref<!tpu.dma_semaphore, #tpu.memory_space<semaphore_mem>>) src(%dma_wait3A_1997 : memref<128xf32, #tpu.memory_space<vmem>>) dst(%dma_wait3A_1994 : memref<128xf32, #tpu.memory_space<hbm>>)
    %dma_wait3A_1998 = arith.constant 6 : i32
    %dma_wait3A_1999 = arith.constant 0 : i32
    %dma_wait3A_2000 = tpu.memref_slice %arg6[%dma_wait3A_1998, %dma_wait3A_1999] : memref<8x128xf32, #tpu.memory_space<vmem>> -> memref<1x128xf32, #tpu.memory_space<vmem>>
    %dma_wait3A_2001 = tpu.memref_squeeze %dma_wait3A_2000 : memref<1x128xf32, #tpu.memory_space<vmem>> -> memref<128xf32, #tpu.memory_space<vmem>>
    %dma_wait3A_2002 = arith.constant 0 : i32
    %dma_wait3A_2003 = tpu.memref_slice %arg4[%add3A_1681, %dma_wait3A_2002] : memref<128x128xf32, #tpu.memory_space<hbm>> -> memref<1x128xf32, #tpu.memory_space<hbm>>
    %dma_wait3A_2004 = tpu.memref_squeeze %dma_wait3A_2003 : memref<1x128xf32, #tpu.memory_space<hbm>> -> memref<128xf32, #tpu.memory_space<hbm>>
    %dma_wait3A_2005 = arith.constant 0 : i32
    %dma_wait3A_2006 = tpu.memref_slice %arg4[%add3A_1681, %dma_wait3A_2005] : memref<128x128xf32, #tpu.memory_space<hbm>> -> memref<1x128xf32, #tpu.memory_space<hbm>>
    %dma_wait3A_2007 = tpu.memref_squeeze %dma_wait3A_2006 : memref<1x128xf32, #tpu.memory_space<hbm>> -> memref<128xf32, #tpu.memory_space<hbm>>
    %dma_wait3A_2008 = arith.constant 0 : i32
    %dma_wait3A_2009 = tpu.memref_slice %arg6[%dma_wait3A_1998, %dma_wait3A_2008] : memref<8x128xf32, #tpu.memory_space<vmem>> -> memref<1x128xf32, #tpu.memory_space<vmem>>
    %dma_wait3A_2010 = tpu.memref_squeeze %dma_wait3A_2009 : memref<1x128xf32, #tpu.memory_space<vmem>> -> memref<128xf32, #tpu.memory_space<vmem>>
    tpu.wait_dma2 semaphore(%arg13 : memref<!tpu.dma_semaphore, #tpu.memory_space<semaphore_mem>>) src(%dma_wait3A_2010 : memref<128xf32, #tpu.memory_space<vmem>>) dst(%dma_wait3A_2007 : memref<128xf32, #tpu.memory_space<hbm>>)
    %dma_wait3A_2011 = arith.constant 7 : i32
    %dma_wait3A_2012 = arith.constant 0 : i32
    %dma_wait3A_2013 = tpu.memref_slice %arg6[%dma_wait3A_2011, %dma_wait3A_2012] : memref<8x128xf32, #tpu.memory_space<vmem>> -> memref<1x128xf32, #tpu.memory_space<vmem>>
    %dma_wait3A_2014 = tpu.memref_squeeze %dma_wait3A_2013 : memref<1x128xf32, #tpu.memory_space<vmem>> -> memref<128xf32, #tpu.memory_space<vmem>>
    %dma_wait3A_2015 = arith.constant 0 : i32
    %dma_wait3A_2016 = tpu.memref_slice %arg4[%add3A_1906, %dma_wait3A_2015] : memref<128x128xf32, #tpu.memory_space<hbm>> -> memref<1x128xf32, #tpu.memory_space<hbm>>
    %dma_wait3A_2017 = tpu.memref_squeeze %dma_wait3A_2016 : memref<1x128xf32, #tpu.memory_space<hbm>> -> memref<128xf32, #tpu.memory_space<hbm>>
    %dma_wait3A_2018 = arith.constant 0 : i32
    %dma_wait3A_2019 = tpu.memref_slice %arg4[%add3A_1906, %dma_wait3A_2018] : memref<128x128xf32, #tpu.memory_space<hbm>> -> memref<1x128xf32, #tpu.memory_space<hbm>>
    %dma_wait3A_2020 = tpu.memref_squeeze %dma_wait3A_2019 : memref<1x128xf32, #tpu.memory_space<hbm>> -> memref<128xf32, #tpu.memory_space<hbm>>
    %dma_wait3A_2021 = arith.constant 0 : i32
    %dma_wait3A_2022 = tpu.memref_slice %arg6[%dma_wait3A_2011, %dma_wait3A_2021] : memref<8x128xf32, #tpu.memory_space<vmem>> -> memref<1x128xf32, #tpu.memory_space<vmem>>
    %dma_wait3A_2023 = tpu.memref_squeeze %dma_wait3A_2022 : memref<1x128xf32, #tpu.memory_space<vmem>> -> memref<128xf32, #tpu.memory_space<vmem>>
    tpu.wait_dma2 semaphore(%arg14 : memref<!tpu.dma_semaphore, #tpu.memory_space<semaphore_mem>>) src(%dma_wait3A_2023 : memref<128xf32, #tpu.memory_space<vmem>>) dst(%dma_wait3A_2020 : memref<128xf32, #tpu.memory_space<hbm>>)
    return
  }
}

</mosaic_0001>

<sc_bundles>
// kernel: kernel.3.cloned.1.call-start
scs
__scs_entry_jumppad:
0x0: {  	(pc) =	sbr.rel $0x88, $3  }
0x1: {  	(tag) =	ssettag $0x0;
	lr =	simm.s32 $0x1  }
0x2: {  	[smem:$0x3F9F] =	sst lr;
	_ =	strace $0xD0000000  }
0x3: {  	_ = 	snop  }
0x4: {  	_ = 	snop  }
0x5: {  	_ = 	snop  }
0x6: {  	_ = 	snop  }
0x7: {  	_ = 	snop  }
__scs_overlays_trampoline_lowered:
0x8: {  	[smem:$0x3FAE] =	sst s0  }
0x9: {  	[smem:$0x3FAF] =	sst s1  }
0xa: {  	[smem:$0x3FB0] =	sst s2  }
0xb: {  	[smem:$0x3FB1] =	sst s3  }
0xc: {  	[smem:$0x3FB2] =	sst s4  }
0xd: {  	[smem:$0x3FB3] =	sst s5  }
0xe: {  	[smem:$0x3FB4] =	sst s6  }
0xf: {  	[smem:$0x3FB5] =	sst s7  }
0x10: {  	[smem:$0x3FB6] =	sst s8  }
0x11: {  	[smem:$0x3FB7] =	sst s9;
	s0 =	simm.s32 @!p0 $0x0  }
0x12: {  	s1 =	sld [smem:$0x3F9D];
	s0 =	simm.s32 @p0 $0x1  }
0x13: {  	[smem:$0x3FB8] =	sst s0;
	s0 =	simm.s32 @!p1 $0x0  }
0x14: {  	s2 =	sld [smem:$0x3F9C];
	s0 =	simm.s32 @p1 $0x1  }
0x15: {  	[smem:$0x3FB9] =	sst s0;
	s0 =	simm.s32 @!p2 $0x0  }
0x16: {  	s3 =	sld [smem:$0x3FDB];
	s0 =	simm.s32 @p2 $0x1  }
0x17: {  	s4 =	simm.s32 $0x1BF5;
	[smem:$0x3FBB] =	sst s0  }
0x18: {  	s0 =	sld [smem:$0x3F9E];
	_ =	swait.ge [sflag:s4], $0x0  }
0x19: {  	s7 =	sld [smem:$0x3F9F]  }
0x1a: {  	s8 =	sadd.s32 $0xFFFFE003, lr  }
0x1b: {  	s9 =	sadd.s32 $0xFFFFFEF7, lr;
	s5 =	simm.s32 $0xFFFFFFFF;
	p2 =	slt.u32 s8, $0xFFFFF086  }
0x1c: {  	p1 =	slt.u32 s9, $0xF7A;
	s5 =	simm.s32 @!p2 $0x0  }
0x1d: {  	s5 =	simm.s32 @p1 $0x1;
	p0 =	seq.s32 s7, s2  }
0x1e: {  	s7 =	smul.u32 @!p0 $0xF7A, s2;
	p2 =	seq.s32 @!p0 s5, $0x0  }
0x1f: {  	s9 =	smul.u32 $0xF7A, s1;
	s8 =	simm.s32 @!p0 $0x1BF5;
	p2 =	por !p2, p0  }
0x20: {  	[sflag:s8] =	ssyncset.s32 @!p0 $0xFFFFF086;
	s6 =	sadd.s32 @!p0 s3, s7;
	s7 =	simm.s32 @!p0 $0x108  }
0x21: {  	s3 =	sadd.s32 s3, s9;
	s6 =	sadd.s32 @!p0 $0x88, s6;
	s7 =	simm.s32 @p2 $0x1082  }
0x22: {  	[simem:s7], [sflag:s8] =	dma.local @!p0 [hbm:s6], $0xF7A  }
0x23: {  	s9 =	sor.u32 $0xD0000000, s2;
	s6 =	simm.s32 $0x108;
	_ =	swait.ge @!p0 [sflag:s8], $0x0  }
0x24: {  	s3 =	sadd.s32 $0x88, s3;
	s6 =	simm.s32 @!p1 $0x1082;
	[sflag:s4] =	ssyncset.s32 $0xFFFFF086  }
0x25: {  	[simem:s6], [sflag:s4] =	dma.local [hbm:s3], $0xF7A  }
0x26: {  	[smem:$0x3F9F] =	sst s1;
	(tag) =	ssettag s2;
	_ =	strace s9  }
0x27: {  	s1 =	sld [smem:$0x3FAF]  }
0x28: {  	s2 =	sld [smem:$0x3FB0]  }
0x29: {  	s4 =	sld [smem:$0x3FB2]  }
0x2a: {  	p0 =	seq.s32 s5, $0x0;
	s5 =	sld [smem:$0x3FB3]  }
0x2b: {  	s6 =	sld [smem:$0x3FB4]  }
0x2c: {  	s7 =	sld [smem:$0x3FB5]  }
0x2d: {  	s3 =	simm.s32 $0x108;
	s8 =	sld [smem:$0x3FB6]  }
0x2e: {  	s3 =	simm.s32 @!p0 $0x1082;
	s9 =	sld [smem:$0x3FB7]  }
0x2f: {  	lr =	sadd.s32 s0, s3;
	s0 =	sld [smem:$0x3FAE]  }
0x30: {  	s3 =	sld [smem:$0x3FB1]  }
0x31: {  	[smem:$0x3FBA] =	sst s10  }
0x32: {  	s10 =	sld [smem:$0x3FB8];
	_ =	sdelay $0x3  }
0x33: {  	p0 =	seq.s32 s10, $0x1;
	s10 =	sld [smem:$0x3FBA];
	_ =	sdelay $0x3  }
0x34: {  	[smem:$0x3FBA] =	sst s10  }
0x35: {  	s10 =	sld [smem:$0x3FB9];
	_ =	sdelay $0x3  }
0x36: {  	p1 =	seq.s32 s10, $0x1;
	s10 =	sld [smem:$0x3FBA];
	_ =	sdelay $0x3  }
0x37: {  	[smem:$0x3FBA] =	sst s10  }
0x38: {  	s10 =	sld [smem:$0x3FBB]  }
0x39: {  	_ = 	snop;
	(pc) =	sbr.ind lr, $3  }
0x3a: {  	_ = 	snop  }
0x3b: {  	_ = 	snop  }
0x3c: {  	p2 =	seq.s32 s10, $0x1;
	s10 =	sld [smem:$0x3FBA]  }
0x3d: {  	_ =	shalt  }
0x3e: {  	_ =	shalt  }
0x3f: {  	_ =	shalt  }
0x40: {  	_ =	shalt  }
0x41: {  	_ =	shalt  }
0x42: {  	_ =	shalt  }
0x43: {  	_ =	shalt  }
0x44: {  	_ =	shalt  }
0x45: {  	_ =	shalt  }
0x46: {  	_ =	shalt  }
0x47: {  	_ =	shalt  }
0x48: {  	_ =	shalt  }
0x49: {  	_ =	shalt  }
0x4a: {  	_ =	shalt  }
0x4b: {  	_ =	shalt  }
0x4c: {  	_ =	shalt  }
0x4d: {  	_ =	shalt  }
0x4e: {  	_ =	shalt  }
0x4f: {  	_ =	shalt  }
0x50: {  	_ =	shalt  }
0x51: {  	_ =	shalt  }
0x52: {  	_ =	shalt  }
0x53: {  	_ =	shalt  }
0x54: {  	_ =	shalt  }
0x55: {  	_ =	shalt  }
0x56: {  	_ =	shalt  }
0x57: {  	_ =	shalt  }
0x58: {  	_ =	shalt  }
0x59: {  	_ =	shalt  }
0x5a: {  	_ =	shalt  }
0x5b: {  	_ =	shalt  }
0x5c: {  	_ =	shalt  }
0x5d: {  	_ =	shalt  }
0x5e: {  	_ =	shalt  }
0x5f: {  	_ =	shalt  }
0x60: {  	_ =	shalt  }
0x61: {  	_ =	shalt  }
0x62: {  	_ =	shalt  }
0x63: {  	_ =	shalt  }
0x64: {  	_ =	shalt  }
0x65: {  	_ =	shalt  }
0x66: {  	_ =	shalt  }
0x67: {  	_ =	shalt  }
0x68: {  	_ =	shalt  }
0x69: {  	_ =	shalt  }
0x6a: {  	_ =	shalt  }
0x6b: {  	_ =	shalt  }
0x6c: {  	_ =	shalt  }
0x6d: {  	_ =	shalt  }
0x6e: {  	_ =	shalt  }
0x6f: {  	_ =	shalt  }
0x70: {  	_ =	shalt  }
0x71: {  	_ =	shalt  }
0x72: {  	_ =	shalt  }
0x73: {  	_ =	shalt  }
0x74: {  	_ =	shalt  }
0x75: {  	_ =	shalt  }
0x76: {  	_ =	shalt  }
0x77: {  	_ =	shalt  }
0x78: {  	_ =	shalt  }
0x79: {  	_ =	shalt  }
0x7a: {  	_ =	shalt  }
0x7b: {  	_ =	shalt  }
0x7c: {  	_ =	shalt  }
0x7d: {  	_ =	shalt  }
0x7e: {  	_ =	shalt  }
0x7f: {  	_ =	shalt  }
0x80: {  	_ =	shalt  }
0x81: {  	_ =	shalt  }
0x82: {  	_ =	shalt  }
0x83: {  	_ =	shalt  }
0x84: {  	_ =	shalt  }
0x85: {  	_ =	shalt  }
0x86: {  	_ =	shalt  }
0x87: {  	_ =	shalt  }
.Lfunc_end0:
.L_simem_size_0:
called_computation_lowered:
.L_overlay_start_0:
0x88: {  	s0 =	sld [smem:$0x3FD9]  }
0x89: {  	s1 =	sld [smem:$0x3FFE];
	_ =	sdelay $0x3  }
0x8a: {  	s0 =	sadd.s32 s1, s0  }
0x8b: {  	[smem:$0x3FC6] =	sst s0  }
0x8c: {  	_ = 	snop  }
0x8d: {  	s0 =	sld [smem:$0x3FC9]  }
0x8e: {  	s17 =	sld [smem:$0x3FC8]  }
0x8f: {  	s2 =	sld [smem:$0x3FD0];
	(tm) =	ssettm $0x1  }
0x90: {  	s3 =	sld [smem:$0x3FFB];
	_ =	sdelay $0x3  }
0x91: {  	_ =	strace s3  }
0x92: {  	s3 =	sld [smem:$0x3FFC];
	_ =	sdelay $0x3  }
0x93: {  	_ =	strace s3  }
0x94: {  	s3 =	sld [smem:$0x3FFD];
	_ =	sdelay $0x3  }
0x95: {  	_ =	strace s3  }
0x96: {  	_ =	strace $0x8FFFFFFF  }
0x97: {  	s18 =	sld [smem:$0x3FDB];
	_ =	sdelay $0x1  }
0x98: {  	s4 =	simm.s32 $_scs_section_size  }
0x99: {  	s5 =	simm.s32 $_size__tile_overlayer_lowered;
	s6 =	simm.s32 $_tile_overlayer_lowered  }
0x9a: {  	s21 =	simm.s32 $0x1BFF;
	s20 =	sshll.u32 s6, $0x1;
	s3 =	sadd.s32 s4, s18  }
0x9b: {  	s7 =	simm.s32 $0x0;
	s19 =	sshll.u32 s5, $0x1;
	s5 =	sadd.s32 s20, s3  }
0x9c: {  	[timem:s7], [sflag:s21] =	dma.local [hbm:s5], s19  }
0x9d: {  	_ =	swait.ge [sflag:s21], s19  }
0x9e: {  	s4 =	ssub.s32 $0x0, s19;
	[sflag:s21] =	ssyncset.done $0x0  }
0x9f: {  	[sflag:s21] =	ssyncadd.s32 s4;
	_ =	sdelay $0x1  }
0xa0: {  	s22 =	simm.s32 $0x1B8B  }
0xa1: {  	_ =	swait.ge [sflag:s22], $0x1  }
0xa2: {  	[sflag:s22] =	ssyncset.done $0x0  }
0xa3: {  	s23 =	simm.s32 $0x1B8E;
	[sflag:s22] =	ssyncadd.s32 $0xFFFFFFFF  }
0xa4: {  	s24 =	simm.s32 $execute0_lowered;
	[smem:$0x3FD2] =	sst s23  }
0xa5: {  	s4 =	sshll.u32 s24, $0x1;
	_ =	strace $0x80000046;
	[dreg:$0x1] =	wrdreg $0xFFFFFFFF  }
0xa6: {  	s25 =	simm.s32 $_size_execute0_lowered;
	s3 =	sadd.s32 s3, s4;
	[dreg:$0x0] =	wrdreg $0x0  }
0xa7: {  	s4 =	sshll.u32 s25, $0x1;
	[dreg:$0x2] =	wrdreg s3  }
0xa8: {  	[dreg:$0x3] =	wrdreg s4  }
0xa9: {  	[dreg:$0x4] =	wrdreg $0xC0  }
0xaa: {  	_ =	task [dreg:s7], $0x5FFFF  }
0xab: {  	[dreg:$0x1] =	wrdreg $0xFFFFFFFF  }
0xac: {  	[dreg:$0x0] =	wrdreg $0x60  }
0xad: {  	[dreg:$0x2] =	wrdreg s17  }
0xae: {  	[dreg:$0x3] =	wrdreg s0  }
0xaf: {  	[dreg:$0x4] =	wrdreg s2  }
0xb0: {  	[dreg:$0x5] =	wrdreg $0x9  }
0xb1: {  	_ =	task.clear_ibuf [dreg:s7], $0x6FFFF;
	_ =	strace $0x90000046  }
0xb2: {  	s26 =	simm.s32 $0x9;
	_ =	strace $0x80000048  }
0xb3: {  	_ =	swait.ge [sflag:s26], $0x1  }
0xb4: {  	[sflag:s26] =	ssyncadd.s32 $0xFFFFFFFF  }
0xb5: {  	_ =	strace $0x90000048  }
0xb6: {  	_ =	sfence  }
0xb7: {  	s28 =	sld [smem:$0x0];
	_ =	sdelay $0x1  }
0xb8: {  	s29 =	srdreg.scid  }
0xb9: {  	s30 =	sshll.u32 s29, $0xD;
	s31 =	sshrl.u32 s29, $0x2  }
0xba: {  	s1 =	sand.u32 $0x1, s29;
	s2 =	sand.u32 $0x4000, s30;
	s0 =	sadd.s32 s31, s28  }
0xbb: {  	s1 =	sor.u32 s2, s1;
	s0 =	sshll.u32 s0, $0x11  }
0xbc: {  	s0 =	sor.u32 s0, s1  }
0xbd: {  	s0 =	sadd.s32 $0x8F2B, s0  }
0xbe: {  	[sflag:s0] =	ssyncadd.remote.s32 $0x1  }
0xbf: {  	_ =	sfence.sel $0xFFFF  }
0xc0: {  	[dreg:$0x0] =	wrdreg $0xFFFFFFFF;
	(pc) =	sbr.abs _section_cstart, $3  }
0xc1: {  	[dreg:$0x1] =	wrdreg $0xFFFFFFFF  }
0xc2: {  	_ =	task.clear_ibuf [dreg:s7], $0x2FFFF;
	_ =	strace $0x9FFFFFFF  }
0xc3: {  	(tm) =	ssettm $0x7FFFFFFF  }
tec
execute0_lowered:
.L_overlay_start_1:
0x0: {  	(tag) =	ssettag $0x1  }
0x1: {  	s3 =	rddreg [dreg:$0x0]  }
0x2: {  	s4 =	rddreg [dreg:$0x1]  }
0x3: {  	s10 =	rddreg [dreg:$0x2]  }
0x4: {  	s0 =	rddreg [dreg:$0x3];
	s2 =	simm.s32 $0x0;
	s1 =	stileid.u32  }
0x5: {  	[smem:$0x7FF] =	sst s2;
	s5 =	sshll.u32 s1, $0x7  }
0x6: {  	_ =	strace $0x80000047;
	s6 =	sadd.s32 s4, s5;
	s11 =	sor.u32 $0x40, s5  }
0x7: {  	[tilespmem:s2], [sflag:$0x9] =	stream.linear.gather [hbm4b:s6+s2], $0x200, $0x38;
	[tilespmem:$0x800] =	vst v63  }
0x8: {  	s23 =	simm.s32 $0x200;
	s24 =	simm.s32 $0x9;
	s4 =	sadd.s32 s4, s11  }
0x9: {  	[tilespmem:s23], [sflag:$0xA] =	stream.linear.gather [hbm4b:s4+s2], $0x200, $0x38;
	[tilespmem:$0x800] =	vst v63  }
0xa: {  	_ =	swait.ge [sflag:s24], $0x200  }
0xb: {  	[sflag:s24] =	ssyncset.done $0x0  }
0xc: {  	s7 =	simm.s32 $0x80;
	s15 =	simm.s32 $0x400;
	[sflag:s24] =	ssyncadd.s32 $0xFFFFFE00  }
0xd: {  	[tilespmem:s15], [sflag:$0x1] =	stream.indirect.gather [hbm4b:s3+s7], $0x1, s2, s7, $0xb8;
	[tilespmem:$0x800] =	vst v63  }
0xe: {  	s8 =	simm.s32 $0x480  }
0xf: {  	[tilespmem:s8], [sflag:$0x2] =	stream.indirect.gather [hbm4b:s3+s7], $0x1, s7, s7, $0xb8;
	[tilespmem:$0x800] =	vst v63  }
0x10: {  	s25 =	simm.s32 $0x100;
	s12 =	simm.s32 $0x500  }
0x11: {  	[tilespmem:s12], [sflag:$0x3] =	stream.indirect.gather [hbm4b:s3+s7], $0x1, s25, s7, $0xb8;
	[tilespmem:$0x800] =	vst v63  }
0x12: {  	s26 =	simm.s32 $0x180;
	s14 =	simm.s32 $0x580;
	s28 =	simm.s32 $0xA  }
0x13: {  	[tilespmem:s14], [sflag:$0x4] =	stream.indirect.gather [hbm4b:s3+s7], $0x1, s26, s7, $0xb8;
	[tilespmem:$0x800] =	vst v63  }
0x14: {  	_ =	swait.ge [sflag:s28], $0x200  }
0x15: {  	[sflag:s28] =	ssyncset.done $0x0  }
0x16: {  	s13 =	simm.s32 $0x600;
	[sflag:s28] =	ssyncadd.s32 $0xFFFFFE00  }
0x17: {  	[tilespmem:s13], [sflag:$0x5] =	stream.indirect.gather [hbm4b:s3+s7], $0x1, s23, s7, $0xb8;
	[tilespmem:$0x800] =	vst v63  }
0x18: {  	s29 =	simm.s32 $0x280;
	s9 =	simm.s32 $0x680  }
0x19: {  	[tilespmem:s9], [sflag:$0x6] =	stream.indirect.gather [hbm4b:s3+s7], $0x1, s29, s7, $0xb8;
	[tilespmem:$0x800] =	vst v63  }
0x1a: {  	s30 =	simm.s32 $0x300;
	s31 =	simm.s32 $0x700  }
0x1b: {  	[tilespmem:s31], [sflag:$0x7] =	stream.indirect.gather [hbm4b:s3+s7], $0x1, s30, s7, $0xb8;
	[tilespmem:$0x800] =	vst v63  }
0x1c: {  	s16 =	simm.s32 $0x380;
	s17 =	simm.s32 $0x1;
	s4 =	simm.s32 $0x780  }
0x1d: {  	[tilespmem:s4], [sflag:$0x8] =	stream.indirect.gather [hbm4b:s3+s7], $0x1, s16, s7, $0xb8;
	[tilespmem:$0x800] =	vst v63  }
0x1e: {  	_ =	swait.ge [sflag:s17], $0x80  }
0x1f: {  	[sflag:s17] =	ssyncset.done $0x0  }
0x20: {  	[sflag:s17] =	ssyncadd.s32 $0xFFFFFF80  }
0x21: {  	v0 =	vld [tilespmem:$0x400];
	_ =	sdelay $0x4  }
0x22: {  	v0 =	vsub.f32 $0.0e+00, v0;
	_ =	sdelay $0x1  }
0x23: {  	v0 =	vmul.f32 $1.442695020e+00, v0;
	_ =	sdelay $0x1  }
0x24: {  	(erf) = vpow2.f32 v0;
	_ =	sdelay $0x3  }
0x25: {  	v38 =	vld [tilespmem:$0x410];
	_ =	sdelay $0x4  }
0x26: {  	v0 =	vsub.f32 $0.0e+00, v38;
	v1 =	vpop (erf)  }
0x27: {  	v1 =	vadd.f32 $1.000000000e+00, v1  }
0x28: {  	v0 =	vmul.f32 $1.442695020e+00, v0  }
0x29: {  	(erf) = vrcp.f32 v1  }
0x2a: {  	(erf) = vpow2.f32 v0;
	_ =	sdelay $0x3  }
0x2b: {  	v39 =	vld [tilespmem:$0x420];
	_ =	sdelay $0x3  }
0x2c: {  	v1 =	vpop (erf)  }
0x2d: {  	v0 =	vsub.f32 $0.0e+00, v39;
	v2 =	vpop (erf)  }
0x2e: {  	v2 =	vadd.f32 $1.000000000e+00, v2  }
0x2f: {  	v0 =	vmul.f32 $1.442695020e+00, v0  }
0x30: {  	(erf) = vrcp.f32 v2  }
0x31: {  	(erf) = vpow2.f32 v0;
	_ =	sdelay $0x3  }
0x32: {  	v40 =	vld [tilespmem:$0x430];
	_ =	sdelay $0x3  }
0x33: {  	v2 =	vpop (erf)  }
0x34: {  	v0 =	vsub.f32 $0.0e+00, v40;
	v3 =	vpop (erf)  }
0x35: {  	v3 =	vadd.f32 $1.000000000e+00, v3  }
0x36: {  	v0 =	vmul.f32 $1.442695020e+00, v0  }
0x37: {  	(erf) = vrcp.f32 v3  }
0x38: {  	(erf) = vpow2.f32 v0;
	_ =	sdelay $0x3  }
0x39: {  	v41 =	vld [tilespmem:$0x440];
	_ =	sdelay $0x3  }
0x3a: {  	v3 =	vpop (erf)  }
0x3b: {  	v0 =	vsub.f32 $0.0e+00, v41;
	v4 =	vpop (erf)  }
0x3c: {  	v4 =	vadd.f32 $1.000000000e+00, v4  }
0x3d: {  	v0 =	vmul.f32 $1.442695020e+00, v0  }
0x3e: {  	(erf) = vrcp.f32 v4  }
0x3f: {  	(erf) = vpow2.f32 v0;
	_ =	sdelay $0x3  }
0x40: {  	v42 =	vld [tilespmem:$0x450];
	_ =	sdelay $0x3  }
0x41: {  	v4 =	vpop (erf)  }
0x42: {  	v0 =	vsub.f32 $0.0e+00, v42;
	v5 =	vpop (erf)  }
0x43: {  	v5 =	vadd.f32 $1.000000000e+00, v5  }
0x44: {  	v0 =	vmul.f32 $1.442695020e+00, v0  }
0x45: {  	(erf) = vrcp.f32 v5  }
0x46: {  	(erf) = vpow2.f32 v0;
	_ =	sdelay $0x3  }
0x47: {  	v43 =	vld [tilespmem:$0x460];
	_ =	sdelay $0x3  }
0x48: {  	v5 =	vpop (erf)  }
0x49: {  	v0 =	vsub.f32 $0.0e+00, v43;
	v6 =	vpop (erf)  }
0x4a: {  	v6 =	vadd.f32 $1.000000000e+00, v6  }
0x4b: {  	v0 =	vmul.f32 $1.442695020e+00, v0  }
0x4c: {  	(erf) = vrcp.f32 v6  }
0x4d: {  	(erf) = vpow2.f32 v0;
	_ =	sdelay $0x3  }
0x4e: {  	v44 =	vld [tilespmem:$0x470];
	_ =	sdelay $0x3  }
0x4f: {  	v6 =	vpop (erf)  }
0x50: {  	v0 =	vsub.f32 $0.0e+00, v44;
	v7 =	vpop (erf)  }
0x51: {  	v7 =	vadd.f32 $1.000000000e+00, v7  }
0x52: {  	v0 =	vmul.f32 $1.442695020e+00, v0  }
0x53: {  	(erf) = vrcp.f32 v7  }
0x54: {  	(erf) = vpow2.f32 v0;
	_ =	sdelay $0x7  }
0x55: {  	v45 =	vpop (erf)  }
0x56: {  	v46 =	vpop (erf)  }
0x57: {  	v7 =	vadd.f32 $1.000000000e+00, v46;
	_ =	sdelay $0x1  }
0x58: {  	(erf) = vrcp.f32 v7;
	_ =	sdelay $0x2  }
0x59: {  	[tilespmem:$0x400] =	vst v1  }
0x5a: {  	[tilespmem:$0x410] =	vst v2  }
0x5b: {  	[tilespmem:$0x420] =	vst v3  }
0x5c: {  	[tilespmem:$0x430] =	vst v4  }
0x5d: {  	[tilespmem:$0x440] =	vst v5  }
0x5e: {  	[tilespmem:$0x450] =	vst v6  }
0x5f: {  	[tilespmem:$0x460] =	vst v45;
	v47 =	vpop (erf)  }
0x60: {  	s19 =	simm.s32 $0x2;
	s18 =	sadd.s32 s10, s5;
	[tilespmem:$0x470] =	vst v47  }
0x61: {  	[hbm4b:s18+s2] =	stream.linear.scatter [tilespmem:s15], [sflag:$0x1], $0x80, $0x38;
	[tilespmem:$0x800] =	vst v63  }
0x62: {  	_ =	swait.ge [sflag:s19], $0x80  }
0x63: {  	[sflag:s19] =	ssyncset.done $0x0  }
0x64: {  	[sflag:s19] =	ssyncadd.s32 $0xFFFFFF80  }
0x65: {  	v48 =	vld [tilespmem:$0x480];
	_ =	sdelay $0x4  }
0x66: {  	v0 =	vsub.f32 $0.0e+00, v48;
	_ =	sdelay $0x1  }
0x67: {  	v0 =	vmul.f32 $1.442695020e+00, v0;
	_ =	sdelay $0x1  }
0x68: {  	(erf) = vpow2.f32 v0;
	_ =	sdelay $0x3  }
0x69: {  	v49 =	vld [tilespmem:$0x490];
	_ =	sdelay $0x4  }
0x6a: {  	v0 =	vsub.f32 $0.0e+00, v49;
	v50 =	vpop (erf)  }
0x6b: {  	v1 =	vadd.f32 $1.000000000e+00, v50  }
0x6c: {  	v0 =	vmul.f32 $1.442695020e+00, v0  }
0x6d: {  	(erf) = vrcp.f32 v1  }
0x6e: {  	(erf) = vpow2.f32 v0;
	_ =	sdelay $0x3  }
0x6f: {  	v51 =	vld [tilespmem:$0x4A0];
	_ =	sdelay $0x3  }
0x70: {  	v1 =	vpop (erf)  }
0x71: {  	v0 =	vsub.f32 $0.0e+00, v51;
	v52 =	vpop (erf)  }
0x72: {  	v2 =	vadd.f32 $1.000000000e+00, v52  }
0x73: {  	v0 =	vmul.f32 $1.442695020e+00, v0  }
0x74: {  	(erf) = vrcp.f32 v2  }
0x75: {  	(erf) = vpow2.f32 v0;
	_ =	sdelay $0x3  }
0x76: {  	v53 =	vld [tilespmem:$0x4B0];
	_ =	sdelay $0x3  }
0x77: {  	v2 =	vpop (erf)  }
0x78: {  	v0 =	vsub.f32 $0.0e+00, v53;
	v54 =	vpop (erf)  }
0x79: {  	v3 =	vadd.f32 $1.000000000e+00, v54  }
0x7a: {  	v0 =	vmul.f32 $1.442695020e+00, v0  }
0x7b: {  	(erf) = vrcp.f32 v3  }
0x7c: {  	(erf) = vpow2.f32 v0;
	_ =	sdelay $0x3  }
0x7d: {  	v55 =	vld [tilespmem:$0x4C0];
	_ =	sdelay $0x3  }
0x7e: {  	v3 =	vpop (erf)  }
0x7f: {  	v0 =	vsub.f32 $0.0e+00, v55;
	v56 =	vpop (erf)  }
0x80: {  	v4 =	vadd.f32 $1.000000000e+00, v56  }
0x81: {  	v0 =	vmul.f32 $1.442695020e+00, v0  }
0x82: {  	(erf) = vrcp.f32 v4  }
0x83: {  	(erf) = vpow2.f32 v0;
	_ =	sdelay $0x3  }
0x84: {  	v57 =	vld [tilespmem:$0x4D0];
	_ =	sdelay $0x3  }
0x85: {  	v4 =	vpop (erf)  }
0x86: {  	v0 =	vsub.f32 $0.0e+00, v57;
	v58 =	vpop (erf)  }
0x87: {  	v5 =	vadd.f32 $1.000000000e+00, v58  }
0x88: {  	v0 =	vmul.f32 $1.442695020e+00, v0  }
0x89: {  	(erf) = vrcp.f32 v5  }
0x8a: {  	(erf) = vpow2.f32 v0;
	_ =	sdelay $0x3  }
0x8b: {  	v59 =	vld [tilespmem:$0x4E0];
	_ =	sdelay $0x3  }
0x8c: {  	v5 =	vpop (erf)  }
0x8d: {  	v0 =	vsub.f32 $0.0e+00, v59;
	v60 =	vpop (erf)  }
0x8e: {  	v6 =	vadd.f32 $1.000000000e+00, v60  }
0x8f: {  	v0 =	vmul.f32 $1.442695020e+00, v0  }
0x90: {  	(erf) = vrcp.f32 v6  }
0x91: {  	(erf) = vpow2.f32 v0;
	_ =	sdelay $0x3  }
0x92: {  	v61 =	vld [tilespmem:$0x4F0];
	_ =	sdelay $0x3  }
0x93: {  	v6 =	vpop (erf)  }
0x94: {  	v0 =	vsub.f32 $0.0e+00, v61;
	v62 =	vpop (erf)  }
0x95: {  	v7 =	vadd.f32 $1.000000000e+00, v62  }
0x96: {  	v0 =	vmul.f32 $1.442695020e+00, v0  }
0x97: {  	(erf) = vrcp.f32 v7  }
0x98: {  	(erf) = vpow2.f32 v0;
	_ =	sdelay $0x7  }
0x99: {  	v63 =	vpop (erf)  }
0x9a: {  	v9 =	vpop (erf)  }
0x9b: {  	v7 =	vadd.f32 $1.000000000e+00, v9;
	_ =	sdelay $0x1  }
0x9c: {  	(erf) = vrcp.f32 v7;
	_ =	sdelay $0x2  }
0x9d: {  	[tilespmem:$0x480] =	vst v1  }
0x9e: {  	[tilespmem:$0x490] =	vst v2  }
0x9f: {  	[tilespmem:$0x4A0] =	vst v3  }
0xa0: {  	[tilespmem:$0x4B0] =	vst v4  }
0xa1: {  	[tilespmem:$0x4C0] =	vst v5  }
0xa2: {  	[tilespmem:$0x4D0] =	vst v6  }
0xa3: {  	[tilespmem:$0x4E0] =	vst v63;
	v10 =	vpop (erf)  }
0xa4: {  	s21 =	simm.s32 $0x3;
	s20 =	sadd.s32 $0x10, s18;
	[tilespmem:$0x4F0] =	vst v10  }
0xa5: {  	[hbm4b:s20+s2] =	stream.linear.scatter [tilespmem:s8], [sflag:$0x2], $0x80, $0x38;
	[tilespmem:$0x800] =	vst v63  }
0xa6: {  	_ =	swait.ge [sflag:s21], $0x80  }
0xa7: {  	[sflag:s21] =	ssyncset.done $0x0  }
0xa8: {  	[sflag:s21] =	ssyncadd.s32 $0xFFFFFF80  }
0xa9: {  	v11 =	vld [tilespmem:$0x500];
	_ =	sdelay $0x4  }
0xaa: {  	v0 =	vsub.f32 $0.0e+00, v11;
	_ =	sdelay $0x1  }
0xab: {  	v0 =	vmul.f32 $1.442695020e+00, v0;
	_ =	sdelay $0x1  }
0xac: {  	(erf) = vpow2.f32 v0;
	_ =	sdelay $0x3  }
0xad: {  	v12 =	vld [tilespmem:$0x510];
	_ =	sdelay $0x4  }
0xae: {  	v0 =	vsub.f32 $0.0e+00, v12;
	v13 =	vpop (erf)  }
0xaf: {  	v1 =	vadd.f32 $1.000000000e+00, v13  }
0xb0: {  	v0 =	vmul.f32 $1.442695020e+00, v0  }
0xb1: {  	(erf) = vrcp.f32 v1  }
0xb2: {  	(erf) = vpow2.f32 v0;
	_ =	sdelay $0x3  }
0xb3: {  	v14 =	vld [tilespmem:$0x520];
	_ =	sdelay $0x3  }
0xb4: {  	v1 =	vpop (erf)  }
0xb5: {  	v0 =	vsub.f32 $0.0e+00, v14;
	v15 =	vpop (erf)  }
0xb6: {  	v2 =	vadd.f32 $1.000000000e+00, v15  }
0xb7: {  	v0 =	vmul.f32 $1.442695020e+00, v0  }
0xb8: {  	(erf) = vrcp.f32 v2  }
0xb9: {  	(erf) = vpow2.f32 v0;
	_ =	sdelay $0x3  }
0xba: {  	v16 =	vld [tilespmem:$0x530];
	_ =	sdelay $0x3  }
0xbb: {  	v2 =	vpop (erf)  }
0xbc: {  	v0 =	vsub.f32 $0.0e+00, v16;
	v17 =	vpop (erf)  }
0xbd: {  	v3 =	vadd.f32 $1.000000000e+00, v17  }
0xbe: {  	v0 =	vmul.f32 $1.442695020e+00, v0  }
0xbf: {  	(erf) = vrcp.f32 v3  }
0xc0: {  	(erf) = vpow2.f32 v0;
	_ =	sdelay $0x3  }
0xc1: {  	v18 =	vld [tilespmem:$0x540];
	_ =	sdelay $0x3  }
0xc2: {  	v3 =	vpop (erf)  }
0xc3: {  	v0 =	vsub.f32 $0.0e+00, v18;
	v19 =	vpop (erf)  }
0xc4: {  	v4 =	vadd.f32 $1.000000000e+00, v19  }
0xc5: {  	v0 =	vmul.f32 $1.442695020e+00, v0  }
0xc6: {  	(erf) = vrcp.f32 v4  }
0xc7: {  	(erf) = vpow2.f32 v0;
	_ =	sdelay $0x3  }
0xc8: {  	v20 =	vld [tilespmem:$0x550];
	_ =	sdelay $0x3  }
0xc9: {  	v4 =	vpop (erf)  }
0xca: {  	v0 =	vsub.f32 $0.0e+00, v20;
	v21 =	vpop (erf)  }
0xcb: {  	v5 =	vadd.f32 $1.000000000e+00, v21  }
0xcc: {  	v0 =	vmul.f32 $1.442695020e+00, v0  }
0xcd: {  	(erf) = vrcp.f32 v5  }
0xce: {  	(erf) = vpow2.f32 v0;
	_ =	sdelay $0x3  }
0xcf: {  	v22 =	vld [tilespmem:$0x560];
	_ =	sdelay $0x3  }
0xd0: {  	v5 =	vpop (erf)  }
0xd1: {  	v0 =	vsub.f32 $0.0e+00, v22;
	v23 =	vpop (erf)  }
0xd2: {  	v6 =	vadd.f32 $1.000000000e+00, v23  }
0xd3: {  	v0 =	vmul.f32 $1.442695020e+00, v0  }
0xd4: {  	(erf) = vrcp.f32 v6  }
0xd5: {  	(erf) = vpow2.f32 v0;
	_ =	sdelay $0x3  }
0xd6: {  	v24 =	vld [tilespmem:$0x570];
	_ =	sdelay $0x3  }
0xd7: {  	v6 =	vpop (erf)  }
0xd8: {  	v0 =	vsub.f32 $0.0e+00, v24;
	v25 =	vpop (erf)  }
0xd9: {  	v7 =	vadd.f32 $1.000000000e+00, v25  }
0xda: {  	v0 =	vmul.f32 $1.442695020e+00, v0  }
0xdb: {  	(erf) = vrcp.f32 v7  }
0xdc: {  	(erf) = vpow2.f32 v0;
	_ =	sdelay $0x7  }
0xdd: {  	v26 =	vpop (erf)  }
0xde: {  	v27 =	vpop (erf)  }
0xdf: {  	v7 =	vadd.f32 $1.000000000e+00, v27;
	_ =	sdelay $0x1  }
0xe0: {  	(erf) = vrcp.f32 v7;
	_ =	sdelay $0x2  }
0xe1: {  	[tilespmem:$0x500] =	vst v1  }
0xe2: {  	[tilespmem:$0x510] =	vst v2  }
0xe3: {  	[tilespmem:$0x520] =	vst v3  }
0xe4: {  	[tilespmem:$0x530] =	vst v4  }
0xe5: {  	[tilespmem:$0x540] =	vst v5  }
0xe6: {  	[tilespmem:$0x550] =	vst v6  }
0xe7: {  	[tilespmem:$0x560] =	vst v26;
	v28 =	vpop (erf)  }
0xe8: {  	s22 =	sadd.s32 $0x20, s18;
	s23 =	simm.s32 $0x4;
	[tilespmem:$0x570] =	vst v28  }
0xe9: {  	[hbm4b:s22+s2] =	stream.linear.scatter [tilespmem:s12], [sflag:$0x3], $0x80, $0x38;
	[tilespmem:$0x800] =	vst v63  }
0xea: {  	_ =	swait.ge [sflag:s23], $0x80  }
0xeb: {  	[sflag:s23] =	ssyncset.done $0x0  }
0xec: {  	[sflag:s23] =	ssyncadd.s32 $0xFFFFFF80  }
0xed: {  	v29 =	vld [tilespmem:$0x580];
	_ =	sdelay $0x4  }
0xee: {  	v0 =	vsub.f32 $0.0e+00, v29;
	_ =	sdelay $0x1  }
0xef: {  	v0 =	vmul.f32 $1.442695020e+00, v0;
	_ =	sdelay $0x1  }
0xf0: {  	(erf) = vpow2.f32 v0;
	_ =	sdelay $0x3  }
0xf1: {  	v30 =	vld [tilespmem:$0x590];
	_ =	sdelay $0x4  }
0xf2: {  	v0 =	vsub.f32 $0.0e+00, v30;
	v31 =	vpop (erf)  }
0xf3: {  	v1 =	vadd.f32 $1.000000000e+00, v31  }
0xf4: {  	v0 =	vmul.f32 $1.442695020e+00, v0  }
0xf5: {  	(erf) = vrcp.f32 v1  }
0xf6: {  	(erf) = vpow2.f32 v0;
	_ =	sdelay $0x3  }
0xf7: {  	v32 =	vld [tilespmem:$0x5A0];
	_ =	sdelay $0x3  }
0xf8: {  	v1 =	vpop (erf)  }
0xf9: {  	v0 =	vsub.f32 $0.0e+00, v32;
	v33 =	vpop (erf)  }
0xfa: {  	v2 =	vadd.f32 $1.000000000e+00, v33  }
0xfb: {  	v0 =	vmul.f32 $1.442695020e+00, v0  }
0xfc: {  	(erf) = vrcp.f32 v2  }
0xfd: {  	(erf) = vpow2.f32 v0;
	_ =	sdelay $0x3  }
0xfe: {  	v34 =	vld [tilespmem:$0x5B0];
	_ =	sdelay $0x3  }
0xff: {  	v2 =	vpop (erf)  }
0x100: {  	v0 =	vsub.f32 $0.0e+00, v34;
	v35 =	vpop (erf)  }
0x101: {  	v3 =	vadd.f32 $1.000000000e+00, v35  }
0x102: {  	v0 =	vmul.f32 $1.442695020e+00, v0  }
0x103: {  	(erf) = vrcp.f32 v3  }
0x104: {  	(erf) = vpow2.f32 v0;
	_ =	sdelay $0x3  }
0x105: {  	v36 =	vld [tilespmem:$0x5C0];
	_ =	sdelay $0x3  }
0x106: {  	v3 =	vpop (erf)  }
0x107: {  	v0 =	vsub.f32 $0.0e+00, v36;
	v37 =	vpop (erf)  }
0x108: {  	v4 =	vadd.f32 $1.000000000e+00, v37  }
0x109: {  	v0 =	vmul.f32 $1.442695020e+00, v0  }
0x10a: {  	(erf) = vrcp.f32 v4  }
0x10b: {  	(erf) = vpow2.f32 v0;
	_ =	sdelay $0x3  }
0x10c: {  	v38 =	vld [tilespmem:$0x5D0];
	_ =	sdelay $0x3  }
0x10d: {  	v4 =	vpop (erf)  }
0x10e: {  	v0 =	vsub.f32 $0.0e+00, v38;
	v39 =	vpop (erf)  }
0x10f: {  	v5 =	vadd.f32 $1.000000000e+00, v39  }
0x110: {  	v0 =	vmul.f32 $1.442695020e+00, v0  }
0x111: {  	(erf) = vrcp.f32 v5  }
0x112: {  	(erf) = vpow2.f32 v0;
	_ =	sdelay $0x3  }
0x113: {  	v40 =	vld [tilespmem:$0x5E0];
	_ =	sdelay $0x3  }
0x114: {  	v5 =	vpop (erf)  }
0x115: {  	v0 =	vsub.f32 $0.0e+00, v40;
	v41 =	vpop (erf)  }
0x116: {  	v6 =	vadd.f32 $1.000000000e+00, v41  }
0x117: {  	v0 =	vmul.f32 $1.442695020e+00, v0  }
0x118: {  	(erf) = vrcp.f32 v6  }
0x119: {  	(erf) = vpow2.f32 v0;
	_ =	sdelay $0x3  }
0x11a: {  	v42 =	vld [tilespmem:$0x5F0];
	_ =	sdelay $0x3  }
0x11b: {  	v6 =	vpop (erf)  }
0x11c: {  	v0 =	vsub.f32 $0.0e+00, v42;
	v43 =	vpop (erf)  }
0x11d: {  	v7 =	vadd.f32 $1.000000000e+00, v43  }
0x11e: {  	v0 =	vmul.f32 $1.442695020e+00, v0  }
0x11f: {  	(erf) = vrcp.f32 v7  }
0x120: {  	(erf) = vpow2.f32 v0;
	_ =	sdelay $0x7  }
0x121: {  	v44 =	vpop (erf)  }
0x122: {  	v45 =	vpop (erf)  }
0x123: {  	v7 =	vadd.f32 $1.000000000e+00, v45;
	_ =	sdelay $0x1  }
0x124: {  	(erf) = vrcp.f32 v7;
	_ =	sdelay $0x2  }
0x125: {  	[tilespmem:$0x580] =	vst v1  }
0x126: {  	[tilespmem:$0x590] =	vst v2  }
0x127: {  	[tilespmem:$0x5A0] =	vst v3  }
0x128: {  	[tilespmem:$0x5B0] =	vst v4  }
0x129: {  	[tilespmem:$0x5C0] =	vst v5  }
0x12a: {  	[tilespmem:$0x5D0] =	vst v6  }
0x12b: {  	[tilespmem:$0x5E0] =	vst v44;
	v46 =	vpop (erf)  }
0x12c: {  	s24 =	sadd.s32 $0x30, s18;
	s25 =	simm.s32 $0x5;
	[tilespmem:$0x5F0] =	vst v46  }
0x12d: {  	[hbm4b:s24+s2] =	stream.linear.scatter [tilespmem:s14], [sflag:$0x4], $0x80, $0x38;
	[tilespmem:$0x800] =	vst v63  }
0x12e: {  	_ =	swait.ge [sflag:s25], $0x80  }
0x12f: {  	[sflag:s25] =	ssyncset.done $0x0  }
0x130: {  	[sflag:s25] =	ssyncadd.s32 $0xFFFFFF80  }
0x131: {  	v47 =	vld [tilespmem:$0x600];
	_ =	sdelay $0x4  }
0x132: {  	v0 =	vsub.f32 $0.0e+00, v47;
	_ =	sdelay $0x1  }
0x133: {  	v0 =	vmul.f32 $1.442695020e+00, v0;
	_ =	sdelay $0x1  }
0x134: {  	(erf) = vpow2.f32 v0;
	_ =	sdelay $0x3  }
0x135: {  	v48 =	vld [tilespmem:$0x610];
	_ =	sdelay $0x4  }
0x136: {  	v0 =	vsub.f32 $0.0e+00, v48;
	v49 =	vpop (erf)  }
0x137: {  	v1 =	vadd.f32 $1.000000000e+00, v49  }
0x138: {  	v0 =	vmul.f32 $1.442695020e+00, v0  }
0x139: {  	(erf) = vrcp.f32 v1  }
0x13a: {  	(erf) = vpow2.f32 v0;
	_ =	sdelay $0x3  }
0x13b: {  	v50 =	vld [tilespmem:$0x620];
	_ =	sdelay $0x3  }
0x13c: {  	v1 =	vpop (erf)  }
0x13d: {  	v0 =	vsub.f32 $0.0e+00, v50;
	v51 =	vpop (erf)  }
0x13e: {  	v2 =	vadd.f32 $1.000000000e+00, v51  }
0x13f: {  	v0 =	vmul.f32 $1.442695020e+00, v0  }
0x140: {  	(erf) = vrcp.f32 v2  }
0x141: {  	(erf) = vpow2.f32 v0;
	_ =	sdelay $0x3  }
0x142: {  	v52 =	vld [tilespmem:$0x630];
	_ =	sdelay $0x3  }
0x143: {  	v2 =	vpop (erf)  }
0x144: {  	v0 =	vsub.f32 $0.0e+00, v52;
	v53 =	vpop (erf)  }
0x145: {  	v3 =	vadd.f32 $1.000000000e+00, v53  }
0x146: {  	v0 =	vmul.f32 $1.442695020e+00, v0  }
0x147: {  	(erf) = vrcp.f32 v3  }
0x148: {  	(erf) = vpow2.f32 v0;
	_ =	sdelay $0x3  }
0x149: {  	v54 =	vld [tilespmem:$0x640];
	_ =	sdelay $0x3  }
0x14a: {  	v3 =	vpop (erf)  }
0x14b: {  	v0 =	vsub.f32 $0.0e+00, v54;
	v55 =	vpop (erf)  }
0x14c: {  	v4 =	vadd.f32 $1.000000000e+00, v55  }
0x14d: {  	v0 =	vmul.f32 $1.442695020e+00, v0  }
0x14e: {  	(erf) = vrcp.f32 v4  }
0x14f: {  	(erf) = vpow2.f32 v0;
	_ =	sdelay $0x3  }
0x150: {  	v56 =	vld [tilespmem:$0x650];
	_ =	sdelay $0x3  }
0x151: {  	v4 =	vpop (erf)  }
0x152: {  	v0 =	vsub.f32 $0.0e+00, v56;
	v57 =	vpop (erf)  }
0x153: {  	v5 =	vadd.f32 $1.000000000e+00, v57  }
0x154: {  	v0 =	vmul.f32 $1.442695020e+00, v0  }
0x155: {  	(erf) = vrcp.f32 v5  }
0x156: {  	(erf) = vpow2.f32 v0;
	_ =	sdelay $0x3  }
0x157: {  	v58 =	vld [tilespmem:$0x660];
	_ =	sdelay $0x3  }
0x158: {  	v5 =	vpop (erf)  }
0x159: {  	v0 =	vsub.f32 $0.0e+00, v58;
	v59 =	vpop (erf)  }
0x15a: {  	v6 =	vadd.f32 $1.000000000e+00, v59  }
0x15b: {  	v0 =	vmul.f32 $1.442695020e+00, v0  }
0x15c: {  	(erf) = vrcp.f32 v6  }
0x15d: {  	(erf) = vpow2.f32 v0;
	_ =	sdelay $0x3  }
0x15e: {  	v60 =	vld [tilespmem:$0x670];
	_ =	sdelay $0x3  }
0x15f: {  	v6 =	vpop (erf)  }
0x160: {  	v0 =	vsub.f32 $0.0e+00, v60;
	v61 =	vpop (erf)  }
0x161: {  	v7 =	vadd.f32 $1.000000000e+00, v61  }
0x162: {  	v0 =	vmul.f32 $1.442695020e+00, v0  }
0x163: {  	(erf) = vrcp.f32 v7  }
0x164: {  	(erf) = vpow2.f32 v0;
	_ =	sdelay $0x7  }
0x165: {  	v62 =	vpop (erf)  }
0x166: {  	v63 =	vpop (erf)  }
0x167: {  	v7 =	vadd.f32 $1.000000000e+00, v63;
	_ =	sdelay $0x1  }
0x168: {  	(erf) = vrcp.f32 v7;
	_ =	sdelay $0x2  }
0x169: {  	[tilespmem:$0x600] =	vst v1  }
0x16a: {  	[tilespmem:$0x610] =	vst v2  }
0x16b: {  	[tilespmem:$0x620] =	vst v3  }
0x16c: {  	[tilespmem:$0x630] =	vst v4  }
0x16d: {  	[tilespmem:$0x640] =	vst v5  }
0x16e: {  	[tilespmem:$0x650] =	vst v6  }
0x16f: {  	[tilespmem:$0x660] =	vst v62;
	v9 =	vpop (erf)  }
0x170: {  	s10 =	sadd.s32 s10, s11;
	s26 =	simm.s32 $0x6;
	[tilespmem:$0x670] =	vst v9  }
0x171: {  	[hbm4b:s10+s2] =	stream.linear.scatter [tilespmem:s13], [sflag:$0x5], $0x80, $0x38;
	[tilespmem:$0x800] =	vst v63  }
0x172: {  	_ =	swait.ge [sflag:s26], $0x80  }
0x173: {  	[sflag:s26] =	ssyncset.done $0x0  }
0x174: {  	[sflag:s26] =	ssyncadd.s32 $0xFFFFFF80  }
0x175: {  	v10 =	vld [tilespmem:$0x680];
	_ =	sdelay $0x4  }
0x176: {  	v0 =	vsub.f32 $0.0e+00, v10;
	_ =	sdelay $0x1  }
0x177: {  	v0 =	vmul.f32 $1.442695020e+00, v0;
	_ =	sdelay $0x1  }
0x178: {  	(erf) = vpow2.f32 v0;
	_ =	sdelay $0x3  }
0x179: {  	v11 =	vld [tilespmem:$0x690];
	_ =	sdelay $0x4  }
0x17a: {  	v0 =	vsub.f32 $0.0e+00, v11;
	v12 =	vpop (erf)  }
0x17b: {  	v1 =	vadd.f32 $1.000000000e+00, v12  }
0x17c: {  	v0 =	vmul.f32 $1.442695020e+00, v0  }
0x17d: {  	(erf) = vrcp.f32 v1  }
0x17e: {  	(erf) = vpow2.f32 v0;
	_ =	sdelay $0x3  }
0x17f: {  	v13 =	vld [tilespmem:$0x6A0];
	_ =	sdelay $0x3  }
0x180: {  	v1 =	vpop (erf)  }
0x181: {  	v0 =	vsub.f32 $0.0e+00, v13;
	v14 =	vpop (erf)  }
0x182: {  	v2 =	vadd.f32 $1.000000000e+00, v14  }
0x183: {  	v0 =	vmul.f32 $1.442695020e+00, v0  }
0x184: {  	(erf) = vrcp.f32 v2  }
0x185: {  	(erf) = vpow2.f32 v0;
	_ =	sdelay $0x3  }
0x186: {  	v15 =	vld [tilespmem:$0x6B0];
	_ =	sdelay $0x3  }
0x187: {  	v2 =	vpop (erf)  }
0x188: {  	v0 =	vsub.f32 $0.0e+00, v15;
	v16 =	vpop (erf)  }
0x189: {  	v3 =	vadd.f32 $1.000000000e+00, v16  }
0x18a: {  	v0 =	vmul.f32 $1.442695020e+00, v0  }
0x18b: {  	(erf) = vrcp.f32 v3  }
0x18c: {  	(erf) = vpow2.f32 v0;
	_ =	sdelay $0x3  }
0x18d: {  	v17 =	vld [tilespmem:$0x6C0];
	_ =	sdelay $0x3  }
0x18e: {  	v3 =	vpop (erf)  }
0x18f: {  	v0 =	vsub.f32 $0.0e+00, v17;
	v18 =	vpop (erf)  }
0x190: {  	v4 =	vadd.f32 $1.000000000e+00, v18  }
0x191: {  	v0 =	vmul.f32 $1.442695020e+00, v0  }
0x192: {  	(erf) = vrcp.f32 v4  }
0x193: {  	(erf) = vpow2.f32 v0;
	_ =	sdelay $0x3  }
0x194: {  	v19 =	vld [tilespmem:$0x6D0];
	_ =	sdelay $0x3  }
0x195: {  	v4 =	vpop (erf)  }
0x196: {  	v0 =	vsub.f32 $0.0e+00, v19;
	v20 =	vpop (erf)  }
0x197: {  	v5 =	vadd.f32 $1.000000000e+00, v20  }
0x198: {  	v0 =	vmul.f32 $1.442695020e+00, v0  }
0x199: {  	(erf) = vrcp.f32 v5  }
0x19a: {  	(erf) = vpow2.f32 v0;
	_ =	sdelay $0x3  }
0x19b: {  	v21 =	vld [tilespmem:$0x6E0];
	_ =	sdelay $0x3  }
0x19c: {  	v5 =	vpop (erf)  }
0x19d: {  	v0 =	vsub.f32 $0.0e+00, v21;
	v22 =	vpop (erf)  }
0x19e: {  	v6 =	vadd.f32 $1.000000000e+00, v22  }
0x19f: {  	v0 =	vmul.f32 $1.442695020e+00, v0  }
0x1a0: {  	(erf) = vrcp.f32 v6  }
0x1a1: {  	(erf) = vpow2.f32 v0;
	_ =	sdelay $0x3  }
0x1a2: {  	v23 =	vld [tilespmem:$0x6F0];
	_ =	sdelay $0x3  }
0x1a3: {  	v6 =	vpop (erf)  }
0x1a4: {  	v0 =	vsub.f32 $0.0e+00, v23;
	v24 =	vpop (erf)  }
0x1a5: {  	v7 =	vadd.f32 $1.000000000e+00, v24  }
0x1a6: {  	v0 =	vmul.f32 $1.442695020e+00, v0  }
0x1a7: {  	(erf) = vrcp.f32 v7  }
0x1a8: {  	(erf) = vpow2.f32 v0;
	_ =	sdelay $0x7  }
0x1a9: {  	v25 =	vpop (erf)  }
0x1aa: {  	v26 =	vpop (erf)  }
0x1ab: {  	v7 =	vadd.f32 $1.000000000e+00, v26;
	_ =	sdelay $0x1  }
0x1ac: {  	(erf) = vrcp.f32 v7;
	_ =	sdelay $0x2  }
0x1ad: {  	[tilespmem:$0x680] =	vst v1  }
0x1ae: {  	[tilespmem:$0x690] =	vst v2  }
0x1af: {  	[tilespmem:$0x6A0] =	vst v3  }
0x1b0: {  	[tilespmem:$0x6B0] =	vst v4  }
0x1b1: {  	[tilespmem:$0x6C0] =	vst v5  }
0x1b2: {  	[tilespmem:$0x6D0] =	vst v6  }
0x1b3: {  	[tilespmem:$0x6E0] =	vst v25;
	v27 =	vpop (erf)  }
0x1b4: {  	s28 =	sadd.s32 $0x50, s18;
	s29 =	simm.s32 $0x7;
	[tilespmem:$0x6F0] =	vst v27  }
0x1b5: {  	[hbm4b:s28+s2] =	stream.linear.scatter [tilespmem:s9], [sflag:$0x6], $0x80, $0x38;
	[tilespmem:$0x800] =	vst v63  }
0x1b6: {  	_ =	swait.ge [sflag:s29], $0x80  }
0x1b7: {  	[sflag:s29] =	ssyncset.done $0x0  }
0x1b8: {  	[sflag:s29] =	ssyncadd.s32 $0xFFFFFF80  }
0x1b9: {  	v28 =	vld [tilespmem:$0x700];
	_ =	sdelay $0x4  }
0x1ba: {  	v0 =	vsub.f32 $0.0e+00, v28;
	_ =	sdelay $0x1  }
0x1bb: {  	v0 =	vmul.f32 $1.442695020e+00, v0;
	_ =	sdelay $0x1  }
0x1bc: {  	(erf) = vpow2.f32 v0;
	_ =	sdelay $0x3  }
0x1bd: {  	v29 =	vld [tilespmem:$0x710];
	_ =	sdelay $0x4  }
0x1be: {  	v0 =	vsub.f32 $0.0e+00, v29;
	v30 =	vpop (erf)  }
0x1bf: {  	v1 =	vadd.f32 $1.000000000e+00, v30  }
0x1c0: {  	v0 =	vmul.f32 $1.442695020e+00, v0  }
0x1c1: {  	(erf) = vrcp.f32 v1  }
0x1c2: {  	(erf) = vpow2.f32 v0;
	_ =	sdelay $0x3  }
0x1c3: {  	v31 =	vld [tilespmem:$0x720];
	_ =	sdelay $0x3  }
0x1c4: {  	v1 =	vpop (erf)  }
0x1c5: {  	v0 =	vsub.f32 $0.0e+00, v31;
	v32 =	vpop (erf)  }
0x1c6: {  	v2 =	vadd.f32 $1.000000000e+00, v32  }
0x1c7: {  	v0 =	vmul.f32 $1.442695020e+00, v0  }
0x1c8: {  	(erf) = vrcp.f32 v2  }
0x1c9: {  	(erf) = vpow2.f32 v0;
	_ =	sdelay $0x3  }
0x1ca: {  	v33 =	vld [tilespmem:$0x730];
	_ =	sdelay $0x3  }
0x1cb: {  	v2 =	vpop (erf)  }
0x1cc: {  	v0 =	vsub.f32 $0.0e+00, v33;
	v34 =	vpop (erf)  }
0x1cd: {  	v3 =	vadd.f32 $1.000000000e+00, v34  }
0x1ce: {  	v0 =	vmul.f32 $1.442695020e+00, v0  }
0x1cf: {  	(erf) = vrcp.f32 v3  }
0x1d0: {  	(erf) = vpow2.f32 v0;
	_ =	sdelay $0x3  }
0x1d1: {  	v35 =	vld [tilespmem:$0x740];
	_ =	sdelay $0x3  }
0x1d2: {  	v3 =	vpop (erf)  }
0x1d3: {  	v0 =	vsub.f32 $0.0e+00, v35;
	v36 =	vpop (erf)  }
0x1d4: {  	v4 =	vadd.f32 $1.000000000e+00, v36  }
0x1d5: {  	v0 =	vmul.f32 $1.442695020e+00, v0  }
0x1d6: {  	(erf) = vrcp.f32 v4  }
0x1d7: {  	(erf) = vpow2.f32 v0;
	_ =	sdelay $0x3  }
0x1d8: {  	v37 =	vld [tilespmem:$0x750];
	_ =	sdelay $0x3  }
0x1d9: {  	v4 =	vpop (erf)  }
0x1da: {  	v0 =	vsub.f32 $0.0e+00, v37;
	v38 =	vpop (erf)  }
0x1db: {  	v5 =	vadd.f32 $1.000000000e+00, v38  }
0x1dc: {  	v0 =	vmul.f32 $1.442695020e+00, v0  }
0x1dd: {  	(erf) = vrcp.f32 v5  }
0x1de: {  	(erf) = vpow2.f32 v0;
	_ =	sdelay $0x3  }
0x1df: {  	v39 =	vld [tilespmem:$0x760];
	_ =	sdelay $0x3  }
0x1e0: {  	v5 =	vpop (erf)  }
0x1e1: {  	v0 =	vsub.f32 $0.0e+00, v39;
	v40 =	vpop (erf)  }
0x1e2: {  	v6 =	vadd.f32 $1.000000000e+00, v40  }
0x1e3: {  	v0 =	vmul.f32 $1.442695020e+00, v0  }
0x1e4: {  	(erf) = vrcp.f32 v6  }
0x1e5: {  	(erf) = vpow2.f32 v0;
	_ =	sdelay $0x3  }
0x1e6: {  	v41 =	vld [tilespmem:$0x770];
	_ =	sdelay $0x3  }
0x1e7: {  	v6 =	vpop (erf)  }
0x1e8: {  	v0 =	vsub.f32 $0.0e+00, v41;
	v42 =	vpop (erf)  }
0x1e9: {  	v7 =	vadd.f32 $1.000000000e+00, v42  }
0x1ea: {  	v0 =	vmul.f32 $1.442695020e+00, v0  }
0x1eb: {  	(erf) = vrcp.f32 v7  }
0x1ec: {  	(erf) = vpow2.f32 v0;
	_ =	sdelay $0x7  }
0x1ed: {  	v43 =	vpop (erf)  }
0x1ee: {  	v44 =	vpop (erf)  }
0x1ef: {  	v7 =	vadd.f32 $1.000000000e+00, v44;
	_ =	sdelay $0x1  }
0x1f0: {  	(erf) = vrcp.f32 v7;
	_ =	sdelay $0x2  }
0x1f1: {  	[tilespmem:$0x700] =	vst v1  }
0x1f2: {  	[tilespmem:$0x710] =	vst v2  }
0x1f3: {  	[tilespmem:$0x720] =	vst v3  }
0x1f4: {  	[tilespmem:$0x730] =	vst v4  }
0x1f5: {  	[tilespmem:$0x740] =	vst v5  }
0x1f6: {  	[tilespmem:$0x750] =	vst v6  }
0x1f7: {  	[tilespmem:$0x760] =	vst v43;
	v45 =	vpop (erf)  }
0x1f8: {  	s30 =	sadd.s32 $0x60, s18;
	[tilespmem:$0x770] =	vst v45  }
0x1f9: {  	[hbm4b:s30+s2] =	stream.linear.scatter [tilespmem:s31], [sflag:$0x7], $0x80, $0x38;
	[tilespmem:$0x800] =	vst v63  }
0x1fa: {  	s31 =	simm.s32 $0x8  }
0x1fb: {  	_ =	swait.ge [sflag:s31], $0x80  }
0x1fc: {  	[sflag:s31] =	ssyncset.done $0x0  }
0x1fd: {  	[sflag:s31] =	ssyncadd.s32 $0xFFFFFF80  }
0x1fe: {  	v46 =	vld [tilespmem:$0x780];
	_ =	sdelay $0x4  }
0x1ff: {  	v0 =	vsub.f32 $0.0e+00, v46;
	_ =	sdelay $0x1  }
0x200: {  	v0 =	vmul.f32 $1.442695020e+00, v0;
	_ =	sdelay $0x1  }
0x201: {  	(erf) = vpow2.f32 v0;
	_ =	sdelay $0x3  }
0x202: {  	v47 =	vld [tilespmem:$0x790];
	_ =	sdelay $0x4  }
0x203: {  	v0 =	vsub.f32 $0.0e+00, v47;
	v48 =	vpop (erf)  }
0x204: {  	v1 =	vadd.f32 $1.000000000e+00, v48  }
0x205: {  	v0 =	vmul.f32 $1.442695020e+00, v0  }
0x206: {  	(erf) = vrcp.f32 v1  }
0x207: {  	(erf) = vpow2.f32 v0;
	_ =	sdelay $0x3  }
0x208: {  	v49 =	vld [tilespmem:$0x7A0];
	_ =	sdelay $0x3  }
0x209: {  	v1 =	vpop (erf)  }
0x20a: {  	v0 =	vsub.f32 $0.0e+00, v49;
	v50 =	vpop (erf)  }
0x20b: {  	v2 =	vadd.f32 $1.000000000e+00, v50  }
0x20c: {  	v0 =	vmul.f32 $1.442695020e+00, v0  }
0x20d: {  	(erf) = vrcp.f32 v2  }
0x20e: {  	(erf) = vpow2.f32 v0;
	_ =	sdelay $0x3  }
0x20f: {  	v51 =	vld [tilespmem:$0x7B0];
	_ =	sdelay $0x3  }
0x210: {  	v2 =	vpop (erf)  }
0x211: {  	v0 =	vsub.f32 $0.0e+00, v51;
	v52 =	vpop (erf)  }
0x212: {  	v3 =	vadd.f32 $1.000000000e+00, v52  }
0x213: {  	v0 =	vmul.f32 $1.442695020e+00, v0  }
0x214: {  	(erf) = vrcp.f32 v3  }
0x215: {  	(erf) = vpow2.f32 v0;
	_ =	sdelay $0x3  }
0x216: {  	v53 =	vld [tilespmem:$0x7C0];
	_ =	sdelay $0x3  }
0x217: {  	v3 =	vpop (erf)  }
0x218: {  	v0 =	vsub.f32 $0.0e+00, v53;
	v54 =	vpop (erf)  }
0x219: {  	v4 =	vadd.f32 $1.000000000e+00, v54  }
0x21a: {  	v0 =	vmul.f32 $1.442695020e+00, v0  }
0x21b: {  	(erf) = vrcp.f32 v4  }
0x21c: {  	(erf) = vpow2.f32 v0;
	_ =	sdelay $0x3  }
0x21d: {  	v55 =	vld [tilespmem:$0x7D0];
	_ =	sdelay $0x3  }
0x21e: {  	v4 =	vpop (erf)  }
0x21f: {  	v0 =	vsub.f32 $0.0e+00, v55;
	v56 =	vpop (erf)  }
0x220: {  	v5 =	vadd.f32 $1.000000000e+00, v56  }
0x221: {  	v0 =	vmul.f32 $1.442695020e+00, v0  }
0x222: {  	(erf) = vrcp.f32 v5  }
0x223: {  	(erf) = vpow2.f32 v0;
	_ =	sdelay $0x3  }
0x224: {  	v57 =	vld [tilespmem:$0x7E0];
	_ =	sdelay $0x3  }
0x225: {  	v5 =	vpop (erf)  }
0x226: {  	v0 =	vsub.f32 $0.0e+00, v57;
	v58 =	vpop (erf)  }
0x227: {  	v6 =	vadd.f32 $1.000000000e+00, v58  }
0x228: {  	v0 =	vmul.f32 $1.442695020e+00, v0  }
0x229: {  	(erf) = vrcp.f32 v6  }
0x22a: {  	(erf) = vpow2.f32 v0;
	_ =	sdelay $0x3  }
0x22b: {  	v59 =	vld [tilespmem:$0x7F0];
	_ =	sdelay $0x3  }
0x22c: {  	v6 =	vpop (erf)  }
0x22d: {  	v0 =	vsub.f32 $0.0e+00, v59;
	v60 =	vpop (erf)  }
0x22e: {  	v7 =	vadd.f32 $1.000000000e+00, v60  }
0x22f: {  	v0 =	vmul.f32 $1.442695020e+00, v0  }
0x230: {  	(erf) = vrcp.f32 v7  }
0x231: {  	(erf) = vpow2.f32 v0;
	_ =	sdelay $0x7  }
0x232: {  	v61 =	vpop (erf)  }
0x233: {  	v62 =	vpop (erf)  }
0x234: {  	v7 =	vadd.f32 $1.000000000e+00, v62;
	_ =	sdelay $0x1  }
0x235: {  	(erf) = vrcp.f32 v7;
	_ =	sdelay $0x2  }
0x236: {  	[tilespmem:$0x780] =	vst v1  }
0x237: {  	[tilespmem:$0x790] =	vst v2  }
0x238: {  	[tilespmem:$0x7A0] =	vst v3  }
0x239: {  	[tilespmem:$0x7B0] =	vst v4  }
0x23a: {  	[tilespmem:$0x7C0] =	vst v5  }
0x23b: {  	[tilespmem:$0x7D0] =	vst v6  }
0x23c: {  	[tilespmem:$0x7E0] =	vst v61;
	v63 =	vpop (erf)  }
0x23d: {  	s7 =	sadd.s32 $0x70, s18;
	[tilespmem:$0x7F0] =	vst v63  }
0x23e: {  	[hbm4b:s7+s2] =	stream.linear.scatter [tilespmem:s4], [sflag:$0x8], $0x80, $0x38;
	[tilespmem:$0x800] =	vst v63  }
0x23f: {  	_ =	swait.ge [sflag:s17], $0x80  }
0x240: {  	[sflag:s17] =	ssyncset.done $0x0  }
0x241: {  	[sflag:s17] =	ssyncadd.s32 $0xFFFFFF80  }
0x242: {  	_ =	swait.ge [sflag:s19], $0x80  }
0x243: {  	[sflag:s19] =	ssyncset.done $0x0  }
0x244: {  	[sflag:s19] =	ssyncadd.s32 $0xFFFFFF80  }
0x245: {  	_ =	swait.ge [sflag:s21], $0x80  }
0x246: {  	[sflag:s21] =	ssyncset.done $0x0  }
0x247: {  	[sflag:s21] =	ssyncadd.s32 $0xFFFFFF80  }
0x248: {  	_ =	swait.ge [sflag:s23], $0x80  }
0x249: {  	[sflag:s23] =	ssyncset.done $0x0  }
0x24a: {  	[sflag:s23] =	ssyncadd.s32 $0xFFFFFF80  }
0x24b: {  	_ =	swait.ge [sflag:s25], $0x80  }
0x24c: {  	[sflag:s25] =	ssyncset.done $0x0  }
0x24d: {  	[sflag:s25] =	ssyncadd.s32 $0xFFFFFF80  }
0x24e: {  	_ =	swait.ge [sflag:s26], $0x80  }
0x24f: {  	[sflag:s26] =	ssyncset.done $0x0  }
0x250: {  	[sflag:s26] =	ssyncadd.s32 $0xFFFFFF80  }
0x251: {  	_ =	swait.ge [sflag:s29], $0x80  }
0x252: {  	[sflag:s29] =	ssyncset.done $0x0  }
0x253: {  	[sflag:s29] =	ssyncadd.s32 $0xFFFFFF80  }
0x254: {  	_ =	swait.ge [sflag:s31], $0x80  }
0x255: {  	[sflag:s31] =	ssyncset.done $0x0  }
0x256: {  	[sflag:s31] =	ssyncadd.s32 $0xFFFFFF80  }
0x257: {  	_ =	sfence.sel $0x180000  }
0x258: {  	[bflag:$0x0] =	sbarrier.arrive $0xFFFF  }
0x259: {  	p0 =	sne.s32 s1, $0x0;
	_ =	strace $0x90000047  }
0x25a: {  	s0 =	sadd.s32 @!p0 $0x100000, s0;
	[bflag:$0x2] =	sbarrier.arrive $0xFFFF  }
0x25b: {  	[sflag:s0] =	ssyncadd.tile.s32 @!p0 $0x1;
	_ =	shalt  }
.Lfunc_end2:
_tile_overlayer_lowered:
.L_overlay_start_2:
0x25c: {  	(tag) =	ssettag $0x2  }
0x25d: {  	s0 =	rddreg [dreg:$0x0];
	s2 =	stileid.u32  }
0x25e: {  	s1 =	rddreg [dreg:$0x1];
	p0 =	sne.s32 s2, $0x0  }
0x25f: {  	s3 =	rddreg [dreg:$0x2];
	[bflag:$0x3] =	sbarrier.arrive $0xFFFF;
	s2 =	simm.s32 @!p0 $0x1C0B  }
0x260: {  	[timem:s3], [sflag:s2] =	dma.local @!p0 [hbm:s0], s1  }
0x261: {  	s0 =	simm.s32 @!p0 $0xB  }
0x262: {  	_ =	swait.ge @!p0 [sflag:s0], s1  }
0x263: {  	s1 =	ssub.s32 @!p0 $0x0, s1;
	[sflag:s0] =	ssyncset.done @!p0 $0x0  }
0x264: {  	[sflag:s0] =	ssyncadd.s32 @!p0 s1  }
0x265: {  	[bflag:$0x3] =	sbarrier.arrive $0xFFFF  }
0x266: {  	_ =	shalt  }

</sc_bundles>
